<compile_context>
chip_gen: v7x
topology: tpu7x:2x2x1
jax: 0.10.2.dev20260603
libtpu: 0.0.44.dev20260713+nightly
codegen_flags: <defaults>
</compile_context>

<pallas_src>
import functools

import jax
import jax.numpy as jnp
from jax import lax
from jax.experimental import pallas as pl
from jax.experimental.pallas import tpu as pltpu
from jax.experimental.pallas import tpu_sc as plsc

N_NODES = 10000
D = 128
NC = 2
NS = 16
N_TILES = NC * NS
E_CHUNK = 128
IDX_GRP = 40

N_PAD = 10240
ROWS_PER_TILE = N_PAD // NS
N_SUB = ROWS_PER_TILE // E_CHUNK

ROW_BLK = 1000



def _sc_agg_body(nc0, nc1, h_hbm, src_hbm, dst_hbm, z_hbm, out_hbm,
                 src_v, dst_v, rows0, rows1, acc_sh, g0, g1):
    c = lax.axis_index("c")
    s = lax.axis_index("s")
    n_my = jnp.where(c == 0, nc0, nc1)
    tile_base = jnp.where(c == 0, s * nc0, NS * nc0 + s * nc1)

    pltpu.sync_copy(z_hbm, rows0)
    for k in range(N_SUB):
        pltpu.sync_copy(
            rows0, acc_sh.at[pl.ds(s * ROWS_PER_TILE + k * E_CHUNK, E_CHUNK)])
    plsc.subcore_barrier()

    def gather_start(j, buf, sem):
        pltpu.make_async_copy(h_hbm.at[src_v.at[j]], buf, sem).start()

    def gather_wait(j, buf, sem):
        pltpu.make_async_copy(h_hbm.at[src_v.at[j]], buf, sem).wait()

    def scat(j, buf):
        pltpu.sync_copy(buf, acc_sh.at[dst_v.at[j]], add=True)

    @pl.loop(0, n_my // IDX_GRP)
    def _(g):
        base = pl.multiple_of(tile_base + g * IDX_GRP, 8)
        pltpu.sync_copy(src_hbm.at[pl.ds(base, IDX_GRP)], src_v)
        pltpu.sync_copy(dst_hbm.at[pl.ds(base, IDX_GRP)], dst_v)

        gather_start(0, rows0, g0)

        @pl.loop(0, IDX_GRP - 2, step=2)
        def _(jj):
            gather_wait(jj, rows0, g0)
            gather_start(jj + 1, rows1, g1)
            scat(jj, rows0)
            gather_wait(jj + 1, rows1, g1)
            gather_start(jj + 2, rows0, g0)
            scat(jj + 1, rows1)

        gather_wait(IDX_GRP - 2, rows0, g0)
        gather_start(IDX_GRP - 1, rows1, g1)
        scat(IDX_GRP - 2, rows0)
        gather_wait(IDX_GRP - 1, rows1, g1)
        scat(IDX_GRP - 1, rows1)

    plsc.subcore_barrier()
    for k in range(N_SUB):
        sl = pl.ds(s * ROWS_PER_TILE + k * E_CHUNK, E_CHUNK)
        pltpu.sync_copy(acc_sh.at[sl], rows0)
        pltpu.sync_copy(rows0, out_hbm.at[c, sl])


def _sc_aggregate(h, srcs2d, dsts2d, nc0, nc1):
    mesh = plsc.VectorSubcoreMesh(core_axis_name="c", subcore_axis_name="s")
    kern = pl.kernel(
        functools.partial(_sc_agg_body, nc0, nc1),
        out_type=jax.ShapeDtypeStruct((NC, N_PAD, D), jnp.float32),
        mesh=mesh,
        scratch_types=[
            pltpu.VMEM((IDX_GRP, E_CHUNK), jnp.int32),
            pltpu.VMEM((IDX_GRP, E_CHUNK), jnp.int32),
            pltpu.VMEM((E_CHUNK, D), jnp.float32),
            pltpu.VMEM((E_CHUNK, D), jnp.float32),
            pltpu.VMEM_SHARED((N_PAD, D), jnp.float32),
            pltpu.SemaphoreType.DMA,
            pltpu.SemaphoreType.DMA,
        ],
    )
    return kern(h, srcs2d, dsts2d, jnp.zeros((E_CHUNK, D), jnp.float32))


def _sc_hist_body(n_chunks, dst_hbm, z_hbm, ones_hbm, out_hbm,
                  dst_v, ones_v, hist_sh):
    c = lax.axis_index("c")
    s = lax.axis_index("s")
    w = c * NS + s

    pltpu.sync_copy(z_hbm, ones_v)
    for k in range(N_SUB):
        pltpu.sync_copy(
            ones_v, hist_sh.at[pl.ds(s * ROWS_PER_TILE + k * E_CHUNK, E_CHUNK)])
    pltpu.sync_copy(ones_hbm, ones_v)
    plsc.subcore_barrier()

    @pl.loop(0, n_chunks // IDX_GRP)
    def _(g):
        base = pl.multiple_of(w * n_chunks + g * IDX_GRP, 8)
        pltpu.sync_copy(dst_hbm.at[pl.ds(base, IDX_GRP)], dst_v)

        @pl.loop(0, IDX_GRP)
        def _(j):
            pltpu.sync_copy(ones_v, hist_sh.at[dst_v.at[j]], add=True)

    plsc.subcore_barrier()
    for k in range(N_SUB):
        sl = pl.ds(s * ROWS_PER_TILE + k * E_CHUNK, E_CHUNK)
        pltpu.sync_copy(hist_sh.at[sl], ones_v)
        pltpu.sync_copy(ones_v, out_hbm.at[c, sl])


def _sc_hist(dsts2d):
    n_chunks = dsts2d.shape[0] // N_TILES
    mesh = plsc.VectorSubcoreMesh(core_axis_name="c", subcore_axis_name="s")
    kern = pl.kernel(
        functools.partial(_sc_hist_body, n_chunks),
        out_type=jax.ShapeDtypeStruct((NC, N_PAD, D), jnp.float32),
        mesh=mesh,
        scratch_types=[
            pltpu.VMEM((IDX_GRP, E_CHUNK), jnp.int32),
            pltpu.VMEM((E_CHUNK, D), jnp.float32),
            pltpu.VMEM_SHARED((N_PAD, D), jnp.float32),
        ],
    )
    return kern(dsts2d, jnp.zeros((E_CHUNK, D), jnp.float32),
                jnp.ones((E_CHUNK, D), jnp.float32))



def _mm2_body(x_ref, wl_ref, wr_ref, h_ref, r_ref):
    xb = x_ref[...]
    h_ref[...] = jnp.dot(xb, wl_ref[...], preferred_element_type=jnp.float32)
    r_ref[...] = jnp.dot(xb, wr_ref[...], preferred_element_type=jnp.float32)


def _tc_transform(a, WlT, WrT):
    grid = (N_NODES // ROW_BLK,)
    return pl.pallas_call(
        _mm2_body,
        grid=grid,
        in_specs=[
            pl.BlockSpec((ROW_BLK, D), lambda i: (i, 0)),
            pl.BlockSpec((D, D), lambda i: (0, 0)),
            pl.BlockSpec((D, D), lambda i: (0, 0)),
        ],
        out_specs=[
            pl.BlockSpec((ROW_BLK, D), lambda i: (i, 0)),
            pl.BlockSpec((ROW_BLK, D), lambda i: (i, 0)),
        ],
        out_shape=[jax.ShapeDtypeStruct((N_NODES, D), jnp.float32)] * 2,
    )(a, WlT, WrT)


def _mid_body(agg_ref, hist_ref, r_ref, b_ref, wl_ref, wr_ref, h_ref, r2_ref):
    cnt = hist_ref[0][:, :1] + hist_ref[1][:, :1]
    inv = 1.0 / jnp.maximum(cnt, 1.0)
    mean = (agg_ref[0] + agg_ref[1]) * inv
    a1 = jnp.maximum(mean + r_ref[...] + b_ref[...], 0.0)
    h_ref[...] = jnp.dot(a1, wl_ref[...], preferred_element_type=jnp.float32)
    r2_ref[...] = jnp.dot(a1, wr_ref[...], preferred_element_type=jnp.float32)


def _tc_mid(agg, hist, r, b, WlT, WrT):
    grid = (N_NODES // ROW_BLK,)
    return pl.pallas_call(
        _mid_body,
        grid=grid,
        in_specs=[
            pl.BlockSpec((NC, ROW_BLK, D), lambda i: (0, i, 0)),
            pl.BlockSpec((NC, ROW_BLK, D), lambda i: (0, i, 0)),
            pl.BlockSpec((ROW_BLK, D), lambda i: (i, 0)),
            pl.BlockSpec((1, D), lambda i: (0, 0)),
            pl.BlockSpec((D, D), lambda i: (0, 0)),
            pl.BlockSpec((D, D), lambda i: (0, 0)),
        ],
        out_specs=[
            pl.BlockSpec((ROW_BLK, D), lambda i: (i, 0)),
            pl.BlockSpec((ROW_BLK, D), lambda i: (i, 0)),
        ],
        out_shape=[jax.ShapeDtypeStruct((N_NODES, D), jnp.float32)] * 2,
    )(agg, hist, r, b, WlT, WrT)


def _final_body(agg_ref, hist_ref, r_ref, b_ref, out_ref):
    cnt = hist_ref[0][:, :1] + hist_ref[1][:, :1]
    inv = 1.0 / jnp.maximum(cnt, 1.0)
    out_ref[...] = (agg_ref[0] + agg_ref[1]) * inv + r_ref[...] + b_ref[...]


def _tc_final(agg, hist, r, b):
    grid = (N_NODES // ROW_BLK,)
    return pl.pallas_call(
        _final_body,
        grid=grid,
        in_specs=[
            pl.BlockSpec((NC, ROW_BLK, D), lambda i: (0, i, 0)),
            pl.BlockSpec((NC, ROW_BLK, D), lambda i: (0, i, 0)),
            pl.BlockSpec((ROW_BLK, D), lambda i: (i, 0)),
            pl.BlockSpec((1, D), lambda i: (0, 0)),
        ],
        out_specs=pl.BlockSpec((ROW_BLK, D), lambda i: (i, 0)),
        out_shape=jax.ShapeDtypeStruct((N_NODES, D), jnp.float32),
    )(agg, hist, r, b)



def kernel(x, edge_index, W_l0, b_l0, W_r0, W_l1, b_l1, W_r1):
    e = edge_index.shape[1]
    n_chunks = -(-e // (N_TILES * E_CHUNK))
    n_chunks = -(-n_chunks // 8) * 8
    e_pad = n_chunks * N_TILES * E_CHUNK

    src = jnp.pad(edge_index[0].astype(jnp.int32), (0, e_pad - e))
    dst = jnp.pad(edge_index[1].astype(jnp.int32), (0, e_pad - e),
                  constant_values=N_NODES)
    srcs2d = src.reshape(-1, E_CHUNK)
    dsts2d = dst.reshape(-1, E_CHUNK)

    b0 = b_l0.reshape(1, D)
    b1 = b_l1.reshape(1, D)

    per_pair = 2 * n_chunks
    nc0 = (per_pair * 3 // 4) // IDX_GRP * IDX_GRP
    nc1 = per_pair - nc0

    h0, r0 = _tc_transform(x, W_l0.T, W_r0.T)
    agg0 = _sc_aggregate(h0, srcs2d, dsts2d, nc0, nc1)
    hist = _sc_hist(dsts2d)
    h1, r1 = _tc_mid(agg0, hist, r0, b0, W_l1.T, W_r1.T)
    agg1 = _sc_aggregate(h1, srcs2d, dsts2d, nc0, nc1)
    out = _tc_final(agg1, hist, r1, b1)
    return out

# --- scband reference (transcript-rebuilt; emitter-appended) ---
"""Pipeline reference for scband-sage-17463337025713 (READ-ONLY COPY).

The authoritative reference and input builder live on the scoring server;
editing this copy changes nothing except your own understanding.
"""

import jax, jax.numpy as jnp
import numpy as np

N_NODES = 10000
N_EDGES = 320000
D_IN = 128
D_HID = 128
D_OUT = 128


def setup_inputs(seed: int = 0) -> dict:
    key = jax.random.key(seed)
    ks = jax.random.split(key, 8)
    x = jax.random.normal(ks[0], (N_NODES, D_IN), dtype=jnp.float32)
    edge_index = jax.random.randint(ks[1], (2, N_EDGES), 0, N_NODES, dtype=jnp.int64 if jax.config.jax_enable_x64 else jnp.int32).astype(jnp.int32)
    # Layer 0: SAGEConv(D_IN -> D_HID), PyG: lin_l has bias, lin_r has no bias
    s0 = 1.0 / np.sqrt(D_IN)
    W_l0 = jax.random.uniform(ks[2], (D_HID, D_IN), minval=-s0, maxval=s0, dtype=jnp.float32)
    b_l0 = jnp.zeros((D_HID,), dtype=jnp.float32)
    W_r0 = jax.random.uniform(ks[3], (D_HID, D_IN), minval=-s0, maxval=s0, dtype=jnp.float32)
    # Layer 1 (output): SAGEConv(D_HID -> D_OUT)
    s1 = 1.0 / np.sqrt(D_HID)
    W_l1 = jax.random.uniform(ks[4], (D_OUT, D_HID), minval=-s1, maxval=s1, dtype=jnp.float32)
    b_l1 = jnp.zeros((D_OUT,), dtype=jnp.float32)
    W_r1 = jax.random.uniform(ks[5], (D_OUT, D_HID), minval=-s1, maxval=s1, dtype=jnp.float32)
    return {"x": x, "edge_index": edge_index, "W_l0": W_l0, "b_l0": b_l0, "W_r0": W_r0, "W_l1": W_l1, "b_l1": b_l1, "W_r1": W_r1}


def _sage_conv(a, edge_index, W_l, b_l, W_r):
    # matmul(adj, a, reduce='mean'): mean over incoming neighbors per dst row
    src = edge_index[0]
    dst = edge_index[1]
    msgs = jnp.take(a, src, axis=0)
    agg = jax.ops.segment_sum(msgs, dst, num_segments=N_NODES)
    cnt = jax.ops.segment_sum(jnp.ones((msgs.shape[0],), dtype=a.dtype), dst, num_segments=N_NODES)
    mean = agg / jnp.maximum(cnt, 1.0)[:, None]
    a_l = mean @ W_l.T + b_l
    a_r = a @ W_r.T
    return a_l + a_r


def reference(x, edge_index, W_l0, b_l0, W_r0, W_l1, b_l1, W_r1):
    # eval mode: dropout (p=0.2) is identity; chunking over rows is a memory
    # optimization that does not change the math, so we compute full layers.
    a = x
    a = _sage_conv(a, edge_index, W_l0, b_l0, W_r0)
    a = jax.nn.relu(a)  # not last layer
    a = _sage_conv(a, edge_index, W_l1, b_l1, W_r1)  # last layer: no relu
    return a

if __name__ == "__main__":
    import jax
    _d = setup_inputs()
    print(jax.jit(kernel)(*tuple(_d.values())))

</pallas_src>

<mosaic_0001>
#map = affine_map<(d0, d1) -> (0, 0)>
#map1 = affine_map<(d0, d1) -> (0, 0, 0)>
module attributes {stable_mosaic.version = 14 : i64} {
  func.func @_sc_agg_body(%arg0: i32, %arg1: i32, %arg2: memref<10000x128xf32, #tpu.memory_space<hbm>>, %arg3: memref<2560x128xi32, #tpu.memory_space<hbm>>, %arg4: memref<2560x128xi32, #tpu.memory_space<hbm>>, %arg5: memref<128x128xf32, #tpu.memory_space<hbm>>, %arg6: memref<2x10240x128xf32, #tpu.memory_space<hbm>>, %arg7: memref<40x128xi32, #tpu.memory_space<vmem>>, %arg8: memref<40x128xi32, #tpu.memory_space<vmem>>, %arg9: memref<128x128xf32, #tpu.memory_space<vmem>>, %arg10: memref<128x128xf32, #tpu.memory_space<vmem>>, %arg11: memref<10240x128xf32, #tpu.memory_space<vmem_shared>>, %arg12: memref<!tpu.dma_semaphore, #tpu.memory_space<semaphore_mem>>, %arg13: memref<!tpu.dma_semaphore, #tpu.memory_space<semaphore_mem>>) attributes {dimension_semantics = [#tpu.dimension_semantics<core_parallel>, #tpu.dimension_semantics<subcore_parallel>], iteration_bounds = array<i64: 2, 16>, scalar_prefetch = 0 : i64, scratch_operands = 7 : i64, tpu.core_type = #tpu.core_type<sc_vector_subcore>, window_params = [{transform_indices = #map}, {transform_indices = #map}, {transform_indices = #map}, {transform_indices = #map}, {transform_indices = #map1}]} {
    %eq3A = arith.constant 0 : i32
    %eq3A_0 = arith.cmpi eq, %arg0, %eq3A : i32
    %jit3A = arith.constant 120 : i32
    %jit3A_1 = arith.constant 40 : i32
    %select_n3A = arith.select %eq3A_0, %jit3A, %jit3A_1 : i32
    %eq3A_2 = arith.constant 0 : i32
    %eq3A_3 = arith.cmpi eq, %arg0, %eq3A_2 : i32
    %mul3A = arith.constant 120 : i32
    %mul3A_4 = arith.muli %arg1, %mul3A : i32
    %mul3A_5 = arith.constant 40 : i32
    %mul3A_6 = arith.muli %arg1, %mul3A_5 : i32
    %add3A = arith.constant 1920 : i32
    %add3A_7 = arith.addi %add3A, %mul3A_6 : i32
    %select_n3A_8 = arith.select %eq3A_3, %mul3A_4, %add3A_7 : i32
    "tpu.region"() ({
      %run_scoped3A = tpu.sem_alloc : memref<!tpu.dma_semaphore, #tpu.memory_space<semaphore_mem>>
      tpu.enqueue_dma source(%arg5 : memref<128x128xf32, #tpu.memory_space<hbm>>) target(%arg9 : memref<128x128xf32, #tpu.memory_space<vmem>>) target_semaphore(%run_scoped3A : memref<!tpu.dma_semaphore, #tpu.memory_space<semaphore_mem>>)
      tpu.wait_dma2 semaphore(%run_scoped3A : memref<!tpu.dma_semaphore, #tpu.memory_space<semaphore_mem>>) src(%arg5 : memref<128x128xf32, #tpu.memory_space<hbm>>) dst(%arg9 : memref<128x128xf32, #tpu.memory_space<vmem>>)
      tpu.yield
    }) : () -> ()
    %mul3A_9 = arith.constant 640 : i32
    %mul3A_10 = arith.muli %arg1, %mul3A_9 : i32
    %add3A_11 = arith.constant 0 : i32
    %add3A_12 = arith.addi %mul3A_10, %add3A_11 : i32
    "tpu.region"() ({
      %run_scoped3A = tpu.sem_alloc : memref<!tpu.dma_semaphore, #tpu.memory_space<semaphore_mem>>
      %dma_start3A = arith.constant 0 : i32
      %dma_start3A_86 = tpu.memref_slice %arg11[%add3A_12, %dma_start3A] : memref<10240x128xf32, #tpu.memory_space<vmem_shared>> -> memref<128x128xf32, #tpu.memory_space<vmem_shared>>
      %dma_start3A_87 = arith.constant 0 : i32
      %dma_start3A_88 = tpu.memref_slice %arg11[%add3A_12, %dma_start3A_87] : memref<10240x128xf32, #tpu.memory_space<vmem_shared>> -> memref<128x128xf32, #tpu.memory_space<vmem_shared>>
      tpu.enqueue_dma source(%arg9 : memref<128x128xf32, #tpu.memory_space<vmem>>) target(%dma_start3A_88 : memref<128x128xf32, #tpu.memory_space<vmem_shared>>) target_semaphore(%run_scoped3A : memref<!tpu.dma_semaphore, #tpu.memory_space<semaphore_mem>>)
      %dma_wait3A = arith.constant 0 : i32
      %dma_wait3A_89 = tpu.memref_slice %arg11[%add3A_12, %dma_wait3A] : memref<10240x128xf32, #tpu.memory_space<vmem_shared>> -> memref<128x128xf32, #tpu.memory_space<vmem_shared>>
      %dma_wait3A_90 = arith.constant 0 : i32
      %dma_wait3A_91 = tpu.memref_slice %arg11[%add3A_12, %dma_wait3A_90] : memref<10240x128xf32, #tpu.memory_space<vmem_shared>> -> memref<128x128xf32, #tpu.memory_space<vmem_shared>>
      tpu.wait_dma2 semaphore(%run_scoped3A : memref<!tpu.dma_semaphore, #tpu.memory_space<semaphore_mem>>) src(%arg9 : memref<128x128xf32, #tpu.memory_space<vmem>>) dst(%dma_wait3A_91 : memref<128x128xf32, #tpu.memory_space<vmem_shared>>)
      tpu.yield
    }) : () -> ()
    %mul3A_13 = arith.constant 640 : i32
    %mul3A_14 = arith.muli %arg1, %mul3A_13 : i32
    %add3A_15 = arith.constant 128 : i32
    %add3A_16 = arith.addi %mul3A_14, %add3A_15 : i32
    "tpu.region"() ({
      %run_scoped3A = tpu.sem_alloc : memref<!tpu.dma_semaphore, #tpu.memory_space<semaphore_mem>>
      %dma_start3A = arith.constant 0 : i32
      %dma_start3A_86 = tpu.memref_slice %arg11[%add3A_16, %dma_start3A] : memref<10240x128xf32, #tpu.memory_space<vmem_shared>> -> memref<128x128xf32, #tpu.memory_space<vmem_shared>>
      %dma_start3A_87 = arith.constant 0 : i32
      %dma_start3A_88 = tpu.memref_slice %arg11[%add3A_16, %dma_start3A_87] : memref<10240x128xf32, #tpu.memory_space<vmem_shared>> -> memref<128x128xf32, #tpu.memory_space<vmem_shared>>
      tpu.enqueue_dma source(%arg9 : memref<128x128xf32, #tpu.memory_space<vmem>>) target(%dma_start3A_88 : memref<128x128xf32, #tpu.memory_space<vmem_shared>>) target_semaphore(%run_scoped3A : memref<!tpu.dma_semaphore, #tpu.memory_space<semaphore_mem>>)
      %dma_wait3A = arith.constant 0 : i32
      %dma_wait3A_89 = tpu.memref_slice %arg11[%add3A_16, %dma_wait3A] : memref<10240x128xf32, #tpu.memory_space<vmem_shared>> -> memref<128x128xf32, #tpu.memory_space<vmem_shared>>
      %dma_wait3A_90 = arith.constant 0 : i32
      %dma_wait3A_91 = tpu.memref_slice %arg11[%add3A_16, %dma_wait3A_90] : memref<10240x128xf32, #tpu.memory_space<vmem_shared>> -> memref<128x128xf32, #tpu.memory_space<vmem_shared>>
      tpu.wait_dma2 semaphore(%run_scoped3A : memref<!tpu.dma_semaphore, #tpu.memory_space<semaphore_mem>>) src(%arg9 : memref<128x128xf32, #tpu.memory_space<vmem>>) dst(%dma_wait3A_91 : memref<128x128xf32, #tpu.memory_space<vmem_shared>>)
      tpu.yield
    }) : () -> ()
    %mul3A_17 = arith.constant 640 : i32
    %mul3A_18 = arith.muli %arg1, %mul3A_17 : i32
    %add3A_19 = arith.constant 256 : i32
    %add3A_20 = arith.addi %mul3A_18, %add3A_19 : i32
    "tpu.region"() ({
      %run_scoped3A = tpu.sem_alloc : memref<!tpu.dma_semaphore, #tpu.memory_space<semaphore_mem>>
      %dma_start3A = arith.constant 0 : i32
      %dma_start3A_86 = tpu.memref_slice %arg11[%add3A_20, %dma_start3A] : memref<10240x128xf32, #tpu.memory_space<vmem_shared>> -> memref<128x128xf32, #tpu.memory_space<vmem_shared>>
      %dma_start3A_87 = arith.constant 0 : i32
      %dma_start3A_88 = tpu.memref_slice %arg11[%add3A_20, %dma_start3A_87] : memref<10240x128xf32, #tpu.memory_space<vmem_shared>> -> memref<128x128xf32, #tpu.memory_space<vmem_shared>>
      tpu.enqueue_dma source(%arg9 : memref<128x128xf32, #tpu.memory_space<vmem>>) target(%dma_start3A_88 : memref<128x128xf32, #tpu.memory_space<vmem_shared>>) target_semaphore(%run_scoped3A : memref<!tpu.dma_semaphore, #tpu.memory_space<semaphore_mem>>)
      %dma_wait3A = arith.constant 0 : i32
      %dma_wait3A_89 = tpu.memref_slice %arg11[%add3A_20, %dma_wait3A] : memref<10240x128xf32, #tpu.memory_space<vmem_shared>> -> memref<128x128xf32, #tpu.memory_space<vmem_shared>>
      %dma_wait3A_90 = arith.constant 0 : i32
      %dma_wait3A_91 = tpu.memref_slice %arg11[%add3A_20, %dma_wait3A_90] : memref<10240x128xf32, #tpu.memory_space<vmem_shared>> -> memref<128x128xf32, #tpu.memory_space<vmem_shared>>
      tpu.wait_dma2 semaphore(%run_scoped3A : memref<!tpu.dma_semaphore, #tpu.memory_space<semaphore_mem>>) src(%arg9 : memref<128x128xf32, #tpu.memory_space<vmem>>) dst(%dma_wait3A_91 : memref<128x128xf32, #tpu.memory_space<vmem_shared>>)
      tpu.yield
    }) : () -> ()
    %mul3A_21 = arith.constant 640 : i32
    %mul3A_22 = arith.muli %arg1, %mul3A_21 : i32
    %add3A_23 = arith.constant 384 : i32
    %add3A_24 = arith.addi %mul3A_22, %add3A_23 : i32
    "tpu.region"() ({
      %run_scoped3A = tpu.sem_alloc : memref<!tpu.dma_semaphore, #tpu.memory_space<semaphore_mem>>
      %dma_start3A = arith.constant 0 : i32
      %dma_start3A_86 = tpu.memref_slice %arg11[%add3A_24, %dma_start3A] : memref<10240x128xf32, #tpu.memory_space<vmem_shared>> -> memref<128x128xf32, #tpu.memory_space<vmem_shared>>
      %dma_start3A_87 = arith.constant 0 : i32
      %dma_start3A_88 = tpu.memref_slice %arg11[%add3A_24, %dma_start3A_87] : memref<10240x128xf32, #tpu.memory_space<vmem_shared>> -> memref<128x128xf32, #tpu.memory_space<vmem_shared>>
      tpu.enqueue_dma source(%arg9 : memref<128x128xf32, #tpu.memory_space<vmem>>) target(%dma_start3A_88 : memref<128x128xf32, #tpu.memory_space<vmem_shared>>) target_semaphore(%run_scoped3A : memref<!tpu.dma_semaphore, #tpu.memory_space<semaphore_mem>>)
      %dma_wait3A = arith.constant 0 : i32
      %dma_wait3A_89 = tpu.memref_slice %arg11[%add3A_24, %dma_wait3A] : memref<10240x128xf32, #tpu.memory_space<vmem_shared>> -> memref<128x128xf32, #tpu.memory_space<vmem_shared>>
      %dma_wait3A_90 = arith.constant 0 : i32
      %dma_wait3A_91 = tpu.memref_slice %arg11[%add3A_24, %dma_wait3A_90] : memref<10240x128xf32, #tpu.memory_space<vmem_shared>> -> memref<128x128xf32, #tpu.memory_space<vmem_shared>>
      tpu.wait_dma2 semaphore(%run_scoped3A : memref<!tpu.dma_semaphore, #tpu.memory_space<semaphore_mem>>) src(%arg9 : memref<128x128xf32, #tpu.memory_space<vmem>>) dst(%dma_wait3A_91 : memref<128x128xf32, #tpu.memory_space<vmem_shared>>)
      tpu.yield
    }) : () -> ()
    %mul3A_25 = arith.constant 640 : i32
    %mul3A_26 = arith.muli %arg1, %mul3A_25 : i32
    %add3A_27 = arith.constant 512 : i32
    %add3A_28 = arith.addi %mul3A_26, %add3A_27 : i32
    "tpu.region"() ({
      %run_scoped3A = tpu.sem_alloc : memref<!tpu.dma_semaphore, #tpu.memory_space<semaphore_mem>>
      %dma_start3A = arith.constant 0 : i32
      %dma_start3A_86 = tpu.memref_slice %arg11[%add3A_28, %dma_start3A] : memref<10240x128xf32, #tpu.memory_space<vmem_shared>> -> memref<128x128xf32, #tpu.memory_space<vmem_shared>>
      %dma_start3A_87 = arith.constant 0 : i32
      %dma_start3A_88 = tpu.memref_slice %arg11[%add3A_28, %dma_start3A_87] : memref<10240x128xf32, #tpu.memory_space<vmem_shared>> -> memref<128x128xf32, #tpu.memory_space<vmem_shared>>
      tpu.enqueue_dma source(%arg9 : memref<128x128xf32, #tpu.memory_space<vmem>>) target(%dma_start3A_88 : memref<128x128xf32, #tpu.memory_space<vmem_shared>>) target_semaphore(%run_scoped3A : memref<!tpu.dma_semaphore, #tpu.memory_space<semaphore_mem>>)
      %dma_wait3A = arith.constant 0 : i32
      %dma_wait3A_89 = tpu.memref_slice %arg11[%add3A_28, %dma_wait3A] : memref<10240x128xf32, #tpu.memory_space<vmem_shared>> -> memref<128x128xf32, #tpu.memory_space<vmem_shared>>
      %dma_wait3A_90 = arith.constant 0 : i32
      %dma_wait3A_91 = tpu.memref_slice %arg11[%add3A_28, %dma_wait3A_90] : memref<10240x128xf32, #tpu.memory_space<vmem_shared>> -> memref<128x128xf32, #tpu.memory_space<vmem_shared>>
      tpu.wait_dma2 semaphore(%run_scoped3A : memref<!tpu.dma_semaphore, #tpu.memory_space<semaphore_mem>>) src(%arg9 : memref<128x128xf32, #tpu.memory_space<vmem>>) dst(%dma_wait3A_91 : memref<128x128xf32, #tpu.memory_space<vmem_shared>>)
      tpu.yield
    }) : () -> ()
    %barrier3A = arith.constant 0 : index
    tpu.barrier barrier_id(%barrier3A)
    %jit3A_29 = arith.constant 40 : i32
    %div3A = arith.divsi %select_n3A, %jit3A_29 : i32
    %sign3A = arith.constant 0 : i32
    %sign3A_30 = arith.cmpi sgt, %select_n3A, %sign3A : i32
    %sign3A_31 = arith.extui %sign3A_30 : i1 to i32
    %sign3A_32 = arith.constant 0 : i32
    %sign3A_33 = arith.cmpi slt, %select_n3A, %sign3A_32 : i32
    %sign3A_34 = arith.extui %sign3A_33 : i1 to i32
    %sign3A_35 = arith.subi %sign3A_31, %sign3A_34 : i32
    %sign3A_36 = arith.constant 0 : i32
    %sign3A_37 = arith.cmpi sgt, %jit3A_29, %sign3A_36 : i32
    %sign3A_38 = arith.extui %sign3A_37 : i1 to i32
    %sign3A_39 = arith.constant 0 : i32
    %sign3A_40 = arith.cmpi slt, %jit3A_29, %sign3A_39 : i32
    %sign3A_41 = arith.extui %sign3A_40 : i1 to i32
    %sign3A_42 = arith.subi %sign3A_38, %sign3A_41 : i32
    %ne3A = arith.cmpi ne, %sign3A_35, %sign3A_42 : i32
    %rem3A = arith.remsi %select_n3A, %jit3A_29 : i32
    %ne3A_43 = arith.constant 0 : i32
    %ne3A_44 = arith.cmpi ne, %rem3A, %ne3A_43 : i32
    %and3A = arith.andi %ne3A, %ne3A_44 : i1
    %sub3A = arith.constant 1 : i32
    %sub3A_45 = arith.subi %div3A, %sub3A : i32
    %select_n3A_46 = arith.select %and3A, %sub3A_45, %div3A : i32
    %sub3A_47 = arith.constant 0 : i32
    %sub3A_48 = arith.subi %select_n3A_46, %sub3A_47 : i32
    %sub3A_49 = arith.constant 1 : i32
    %sub3A_50 = arith.constant 1 : i32
    %sub3A_51 = arith.subi %sub3A_49, %sub3A_50 : i32
    %add3A_52 = arith.addi %sub3A_48, %sub3A_51 : i32
    %div3A_53 = arith.constant 1 : i32
    %div3A_54 = arith.divsi %add3A_52, %div3A_53 : i32
    %while3A = arith.constant 1 : i32
    %while3A_55 = arith.constant 0 : i32
    %while3A_56 = arith.constant 0 : i32
    %while3A_57 = arith.subi %div3A_54, %while3A_56 : i32
    %while3A_58 = arith.addi %while3A_56, %while3A_57 : i32
    %while3A_59 = arith.constant 1 : i32
    %while3A_60 = arith.divsi %while3A_57, %while3A_59 : i32
    %while3A_61 = arith.muli %while3A_60, %while3A_59 : i32
    %while3A_62 = arith.addi %while3A_56, %while3A_61 : i32
    %while3A_63 = arith.constant 1 : i32
    scf.for %while3A_86 = %while3A_56 to %while3A_62 step %while3A_63  : i32 {
      %mul3A_87 = arith.muli %while3A_86, %while3A : i32
      %add3A_88 = arith.addi %while3A_55, %mul3A_87 : i32
      %mul3A_89 = arith.constant 40 : i32
      %mul3A_90 = arith.muli %add3A_88, %mul3A_89 : i32
      %add3A_91 = arith.addi %select_n3A_8, %mul3A_90 : i32
      %multiple_of3A = tpu.assume_multiple %add3A_91, 8 : i32
      "tpu.region"() ({
        %run_scoped3A_123 = tpu.sem_alloc : memref<!tpu.dma_semaphore, #tpu.memory_space<semaphore_mem>>
        %dma_start3A_124 = arith.constant 0 : i32
        %dma_start3A_125 = tpu.memref_slice %arg3[%multiple_of3A, %dma_start3A_124] : memref<2560x128xi32, #tpu.memory_space<hbm>> -> memref<40x128xi32, #tpu.memory_space<hbm>>
        %dma_start3A_126 = arith.constant 0 : i32
        %dma_start3A_127 = tpu.memref_slice %arg3[%multiple_of3A, %dma_start3A_126] : memref<2560x128xi32, #tpu.memory_space<hbm>> -> memref<40x128xi32, #tpu.memory_space<hbm>>
        tpu.enqueue_dma source(%dma_start3A_127 : memref<40x128xi32, #tpu.memory_space<hbm>>) target(%arg7 : memref<40x128xi32, #tpu.memory_space<vmem>>) target_semaphore(%run_scoped3A_123 : memref<!tpu.dma_semaphore, #tpu.memory_space<semaphore_mem>>)
        %dma_wait3A_128 = arith.constant 0 : i32
        %dma_wait3A_129 = tpu.memref_slice %arg3[%multiple_of3A, %dma_wait3A_128] : memref<2560x128xi32, #tpu.memory_space<hbm>> -> memref<40x128xi32, #tpu.memory_space<hbm>>
        %dma_wait3A_130 = arith.constant 0 : i32
        %dma_wait3A_131 = tpu.memref_slice %arg3[%multiple_of3A, %dma_wait3A_130] : memref<2560x128xi32, #tpu.memory_space<hbm>> -> memref<40x128xi32, #tpu.memory_space<hbm>>
        tpu.wait_dma2 semaphore(%run_scoped3A_123 : memref<!tpu.dma_semaphore, #tpu.memory_space<semaphore_mem>>) src(%dma_wait3A_131 : memref<40x128xi32, #tpu.memory_space<hbm>>) dst(%arg7 : memref<40x128xi32, #tpu.memory_space<vmem>>)
        tpu.yield
      }) : () -> ()
      "tpu.region"() ({
        %run_scoped3A_123 = tpu.sem_alloc : memref<!tpu.dma_semaphore, #tpu.memory_space<semaphore_mem>>
        %dma_start3A_124 = arith.constant 0 : i32
        %dma_start3A_125 = tpu.memref_slice %arg4[%multiple_of3A, %dma_start3A_124] : memref<2560x128xi32, #tpu.memory_space<hbm>> -> memref<40x128xi32, #tpu.memory_space<hbm>>
        %dma_start3A_126 = arith.constant 0 : i32
        %dma_start3A_127 = tpu.memref_slice %arg4[%multiple_of3A, %dma_start3A_126] : memref<2560x128xi32, #tpu.memory_space<hbm>> -> memref<40x128xi32, #tpu.memory_space<hbm>>
        tpu.enqueue_dma source(%dma_start3A_127 : memref<40x128xi32, #tpu.memory_space<hbm>>) target(%arg8 : memref<40x128xi32, #tpu.memory_space<vmem>>) target_semaphore(%run_scoped3A_123 : memref<!tpu.dma_semaphore, #tpu.memory_space<semaphore_mem>>)
        %dma_wait3A_128 = arith.constant 0 : i32
        %dma_wait3A_129 = tpu.memref_slice %arg4[%multiple_of3A, %dma_wait3A_128] : memref<2560x128xi32, #tpu.memory_space<hbm>> -> memref<40x128xi32, #tpu.memory_space<hbm>>
        %dma_wait3A_130 = arith.constant 0 : i32
        %dma_wait3A_131 = tpu.memref_slice %arg4[%multiple_of3A, %dma_wait3A_130] : memref<2560x128xi32, #tpu.memory_space<hbm>> -> memref<40x128xi32, #tpu.memory_space<hbm>>
        tpu.wait_dma2 semaphore(%run_scoped3A_123 : memref<!tpu.dma_semaphore, #tpu.memory_space<semaphore_mem>>) src(%dma_wait3A_131 : memref<40x128xi32, #tpu.memory_space<hbm>>) dst(%arg8 : memref<40x128xi32, #tpu.memory_space<vmem>>)
        tpu.yield
      }) : () -> ()
      %dma_start3A = arith.constant 0 : i32
      %dma_start3A_92 = arith.constant 0 : i32
      %dma_start3A_93 = tpu.memref_slice %arg7[%dma_start3A, %dma_start3A_92] : memref<40x128xi32, #tpu.memory_space<vmem>> -> memref<1x128xi32, #tpu.memory_space<vmem>>
      %dma_start3A_94 = tpu.memref_squeeze %dma_start3A_93 : memref<1x128xi32, #tpu.memory_space<vmem>> -> memref<128xi32, #tpu.memory_space<vmem>>
      %dma_start3A_95 = arith.constant 0 : i32
      %dma_start3A_96 = arith.constant 0 : i32
      %dma_start3A_97 = tpu.memref_slice %arg2[%dma_start3A_95, %dma_start3A_96] : memref<10000x128xf32, #tpu.memory_space<hbm>> -> memref<10000x128xf32, #tpu.memory_space<hbm>>
      tpu.enqueue_indirect_dma source(%dma_start3A_97 : memref<10000x128xf32, #tpu.memory_space<hbm>>) target(%arg9 : memref<128x128xf32, #tpu.memory_space<vmem>>) offsets(%dma_start3A_94 : memref<128xi32, #tpu.memory_space<vmem>>) semaphore(%arg12 : memref<!tpu.dma_semaphore, #tpu.memory_space<semaphore_mem>>)
      %scan3A = arith.constant 0 : i32
      %scan3A_98 = arith.constant 19 : i32
      %scan3A_99 = arith.addi %scan3A, %scan3A_98 : i32
      %scan3A_100 = arith.constant 1 : i32
      scf.for %scan3A_123 = %scan3A to %scan3A_99 step %scan3A_100  : i32 {
        %mul3A_124 = arith.constant 2 : i32
        %mul3A_125 = arith.muli %scan3A_123, %mul3A_124 : i32
        %add3A_126 = arith.constant 0 : i32
        %add3A_127 = arith.addi %add3A_126, %mul3A_125 : i32
        %dma_wait3A_128 = arith.constant 0 : i32
        %dma_wait3A_129 = tpu.memref_slice %arg7[%add3A_127, %dma_wait3A_128] : memref<40x128xi32, #tpu.memory_space<vmem>> -> memref<1x128xi32, #tpu.memory_space<vmem>>
        %dma_wait3A_130 = tpu.memref_squeeze %dma_wait3A_129 : memref<1x128xi32, #tpu.memory_space<vmem>> -> memref<128xi32, #tpu.memory_space<vmem>>
        %dma_wait3A_131 = arith.constant 0 : i32
        %dma_wait3A_132 = arith.constant 0 : i32
        %dma_wait3A_133 = tpu.memref_slice %arg2[%dma_wait3A_131, %dma_wait3A_132] : memref<10000x128xf32, #tpu.memory_space<hbm>> -> memref<10000x128xf32, #tpu.memory_space<hbm>>
        tpu.wait_indirect_dma semaphore(%arg12 : memref<!tpu.dma_semaphore, #tpu.memory_space<semaphore_mem>>) src(%dma_wait3A_133 : memref<10000x128xf32, #tpu.memory_space<hbm>>) dst(%arg9 : memref<128x128xf32, #tpu.memory_space<vmem>>)
        %add3A_134 = arith.constant 1 : i32
        %add3A_135 = arith.addi %add3A_127, %add3A_134 : i32
        %dma_start3A_136 = arith.constant 0 : i32
        %dma_start3A_137 = tpu.memref_slice %arg7[%add3A_135, %dma_start3A_136] : memref<40x128xi32, #tpu.memory_space<vmem>> -> memref<1x128xi32, #tpu.memory_space<vmem>>
        %dma_start3A_138 = tpu.memref_squeeze %dma_start3A_137 : memref<1x128xi32, #tpu.memory_space<vmem>> -> memref<128xi32, #tpu.memory_space<vmem>>
        %dma_start3A_139 = arith.constant 0 : i32
        %dma_start3A_140 = arith.constant 0 : i32
        %dma_start3A_141 = tpu.memref_slice %arg2[%dma_start3A_139, %dma_start3A_140] : memref<10000x128xf32, #tpu.memory_space<hbm>> -> memref<10000x128xf32, #tpu.memory_space<hbm>>
        tpu.enqueue_indirect_dma source(%dma_start3A_141 : memref<10000x128xf32, #tpu.memory_space<hbm>>) target(%arg10 : memref<128x128xf32, #tpu.memory_space<vmem>>) offsets(%dma_start3A_138 : memref<128xi32, #tpu.memory_space<vmem>>) semaphore(%arg13 : memref<!tpu.dma_semaphore, #tpu.memory_space<semaphore_mem>>)
        "tpu.region"() ({
          %run_scoped3A_160 = tpu.sem_alloc : memref<!tpu.dma_semaphore, #tpu.memory_space<semaphore_mem>>
          %dma_start3A_161 = arith.constant 0 : i32
          %dma_start3A_162 = tpu.memref_slice %arg8[%add3A_127, %dma_start3A_161] : memref<40x128xi32, #tpu.memory_space<vmem>> -> memref<1x128xi32, #tpu.memory_space<vmem>>
          %dma_start3A_163 = tpu.memref_squeeze %dma_start3A_162 : memref<1x128xi32, #tpu.memory_space<vmem>> -> memref<128xi32, #tpu.memory_space<vmem>>
          %dma_start3A_164 = arith.constant 0 : i32
          %dma_start3A_165 = arith.constant 0 : i32
          %dma_start3A_166 = tpu.memref_slice %arg11[%dma_start3A_164, %dma_start3A_165] : memref<10240x128xf32, #tpu.memory_space<vmem_shared>> -> memref<10240x128xf32, #tpu.memory_space<vmem_shared>>
          tpu.enqueue_indirect_dma source(%arg9 : memref<128x128xf32, #tpu.memory_space<vmem>>) target(%dma_start3A_166 : memref<10240x128xf32, #tpu.memory_space<vmem_shared>>) offsets(%dma_start3A_163 : memref<128xi32, #tpu.memory_space<vmem>>) semaphore(%run_scoped3A_160 : memref<!tpu.dma_semaphore, #tpu.memory_space<semaphore_mem>>) {add = true}
          %dma_wait3A_167 = arith.constant 0 : i32
          %dma_wait3A_168 = tpu.memref_slice %arg8[%add3A_127, %dma_wait3A_167] : memref<40x128xi32, #tpu.memory_space<vmem>> -> memref<1x128xi32, #tpu.memory_space<vmem>>
          %dma_wait3A_169 = tpu.memref_squeeze %dma_wait3A_168 : memref<1x128xi32, #tpu.memory_space<vmem>> -> memref<128xi32, #tpu.memory_space<vmem>>
          %dma_wait3A_170 = arith.constant 0 : i32
          %dma_wait3A_171 = arith.constant 0 : i32
          %dma_wait3A_172 = tpu.memref_slice %arg11[%dma_wait3A_170, %dma_wait3A_171] : memref<10240x128xf32, #tpu.memory_space<vmem_shared>> -> memref<10240x128xf32, #tpu.memory_space<vmem_shared>>
          tpu.wait_indirect_dma semaphore(%run_scoped3A_160 : memref<!tpu.dma_semaphore, #tpu.memory_space<semaphore_mem>>) src(%arg9 : memref<128x128xf32, #tpu.memory_space<vmem>>) dst(%dma_wait3A_172 : memref<10240x128xf32, #tpu.memory_space<vmem_shared>>)
          tpu.yield
        }) : () -> ()
        %add3A_142 = arith.constant 1 : i32
        %add3A_143 = arith.addi %add3A_127, %add3A_142 : i32
        %dma_wait3A_144 = arith.constant 0 : i32
        %dma_wait3A_145 = tpu.memref_slice %arg7[%add3A_143, %dma_wait3A_144] : memref<40x128xi32, #tpu.memory_space<vmem>> -> memref<1x128xi32, #tpu.memory_space<vmem>>
        %dma_wait3A_146 = tpu.memref_squeeze %dma_wait3A_145 : memref<1x128xi32, #tpu.memory_space<vmem>> -> memref<128xi32, #tpu.memory_space<vmem>>
        %dma_wait3A_147 = arith.constant 0 : i32
        %dma_wait3A_148 = arith.constant 0 : i32
        %dma_wait3A_149 = tpu.memref_slice %arg2[%dma_wait3A_147, %dma_wait3A_148] : memref<10000x128xf32, #tpu.memory_space<hbm>> -> memref<10000x128xf32, #tpu.memory_space<hbm>>
        tpu.wait_indirect_dma semaphore(%arg13 : memref<!tpu.dma_semaphore, #tpu.memory_space<semaphore_mem>>) src(%dma_wait3A_149 : memref<10000x128xf32, #tpu.memory_space<hbm>>) dst(%arg10 : memref<128x128xf32, #tpu.memory_space<vmem>>)
        %add3A_150 = arith.constant 2 : i32
        %add3A_151 = arith.addi %add3A_127, %add3A_150 : i32
        %dma_start3A_152 = arith.constant 0 : i32
        %dma_start3A_153 = tpu.memref_slice %arg7[%add3A_151, %dma_start3A_152] : memref<40x128xi32, #tpu.memory_space<vmem>> -> memref<1x128xi32, #tpu.memory_space<vmem>>
        %dma_start3A_154 = tpu.memref_squeeze %dma_start3A_153 : memref<1x128xi32, #tpu.memory_space<vmem>> -> memref<128xi32, #tpu.memory_space<vmem>>
        %dma_start3A_155 = arith.constant 0 : i32
        %dma_start3A_156 = arith.constant 0 : i32
        %dma_start3A_157 = tpu.memref_slice %arg2[%dma_start3A_155, %dma_start3A_156] : memref<10000x128xf32, #tpu.memory_space<hbm>> -> memref<10000x128xf32, #tpu.memory_space<hbm>>
        tpu.enqueue_indirect_dma source(%dma_start3A_157 : memref<10000x128xf32, #tpu.memory_space<hbm>>) target(%arg9 : memref<128x128xf32, #tpu.memory_space<vmem>>) offsets(%dma_start3A_154 : memref<128xi32, #tpu.memory_space<vmem>>) semaphore(%arg12 : memref<!tpu.dma_semaphore, #tpu.memory_space<semaphore_mem>>)
        %add3A_158 = arith.constant 1 : i32
        %add3A_159 = arith.addi %add3A_127, %add3A_158 : i32
        "tpu.region"() ({
          %run_scoped3A_160 = tpu.sem_alloc : memref<!tpu.dma_semaphore, #tpu.memory_space<semaphore_mem>>
          %dma_start3A_161 = arith.constant 0 : i32
          %dma_start3A_162 = tpu.memref_slice %arg8[%add3A_159, %dma_start3A_161] : memref<40x128xi32, #tpu.memory_space<vmem>> -> memref<1x128xi32, #tpu.memory_space<vmem>>
          %dma_start3A_163 = tpu.memref_squeeze %dma_start3A_162 : memref<1x128xi32, #tpu.memory_space<vmem>> -> memref<128xi32, #tpu.memory_space<vmem>>
          %dma_start3A_164 = arith.constant 0 : i32
          %dma_start3A_165 = arith.constant 0 : i32
          %dma_start3A_166 = tpu.memref_slice %arg11[%dma_start3A_164, %dma_start3A_165] : memref<10240x128xf32, #tpu.memory_space<vmem_shared>> -> memref<10240x128xf32, #tpu.memory_space<vmem_shared>>
          tpu.enqueue_indirect_dma source(%arg10 : memref<128x128xf32, #tpu.memory_space<vmem>>) target(%dma_start3A_166 : memref<10240x128xf32, #tpu.memory_space<vmem_shared>>) offsets(%dma_start3A_163 : memref<128xi32, #tpu.memory_space<vmem>>) semaphore(%run_scoped3A_160 : memref<!tpu.dma_semaphore, #tpu.memory_space<semaphore_mem>>) {add = true}
          %dma_wait3A_167 = arith.constant 0 : i32
          %dma_wait3A_168 = tpu.memref_slice %arg8[%add3A_159, %dma_wait3A_167] : memref<40x128xi32, #tpu.memory_space<vmem>> -> memref<1x128xi32, #tpu.memory_space<vmem>>
          %dma_wait3A_169 = tpu.memref_squeeze %dma_wait3A_168 : memref<1x128xi32, #tpu.memory_space<vmem>> -> memref<128xi32, #tpu.memory_space<vmem>>
          %dma_wait3A_170 = arith.constant 0 : i32
          %dma_wait3A_171 = arith.constant 0 : i32
          %dma_wait3A_172 = tpu.memref_slice %arg11[%dma_wait3A_170, %dma_wait3A_171] : memref<10240x128xf32, #tpu.memory_space<vmem_shared>> -> memref<10240x128xf32, #tpu.memory_space<vmem_shared>>
          tpu.wait_indirect_dma semaphore(%run_scoped3A_160 : memref<!tpu.dma_semaphore, #tpu.memory_space<semaphore_mem>>) src(%arg10 : memref<128x128xf32, #tpu.memory_space<vmem>>) dst(%dma_wait3A_172 : memref<10240x128xf32, #tpu.memory_space<vmem_shared>>)
          tpu.yield
        }) : () -> ()
      }
      %scan3A_101 = arith.constant 19 : i32
      %dma_wait3A = arith.constant 38 : i32
      %dma_wait3A_102 = arith.constant 0 : i32
      %dma_wait3A_103 = tpu.memref_slice %arg7[%dma_wait3A, %dma_wait3A_102] : memref<40x128xi32, #tpu.memory_space<vmem>> -> memref<1x128xi32, #tpu.memory_space<vmem>>
      %dma_wait3A_104 = tpu.memref_squeeze %dma_wait3A_103 : memref<1x128xi32, #tpu.memory_space<vmem>> -> memref<128xi32, #tpu.memory_space<vmem>>
      %dma_wait3A_105 = arith.constant 0 : i32
      %dma_wait3A_106 = arith.constant 0 : i32
      %dma_wait3A_107 = tpu.memref_slice %arg2[%dma_wait3A_105, %dma_wait3A_106] : memref<10000x128xf32, #tpu.memory_space<hbm>> -> memref<10000x128xf32, #tpu.memory_space<hbm>>
      tpu.wait_indirect_dma semaphore(%arg12 : memref<!tpu.dma_semaphore, #tpu.memory_space<semaphore_mem>>) src(%dma_wait3A_107 : memref<10000x128xf32, #tpu.memory_space<hbm>>) dst(%arg9 : memref<128x128xf32, #tpu.memory_space<vmem>>)
      %dma_start3A_108 = arith.constant 39 : i32
      %dma_start3A_109 = arith.constant 0 : i32
      %dma_start3A_110 = tpu.memref_slice %arg7[%dma_start3A_108, %dma_start3A_109] : memref<40x128xi32, #tpu.memory_space<vmem>> -> memref<1x128xi32, #tpu.memory_space<vmem>>
      %dma_start3A_111 = tpu.memref_squeeze %dma_start3A_110 : memref<1x128xi32, #tpu.memory_space<vmem>> -> memref<128xi32, #tpu.memory_space<vmem>>
      %dma_start3A_112 = arith.constant 0 : i32
      %dma_start3A_113 = arith.constant 0 : i32
      %dma_start3A_114 = tpu.memref_slice %arg2[%dma_start3A_112, %dma_start3A_113] : memref<10000x128xf32, #tpu.memory_space<hbm>> -> memref<10000x128xf32, #tpu.memory_space<hbm>>
      tpu.enqueue_indirect_dma source(%dma_start3A_114 : memref<10000x128xf32, #tpu.memory_space<hbm>>) target(%arg10 : memref<128x128xf32, #tpu.memory_space<vmem>>) offsets(%dma_start3A_111 : memref<128xi32, #tpu.memory_space<vmem>>) semaphore(%arg13 : memref<!tpu.dma_semaphore, #tpu.memory_space<semaphore_mem>>)
      %run_scoped3A = arith.constant 38 : i32
      "tpu.region"() ({
        %run_scoped3A_123 = tpu.sem_alloc : memref<!tpu.dma_semaphore, #tpu.memory_space<semaphore_mem>>
        %dma_start3A_124 = arith.constant 0 : i32
        %dma_start3A_125 = tpu.memref_slice %arg8[%run_scoped3A, %dma_start3A_124] : memref<40x128xi32, #tpu.memory_space<vmem>> -> memref<1x128xi32, #tpu.memory_space<vmem>>
        %dma_start3A_126 = tpu.memref_squeeze %dma_start3A_125 : memref<1x128xi32, #tpu.memory_space<vmem>> -> memref<128xi32, #tpu.memory_space<vmem>>
        %dma_start3A_127 = arith.constant 0 : i32
        %dma_start3A_128 = arith.constant 0 : i32
        %dma_start3A_129 = tpu.memref_slice %arg11[%dma_start3A_127, %dma_start3A_128] : memref<10240x128xf32, #tpu.memory_space<vmem_shared>> -> memref<10240x128xf32, #tpu.memory_space<vmem_shared>>
        tpu.enqueue_indirect_dma source(%arg9 : memref<128x128xf32, #tpu.memory_space<vmem>>) target(%dma_start3A_129 : memref<10240x128xf32, #tpu.memory_space<vmem_shared>>) offsets(%dma_start3A_126 : memref<128xi32, #tpu.memory_space<vmem>>) semaphore(%run_scoped3A_123 : memref<!tpu.dma_semaphore, #tpu.memory_space<semaphore_mem>>) {add = true}
        %dma_wait3A_130 = arith.constant 0 : i32
        %dma_wait3A_131 = tpu.memref_slice %arg8[%run_scoped3A, %dma_wait3A_130] : memref<40x128xi32, #tpu.memory_space<vmem>> -> memref<1x128xi32, #tpu.memory_space<vmem>>
        %dma_wait3A_132 = tpu.memref_squeeze %dma_wait3A_131 : memref<1x128xi32, #tpu.memory_space<vmem>> -> memref<128xi32, #tpu.memory_space<vmem>>
        %dma_wait3A_133 = arith.constant 0 : i32
        %dma_wait3A_134 = arith.constant 0 : i32
        %dma_wait3A_135 = tpu.memref_slice %arg11[%dma_wait3A_133, %dma_wait3A_134] : memref<10240x128xf32, #tpu.memory_space<vmem_shared>> -> memref<10240x128xf32, #tpu.memory_space<vmem_shared>>
        tpu.wait_indirect_dma semaphore(%run_scoped3A_123 : memref<!tpu.dma_semaphore, #tpu.memory_space<semaphore_mem>>) src(%arg9 : memref<128x128xf32, #tpu.memory_space<vmem>>) dst(%dma_wait3A_135 : memref<10240x128xf32, #tpu.memory_space<vmem_shared>>)
        tpu.yield
      }) : () -> ()
      %dma_wait3A_115 = arith.constant 39 : i32
      %dma_wait3A_116 = arith.constant 0 : i32
      %dma_wait3A_117 = tpu.memref_slice %arg7[%dma_wait3A_115, %dma_wait3A_116] : memref<40x128xi32, #tpu.memory_space<vmem>> -> memref<1x128xi32, #tpu.memory_space<vmem>>
      %dma_wait3A_118 = tpu.memref_squeeze %dma_wait3A_117 : memref<1x128xi32, #tpu.memory_space<vmem>> -> memref<128xi32, #tpu.memory_space<vmem>>
      %dma_wait3A_119 = arith.constant 0 : i32
      %dma_wait3A_120 = arith.constant 0 : i32
      %dma_wait3A_121 = tpu.memref_slice %arg2[%dma_wait3A_119, %dma_wait3A_120] : memref<10000x128xf32, #tpu.memory_space<hbm>> -> memref<10000x128xf32, #tpu.memory_space<hbm>>
      tpu.wait_indirect_dma semaphore(%arg13 : memref<!tpu.dma_semaphore, #tpu.memory_space<semaphore_mem>>) src(%dma_wait3A_121 : memref<10000x128xf32, #tpu.memory_space<hbm>>) dst(%arg10 : memref<128x128xf32, #tpu.memory_space<vmem>>)
      %run_scoped3A_122 = arith.constant 39 : i32
      "tpu.region"() ({
        %run_scoped3A_123 = tpu.sem_alloc : memref<!tpu.dma_semaphore, #tpu.memory_space<semaphore_mem>>
        %dma_start3A_124 = arith.constant 0 : i32
        %dma_start3A_125 = tpu.memref_slice %arg8[%run_scoped3A_122, %dma_start3A_124] : memref<40x128xi32, #tpu.memory_space<vmem>> -> memref<1x128xi32, #tpu.memory_space<vmem>>
        %dma_start3A_126 = tpu.memref_squeeze %dma_start3A_125 : memref<1x128xi32, #tpu.memory_space<vmem>> -> memref<128xi32, #tpu.memory_space<vmem>>
        %dma_start3A_127 = arith.constant 0 : i32
        %dma_start3A_128 = arith.constant 0 : i32
        %dma_start3A_129 = tpu.memref_slice %arg11[%dma_start3A_127, %dma_start3A_128] : memref<10240x128xf32, #tpu.memory_space<vmem_shared>> -> memref<10240x128xf32, #tpu.memory_space<vmem_shared>>
        tpu.enqueue_indirect_dma source(%arg10 : memref<128x128xf32, #tpu.memory_space<vmem>>) target(%dma_start3A_129 : memref<10240x128xf32, #tpu.memory_space<vmem_shared>>) offsets(%dma_start3A_126 : memref<128xi32, #tpu.memory_space<vmem>>) semaphore(%run_scoped3A_123 : memref<!tpu.dma_semaphore, #tpu.memory_space<semaphore_mem>>) {add = true}
        %dma_wait3A_130 = arith.constant 0 : i32
        %dma_wait3A_131 = tpu.memref_slice %arg8[%run_scoped3A_122, %dma_wait3A_130] : memref<40x128xi32, #tpu.memory_space<vmem>> -> memref<1x128xi32, #tpu.memory_space<vmem>>
        %dma_wait3A_132 = tpu.memref_squeeze %dma_wait3A_131 : memref<1x128xi32, #tpu.memory_space<vmem>> -> memref<128xi32, #tpu.memory_space<vmem>>
        %dma_wait3A_133 = arith.constant 0 : i32
        %dma_wait3A_134 = arith.constant 0 : i32
        %dma_wait3A_135 = tpu.memref_slice %arg11[%dma_wait3A_133, %dma_wait3A_134] : memref<10240x128xf32, #tpu.memory_space<vmem_shared>> -> memref<10240x128xf32, #tpu.memory_space<vmem_shared>>
        tpu.wait_indirect_dma semaphore(%run_scoped3A_123 : memref<!tpu.dma_semaphore, #tpu.memory_space<semaphore_mem>>) src(%arg10 : memref<128x128xf32, #tpu.memory_space<vmem>>) dst(%dma_wait3A_135 : memref<10240x128xf32, #tpu.memory_space<vmem_shared>>)
        tpu.yield
      }) : () -> ()
    }
    %while3A_64 = arith.constant 1 : i32
    scf.for %while3A_86 = %while3A_62 to %while3A_58 step %while3A_64  : i32 {
      %mul3A_87 = arith.muli %while3A_86, %while3A : i32
      %add3A_88 = arith.addi %while3A_55, %mul3A_87 : i32
      %mul3A_89 = arith.constant 40 : i32
      %mul3A_90 = arith.muli %add3A_88, %mul3A_89 : i32
      %add3A_91 = arith.addi %select_n3A_8, %mul3A_90 : i32
      %multiple_of3A = tpu.assume_multiple %add3A_91, 8 : i32
      "tpu.region"() ({
        %run_scoped3A_123 = tpu.sem_alloc : memref<!tpu.dma_semaphore, #tpu.memory_space<semaphore_mem>>
        %dma_start3A_124 = arith.constant 0 : i32
        %dma_start3A_125 = tpu.memref_slice %arg3[%multiple_of3A, %dma_start3A_124] : memref<2560x128xi32, #tpu.memory_space<hbm>> -> memref<40x128xi32, #tpu.memory_space<hbm>>
        %dma_start3A_126 = arith.constant 0 : i32
        %dma_start3A_127 = tpu.memref_slice %arg3[%multiple_of3A, %dma_start3A_126] : memref<2560x128xi32, #tpu.memory_space<hbm>> -> memref<40x128xi32, #tpu.memory_space<hbm>>
        tpu.enqueue_dma source(%dma_start3A_127 : memref<40x128xi32, #tpu.memory_space<hbm>>) target(%arg7 : memref<40x128xi32, #tpu.memory_space<vmem>>) target_semaphore(%run_scoped3A_123 : memref<!tpu.dma_semaphore, #tpu.memory_space<semaphore_mem>>)
        %dma_wait3A_128 = arith.constant 0 : i32
        %dma_wait3A_129 = tpu.memref_slice %arg3[%multiple_of3A, %dma_wait3A_128] : memref<2560x128xi32, #tpu.memory_space<hbm>> -> memref<40x128xi32, #tpu.memory_space<hbm>>
        %dma_wait3A_130 = arith.constant 0 : i32
        %dma_wait3A_131 = tpu.memref_slice %arg3[%multiple_of3A, %dma_wait3A_130] : memref<2560x128xi32, #tpu.memory_space<hbm>> -> memref<40x128xi32, #tpu.memory_space<hbm>>
        tpu.wait_dma2 semaphore(%run_scoped3A_123 : memref<!tpu.dma_semaphore, #tpu.memory_space<semaphore_mem>>) src(%dma_wait3A_131 : memref<40x128xi32, #tpu.memory_space<hbm>>) dst(%arg7 : memref<40x128xi32, #tpu.memory_space<vmem>>)
        tpu.yield
      }) : () -> ()
      "tpu.region"() ({
        %run_scoped3A_123 = tpu.sem_alloc : memref<!tpu.dma_semaphore, #tpu.memory_space<semaphore_mem>>
        %dma_start3A_124 = arith.constant 0 : i32
        %dma_start3A_125 = tpu.memref_slice %arg4[%multiple_of3A, %dma_start3A_124] : memref<2560x128xi32, #tpu.memory_space<hbm>> -> memref<40x128xi32, #tpu.memory_space<hbm>>
        %dma_start3A_126 = arith.constant 0 : i32
        %dma_start3A_127 = tpu.memref_slice %arg4[%multiple_of3A, %dma_start3A_126] : memref<2560x128xi32, #tpu.memory_space<hbm>> -> memref<40x128xi32, #tpu.memory_space<hbm>>
        tpu.enqueue_dma source(%dma_start3A_127 : memref<40x128xi32, #tpu.memory_space<hbm>>) target(%arg8 : memref<40x128xi32, #tpu.memory_space<vmem>>) target_semaphore(%run_scoped3A_123 : memref<!tpu.dma_semaphore, #tpu.memory_space<semaphore_mem>>)
        %dma_wait3A_128 = arith.constant 0 : i32
        %dma_wait3A_129 = tpu.memref_slice %arg4[%multiple_of3A, %dma_wait3A_128] : memref<2560x128xi32, #tpu.memory_space<hbm>> -> memref<40x128xi32, #tpu.memory_space<hbm>>
        %dma_wait3A_130 = arith.constant 0 : i32
        %dma_wait3A_131 = tpu.memref_slice %arg4[%multiple_of3A, %dma_wait3A_130] : memref<2560x128xi32, #tpu.memory_space<hbm>> -> memref<40x128xi32, #tpu.memory_space<hbm>>
        tpu.wait_dma2 semaphore(%run_scoped3A_123 : memref<!tpu.dma_semaphore, #tpu.memory_space<semaphore_mem>>) src(%dma_wait3A_131 : memref<40x128xi32, #tpu.memory_space<hbm>>) dst(%arg8 : memref<40x128xi32, #tpu.memory_space<vmem>>)
        tpu.yield
      }) : () -> ()
      %dma_start3A = arith.constant 0 : i32
      %dma_start3A_92 = arith.constant 0 : i32
      %dma_start3A_93 = tpu.memref_slice %arg7[%dma_start3A, %dma_start3A_92] : memref<40x128xi32, #tpu.memory_space<vmem>> -> memref<1x128xi32, #tpu.memory_space<vmem>>
      %dma_start3A_94 = tpu.memref_squeeze %dma_start3A_93 : memref<1x128xi32, #tpu.memory_space<vmem>> -> memref<128xi32, #tpu.memory_space<vmem>>
      %dma_start3A_95 = arith.constant 0 : i32
      %dma_start3A_96 = arith.constant 0 : i32
      %dma_start3A_97 = tpu.memref_slice %arg2[%dma_start3A_95, %dma_start3A_96] : memref<10000x128xf32, #tpu.memory_space<hbm>> -> memref<10000x128xf32, #tpu.memory_space<hbm>>
      tpu.enqueue_indirect_dma source(%dma_start3A_97 : memref<10000x128xf32, #tpu.memory_space<hbm>>) target(%arg9 : memref<128x128xf32, #tpu.memory_space<vmem>>) offsets(%dma_start3A_94 : memref<128xi32, #tpu.memory_space<vmem>>) semaphore(%arg12 : memref<!tpu.dma_semaphore, #tpu.memory_space<semaphore_mem>>)
      %scan3A = arith.constant 0 : i32
      %scan3A_98 = arith.constant 19 : i32
      %scan3A_99 = arith.addi %scan3A, %scan3A_98 : i32
      %scan3A_100 = arith.constant 1 : i32
      scf.for %scan3A_123 = %scan3A to %scan3A_99 step %scan3A_100  : i32 {
        %mul3A_124 = arith.constant 2 : i32
        %mul3A_125 = arith.muli %scan3A_123, %mul3A_124 : i32
        %add3A_126 = arith.constant 0 : i32
        %add3A_127 = arith.addi %add3A_126, %mul3A_125 : i32
        %dma_wait3A_128 = arith.constant 0 : i32
        %dma_wait3A_129 = tpu.memref_slice %arg7[%add3A_127, %dma_wait3A_128] : memref<40x128xi32, #tpu.memory_space<vmem>> -> memref<1x128xi32, #tpu.memory_space<vmem>>
        %dma_wait3A_130 = tpu.memref_squeeze %dma_wait3A_129 : memref<1x128xi32, #tpu.memory_space<vmem>> -> memref<128xi32, #tpu.memory_space<vmem>>
        %dma_wait3A_131 = arith.constant 0 : i32
        %dma_wait3A_132 = arith.constant 0 : i32
        %dma_wait3A_133 = tpu.memref_slice %arg2[%dma_wait3A_131, %dma_wait3A_132] : memref<10000x128xf32, #tpu.memory_space<hbm>> -> memref<10000x128xf32, #tpu.memory_space<hbm>>
        tpu.wait_indirect_dma semaphore(%arg12 : memref<!tpu.dma_semaphore, #tpu.memory_space<semaphore_mem>>) src(%dma_wait3A_133 : memref<10000x128xf32, #tpu.memory_space<hbm>>) dst(%arg9 : memref<128x128xf32, #tpu.memory_space<vmem>>)
        %add3A_134 = arith.constant 1 : i32
        %add3A_135 = arith.addi %add3A_127, %add3A_134 : i32
        %dma_start3A_136 = arith.constant 0 : i32
        %dma_start3A_137 = tpu.memref_slice %arg7[%add3A_135, %dma_start3A_136] : memref<40x128xi32, #tpu.memory_space<vmem>> -> memref<1x128xi32, #tpu.memory_space<vmem>>
        %dma_start3A_138 = tpu.memref_squeeze %dma_start3A_137 : memref<1x128xi32, #tpu.memory_space<vmem>> -> memref<128xi32, #tpu.memory_space<vmem>>
        %dma_start3A_139 = arith.constant 0 : i32
        %dma_start3A_140 = arith.constant 0 : i32
        %dma_start3A_141 = tpu.memref_slice %arg2[%dma_start3A_139, %dma_start3A_140] : memref<10000x128xf32, #tpu.memory_space<hbm>> -> memref<10000x128xf32, #tpu.memory_space<hbm>>
        tpu.enqueue_indirect_dma source(%dma_start3A_141 : memref<10000x128xf32, #tpu.memory_space<hbm>>) target(%arg10 : memref<128x128xf32, #tpu.memory_space<vmem>>) offsets(%dma_start3A_138 : memref<128xi32, #tpu.memory_space<vmem>>) semaphore(%arg13 : memref<!tpu.dma_semaphore, #tpu.memory_space<semaphore_mem>>)
        "tpu.region"() ({
          %run_scoped3A_160 = tpu.sem_alloc : memref<!tpu.dma_semaphore, #tpu.memory_space<semaphore_mem>>
          %dma_start3A_161 = arith.constant 0 : i32
          %dma_start3A_162 = tpu.memref_slice %arg8[%add3A_127, %dma_start3A_161] : memref<40x128xi32, #tpu.memory_space<vmem>> -> memref<1x128xi32, #tpu.memory_space<vmem>>
          %dma_start3A_163 = tpu.memref_squeeze %dma_start3A_162 : memref<1x128xi32, #tpu.memory_space<vmem>> -> memref<128xi32, #tpu.memory_space<vmem>>
          %dma_start3A_164 = arith.constant 0 : i32
          %dma_start3A_165 = arith.constant 0 : i32
          %dma_start3A_166 = tpu.memref_slice %arg11[%dma_start3A_164, %dma_start3A_165] : memref<10240x128xf32, #tpu.memory_space<vmem_shared>> -> memref<10240x128xf32, #tpu.memory_space<vmem_shared>>
          tpu.enqueue_indirect_dma source(%arg9 : memref<128x128xf32, #tpu.memory_space<vmem>>) target(%dma_start3A_166 : memref<10240x128xf32, #tpu.memory_space<vmem_shared>>) offsets(%dma_start3A_163 : memref<128xi32, #tpu.memory_space<vmem>>) semaphore(%run_scoped3A_160 : memref<!tpu.dma_semaphore, #tpu.memory_space<semaphore_mem>>) {add = true}
          %dma_wait3A_167 = arith.constant 0 : i32
          %dma_wait3A_168 = tpu.memref_slice %arg8[%add3A_127, %dma_wait3A_167] : memref<40x128xi32, #tpu.memory_space<vmem>> -> memref<1x128xi32, #tpu.memory_space<vmem>>
          %dma_wait3A_169 = tpu.memref_squeeze %dma_wait3A_168 : memref<1x128xi32, #tpu.memory_space<vmem>> -> memref<128xi32, #tpu.memory_space<vmem>>
          %dma_wait3A_170 = arith.constant 0 : i32
          %dma_wait3A_171 = arith.constant 0 : i32
          %dma_wait3A_172 = tpu.memref_slice %arg11[%dma_wait3A_170, %dma_wait3A_171] : memref<10240x128xf32, #tpu.memory_space<vmem_shared>> -> memref<10240x128xf32, #tpu.memory_space<vmem_shared>>
          tpu.wait_indirect_dma semaphore(%run_scoped3A_160 : memref<!tpu.dma_semaphore, #tpu.memory_space<semaphore_mem>>) src(%arg9 : memref<128x128xf32, #tpu.memory_space<vmem>>) dst(%dma_wait3A_172 : memref<10240x128xf32, #tpu.memory_space<vmem_shared>>)
          tpu.yield
        }) : () -> ()
        %add3A_142 = arith.constant 1 : i32
        %add3A_143 = arith.addi %add3A_127, %add3A_142 : i32
        %dma_wait3A_144 = arith.constant 0 : i32
        %dma_wait3A_145 = tpu.memref_slice %arg7[%add3A_143, %dma_wait3A_144] : memref<40x128xi32, #tpu.memory_space<vmem>> -> memref<1x128xi32, #tpu.memory_space<vmem>>
        %dma_wait3A_146 = tpu.memref_squeeze %dma_wait3A_145 : memref<1x128xi32, #tpu.memory_space<vmem>> -> memref<128xi32, #tpu.memory_space<vmem>>
        %dma_wait3A_147 = arith.constant 0 : i32
        %dma_wait3A_148 = arith.constant 0 : i32
        %dma_wait3A_149 = tpu.memref_slice %arg2[%dma_wait3A_147, %dma_wait3A_148] : memref<10000x128xf32, #tpu.memory_space<hbm>> -> memref<10000x128xf32, #tpu.memory_space<hbm>>
        tpu.wait_indirect_dma semaphore(%arg13 : memref<!tpu.dma_semaphore, #tpu.memory_space<semaphore_mem>>) src(%dma_wait3A_149 : memref<10000x128xf32, #tpu.memory_space<hbm>>) dst(%arg10 : memref<128x128xf32, #tpu.memory_space<vmem>>)
        %add3A_150 = arith.constant 2 : i32
        %add3A_151 = arith.addi %add3A_127, %add3A_150 : i32
        %dma_start3A_152 = arith.constant 0 : i32
        %dma_start3A_153 = tpu.memref_slice %arg7[%add3A_151, %dma_start3A_152] : memref<40x128xi32, #tpu.memory_space<vmem>> -> memref<1x128xi32, #tpu.memory_space<vmem>>
        %dma_start3A_154 = tpu.memref_squeeze %dma_start3A_153 : memref<1x128xi32, #tpu.memory_space<vmem>> -> memref<128xi32, #tpu.memory_space<vmem>>
        %dma_start3A_155 = arith.constant 0 : i32
        %dma_start3A_156 = arith.constant 0 : i32
        %dma_start3A_157 = tpu.memref_slice %arg2[%dma_start3A_155, %dma_start3A_156] : memref<10000x128xf32, #tpu.memory_space<hbm>> -> memref<10000x128xf32, #tpu.memory_space<hbm>>
        tpu.enqueue_indirect_dma source(%dma_start3A_157 : memref<10000x128xf32, #tpu.memory_space<hbm>>) target(%arg9 : memref<128x128xf32, #tpu.memory_space<vmem>>) offsets(%dma_start3A_154 : memref<128xi32, #tpu.memory_space<vmem>>) semaphore(%arg12 : memref<!tpu.dma_semaphore, #tpu.memory_space<semaphore_mem>>)
        %add3A_158 = arith.constant 1 : i32
        %add3A_159 = arith.addi %add3A_127, %add3A_158 : i32
        "tpu.region"() ({
          %run_scoped3A_160 = tpu.sem_alloc : memref<!tpu.dma_semaphore, #tpu.memory_space<semaphore_mem>>
          %dma_start3A_161 = arith.constant 0 : i32
          %dma_start3A_162 = tpu.memref_slice %arg8[%add3A_159, %dma_start3A_161] : memref<40x128xi32, #tpu.memory_space<vmem>> -> memref<1x128xi32, #tpu.memory_space<vmem>>
          %dma_start3A_163 = tpu.memref_squeeze %dma_start3A_162 : memref<1x128xi32, #tpu.memory_space<vmem>> -> memref<128xi32, #tpu.memory_space<vmem>>
          %dma_start3A_164 = arith.constant 0 : i32
          %dma_start3A_165 = arith.constant 0 : i32
          %dma_start3A_166 = tpu.memref_slice %arg11[%dma_start3A_164, %dma_start3A_165] : memref<10240x128xf32, #tpu.memory_space<vmem_shared>> -> memref<10240x128xf32, #tpu.memory_space<vmem_shared>>
          tpu.enqueue_indirect_dma source(%arg10 : memref<128x128xf32, #tpu.memory_space<vmem>>) target(%dma_start3A_166 : memref<10240x128xf32, #tpu.memory_space<vmem_shared>>) offsets(%dma_start3A_163 : memref<128xi32, #tpu.memory_space<vmem>>) semaphore(%run_scoped3A_160 : memref<!tpu.dma_semaphore, #tpu.memory_space<semaphore_mem>>) {add = true}
          %dma_wait3A_167 = arith.constant 0 : i32
          %dma_wait3A_168 = tpu.memref_slice %arg8[%add3A_159, %dma_wait3A_167] : memref<40x128xi32, #tpu.memory_space<vmem>> -> memref<1x128xi32, #tpu.memory_space<vmem>>
          %dma_wait3A_169 = tpu.memref_squeeze %dma_wait3A_168 : memref<1x128xi32, #tpu.memory_space<vmem>> -> memref<128xi32, #tpu.memory_space<vmem>>
          %dma_wait3A_170 = arith.constant 0 : i32
          %dma_wait3A_171 = arith.constant 0 : i32
          %dma_wait3A_172 = tpu.memref_slice %arg11[%dma_wait3A_170, %dma_wait3A_171] : memref<10240x128xf32, #tpu.memory_space<vmem_shared>> -> memref<10240x128xf32, #tpu.memory_space<vmem_shared>>
          tpu.wait_indirect_dma semaphore(%run_scoped3A_160 : memref<!tpu.dma_semaphore, #tpu.memory_space<semaphore_mem>>) src(%arg10 : memref<128x128xf32, #tpu.memory_space<vmem>>) dst(%dma_wait3A_172 : memref<10240x128xf32, #tpu.memory_space<vmem_shared>>)
          tpu.yield
        }) : () -> ()
      }
      %scan3A_101 = arith.constant 19 : i32
      %dma_wait3A = arith.constant 38 : i32
      %dma_wait3A_102 = arith.constant 0 : i32
      %dma_wait3A_103 = tpu.memref_slice %arg7[%dma_wait3A, %dma_wait3A_102] : memref<40x128xi32, #tpu.memory_space<vmem>> -> memref<1x128xi32, #tpu.memory_space<vmem>>
      %dma_wait3A_104 = tpu.memref_squeeze %dma_wait3A_103 : memref<1x128xi32, #tpu.memory_space<vmem>> -> memref<128xi32, #tpu.memory_space<vmem>>
      %dma_wait3A_105 = arith.constant 0 : i32
      %dma_wait3A_106 = arith.constant 0 : i32
      %dma_wait3A_107 = tpu.memref_slice %arg2[%dma_wait3A_105, %dma_wait3A_106] : memref<10000x128xf32, #tpu.memory_space<hbm>> -> memref<10000x128xf32, #tpu.memory_space<hbm>>
      tpu.wait_indirect_dma semaphore(%arg12 : memref<!tpu.dma_semaphore, #tpu.memory_space<semaphore_mem>>) src(%dma_wait3A_107 : memref<10000x128xf32, #tpu.memory_space<hbm>>) dst(%arg9 : memref<128x128xf32, #tpu.memory_space<vmem>>)
      %dma_start3A_108 = arith.constant 39 : i32
      %dma_start3A_109 = arith.constant 0 : i32
      %dma_start3A_110 = tpu.memref_slice %arg7[%dma_start3A_108, %dma_start3A_109] : memref<40x128xi32, #tpu.memory_space<vmem>> -> memref<1x128xi32, #tpu.memory_space<vmem>>
      %dma_start3A_111 = tpu.memref_squeeze %dma_start3A_110 : memref<1x128xi32, #tpu.memory_space<vmem>> -> memref<128xi32, #tpu.memory_space<vmem>>
      %dma_start3A_112 = arith.constant 0 : i32
      %dma_start3A_113 = arith.constant 0 : i32
      %dma_start3A_114 = tpu.memref_slice %arg2[%dma_start3A_112, %dma_start3A_113] : memref<10000x128xf32, #tpu.memory_space<hbm>> -> memref<10000x128xf32, #tpu.memory_space<hbm>>
      tpu.enqueue_indirect_dma source(%dma_start3A_114 : memref<10000x128xf32, #tpu.memory_space<hbm>>) target(%arg10 : memref<128x128xf32, #tpu.memory_space<vmem>>) offsets(%dma_start3A_111 : memref<128xi32, #tpu.memory_space<vmem>>) semaphore(%arg13 : memref<!tpu.dma_semaphore, #tpu.memory_space<semaphore_mem>>)
      %run_scoped3A = arith.constant 38 : i32
      "tpu.region"() ({
        %run_scoped3A_123 = tpu.sem_alloc : memref<!tpu.dma_semaphore, #tpu.memory_space<semaphore_mem>>
        %dma_start3A_124 = arith.constant 0 : i32
        %dma_start3A_125 = tpu.memref_slice %arg8[%run_scoped3A, %dma_start3A_124] : memref<40x128xi32, #tpu.memory_space<vmem>> -> memref<1x128xi32, #tpu.memory_space<vmem>>
        %dma_start3A_126 = tpu.memref_squeeze %dma_start3A_125 : memref<1x128xi32, #tpu.memory_space<vmem>> -> memref<128xi32, #tpu.memory_space<vmem>>
        %dma_start3A_127 = arith.constant 0 : i32
        %dma_start3A_128 = arith.constant 0 : i32
        %dma_start3A_129 = tpu.memref_slice %arg11[%dma_start3A_127, %dma_start3A_128] : memref<10240x128xf32, #tpu.memory_space<vmem_shared>> -> memref<10240x128xf32, #tpu.memory_space<vmem_shared>>
        tpu.enqueue_indirect_dma source(%arg9 : memref<128x128xf32, #tpu.memory_space<vmem>>) target(%dma_start3A_129 : memref<10240x128xf32, #tpu.memory_space<vmem_shared>>) offsets(%dma_start3A_126 : memref<128xi32, #tpu.memory_space<vmem>>) semaphore(%run_scoped3A_123 : memref<!tpu.dma_semaphore, #tpu.memory_space<semaphore_mem>>) {add = true}
        %dma_wait3A_130 = arith.constant 0 : i32
        %dma_wait3A_131 = tpu.memref_slice %arg8[%run_scoped3A, %dma_wait3A_130] : memref<40x128xi32, #tpu.memory_space<vmem>> -> memref<1x128xi32, #tpu.memory_space<vmem>>
        %dma_wait3A_132 = tpu.memref_squeeze %dma_wait3A_131 : memref<1x128xi32, #tpu.memory_space<vmem>> -> memref<128xi32, #tpu.memory_space<vmem>>
        %dma_wait3A_133 = arith.constant 0 : i32
        %dma_wait3A_134 = arith.constant 0 : i32
        %dma_wait3A_135 = tpu.memref_slice %arg11[%dma_wait3A_133, %dma_wait3A_134] : memref<10240x128xf32, #tpu.memory_space<vmem_shared>> -> memref<10240x128xf32, #tpu.memory_space<vmem_shared>>
        tpu.wait_indirect_dma semaphore(%run_scoped3A_123 : memref<!tpu.dma_semaphore, #tpu.memory_space<semaphore_mem>>) src(%arg9 : memref<128x128xf32, #tpu.memory_space<vmem>>) dst(%dma_wait3A_135 : memref<10240x128xf32, #tpu.memory_space<vmem_shared>>)
        tpu.yield
      }) : () -> ()
      %dma_wait3A_115 = arith.constant 39 : i32
      %dma_wait3A_116 = arith.constant 0 : i32
      %dma_wait3A_117 = tpu.memref_slice %arg7[%dma_wait3A_115, %dma_wait3A_116] : memref<40x128xi32, #tpu.memory_space<vmem>> -> memref<1x128xi32, #tpu.memory_space<vmem>>
      %dma_wait3A_118 = tpu.memref_squeeze %dma_wait3A_117 : memref<1x128xi32, #tpu.memory_space<vmem>> -> memref<128xi32, #tpu.memory_space<vmem>>
      %dma_wait3A_119 = arith.constant 0 : i32
      %dma_wait3A_120 = arith.constant 0 : i32
      %dma_wait3A_121 = tpu.memref_slice %arg2[%dma_wait3A_119, %dma_wait3A_120] : memref<10000x128xf32, #tpu.memory_space<hbm>> -> memref<10000x128xf32, #tpu.memory_space<hbm>>
      tpu.wait_indirect_dma semaphore(%arg13 : memref<!tpu.dma_semaphore, #tpu.memory_space<semaphore_mem>>) src(%dma_wait3A_121 : memref<10000x128xf32, #tpu.memory_space<hbm>>) dst(%arg10 : memref<128x128xf32, #tpu.memory_space<vmem>>)
      %run_scoped3A_122 = arith.constant 39 : i32
      "tpu.region"() ({
        %run_scoped3A_123 = tpu.sem_alloc : memref<!tpu.dma_semaphore, #tpu.memory_space<semaphore_mem>>
        %dma_start3A_124 = arith.constant 0 : i32
        %dma_start3A_125 = tpu.memref_slice %arg8[%run_scoped3A_122, %dma_start3A_124] : memref<40x128xi32, #tpu.memory_space<vmem>> -> memref<1x128xi32, #tpu.memory_space<vmem>>
        %dma_start3A_126 = tpu.memref_squeeze %dma_start3A_125 : memref<1x128xi32, #tpu.memory_space<vmem>> -> memref<128xi32, #tpu.memory_space<vmem>>
        %dma_start3A_127 = arith.constant 0 : i32
        %dma_start3A_128 = arith.constant 0 : i32
        %dma_start3A_129 = tpu.memref_slice %arg11[%dma_start3A_127, %dma_start3A_128] : memref<10240x128xf32, #tpu.memory_space<vmem_shared>> -> memref<10240x128xf32, #tpu.memory_space<vmem_shared>>
        tpu.enqueue_indirect_dma source(%arg10 : memref<128x128xf32, #tpu.memory_space<vmem>>) target(%dma_start3A_129 : memref<10240x128xf32, #tpu.memory_space<vmem_shared>>) offsets(%dma_start3A_126 : memref<128xi32, #tpu.memory_space<vmem>>) semaphore(%run_scoped3A_123 : memref<!tpu.dma_semaphore, #tpu.memory_space<semaphore_mem>>) {add = true}
        %dma_wait3A_130 = arith.constant 0 : i32
        %dma_wait3A_131 = tpu.memref_slice %arg8[%run_scoped3A_122, %dma_wait3A_130] : memref<40x128xi32, #tpu.memory_space<vmem>> -> memref<1x128xi32, #tpu.memory_space<vmem>>
        %dma_wait3A_132 = tpu.memref_squeeze %dma_wait3A_131 : memref<1x128xi32, #tpu.memory_space<vmem>> -> memref<128xi32, #tpu.memory_space<vmem>>
        %dma_wait3A_133 = arith.constant 0 : i32
        %dma_wait3A_134 = arith.constant 0 : i32
        %dma_wait3A_135 = tpu.memref_slice %arg11[%dma_wait3A_133, %dma_wait3A_134] : memref<10240x128xf32, #tpu.memory_space<vmem_shared>> -> memref<10240x128xf32, #tpu.memory_space<vmem_shared>>
        tpu.wait_indirect_dma semaphore(%run_scoped3A_123 : memref<!tpu.dma_semaphore, #tpu.memory_space<semaphore_mem>>) src(%arg10 : memref<128x128xf32, #tpu.memory_space<vmem>>) dst(%dma_wait3A_135 : memref<10240x128xf32, #tpu.memory_space<vmem_shared>>)
        tpu.yield
      }) : () -> ()
    }
    %barrier3A_65 = arith.constant 0 : index
    tpu.barrier barrier_id(%barrier3A_65)
    %mul3A_66 = arith.constant 640 : i32
    %mul3A_67 = arith.muli %arg1, %mul3A_66 : i32
    %add3A_68 = arith.constant 0 : i32
    %add3A_69 = arith.addi %mul3A_67, %add3A_68 : i32
    "tpu.region"() ({
      %run_scoped3A = tpu.sem_alloc : memref<!tpu.dma_semaphore, #tpu.memory_space<semaphore_mem>>
      %dma_start3A = arith.constant 0 : i32
      %dma_start3A_86 = tpu.memref_slice %arg11[%add3A_69, %dma_start3A] : memref<10240x128xf32, #tpu.memory_space<vmem_shared>> -> memref<128x128xf32, #tpu.memory_space<vmem_shared>>
      %dma_start3A_87 = arith.constant 0 : i32
      %dma_start3A_88 = tpu.memref_slice %arg11[%add3A_69, %dma_start3A_87] : memref<10240x128xf32, #tpu.memory_space<vmem_shared>> -> memref<128x128xf32, #tpu.memory_space<vmem_shared>>
      tpu.enqueue_dma source(%dma_start3A_88 : memref<128x128xf32, #tpu.memory_space<vmem_shared>>) target(%arg9 : memref<128x128xf32, #tpu.memory_space<vmem>>) target_semaphore(%run_scoped3A : memref<!tpu.dma_semaphore, #tpu.memory_space<semaphore_mem>>)
      %dma_wait3A = arith.constant 0 : i32
      %dma_wait3A_89 = tpu.memref_slice %arg11[%add3A_69, %dma_wait3A] : memref<10240x128xf32, #tpu.memory_space<vmem_shared>> -> memref<128x128xf32, #tpu.memory_space<vmem_shared>>
      %dma_wait3A_90 = arith.constant 0 : i32
      %dma_wait3A_91 = tpu.memref_slice %arg11[%add3A_69, %dma_wait3A_90] : memref<10240x128xf32, #tpu.memory_space<vmem_shared>> -> memref<128x128xf32, #tpu.memory_space<vmem_shared>>
      tpu.wait_dma2 semaphore(%run_scoped3A : memref<!tpu.dma_semaphore, #tpu.memory_space<semaphore_mem>>) src(%dma_wait3A_91 : memref<128x128xf32, #tpu.memory_space<vmem_shared>>) dst(%arg9 : memref<128x128xf32, #tpu.memory_space<vmem>>)
      tpu.yield
    }) : () -> ()
    "tpu.region"() ({
      %run_scoped3A = tpu.sem_alloc : memref<!tpu.dma_semaphore, #tpu.memory_space<semaphore_mem>>
      %dma_start3A = arith.constant 0 : i32
      %dma_start3A_86 = tpu.memref_slice %arg6[%arg0, %add3A_69, %dma_start3A] : memref<2x10240x128xf32, #tpu.memory_space<hbm>> -> memref<1x128x128xf32, #tpu.memory_space<hbm>>
      %dma_start3A_87 = tpu.memref_squeeze %dma_start3A_86 : memref<1x128x128xf32, #tpu.memory_space<hbm>> -> memref<128x128xf32, #tpu.memory_space<hbm>>
      %dma_start3A_88 = arith.constant 0 : i32
      %dma_start3A_89 = tpu.memref_slice %arg6[%arg0, %add3A_69, %dma_start3A_88] : memref<2x10240x128xf32, #tpu.memory_space<hbm>> -> memref<1x128x128xf32, #tpu.memory_space<hbm>>
      %dma_start3A_90 = tpu.memref_squeeze %dma_start3A_89 : memref<1x128x128xf32, #tpu.memory_space<hbm>> -> memref<128x128xf32, #tpu.memory_space<hbm>>
      tpu.enqueue_dma source(%arg9 : memref<128x128xf32, #tpu.memory_space<vmem>>) target(%dma_start3A_90 : memref<128x128xf32, #tpu.memory_space<hbm>>) target_semaphore(%run_scoped3A : memref<!tpu.dma_semaphore, #tpu.memory_space<semaphore_mem>>)
      %dma_wait3A = arith.constant 0 : i32
      %dma_wait3A_91 = tpu.memref_slice %arg6[%arg0, %add3A_69, %dma_wait3A] : memref<2x10240x128xf32, #tpu.memory_space<hbm>> -> memref<1x128x128xf32, #tpu.memory_space<hbm>>
      %dma_wait3A_92 = tpu.memref_squeeze %dma_wait3A_91 : memref<1x128x128xf32, #tpu.memory_space<hbm>> -> memref<128x128xf32, #tpu.memory_space<hbm>>
      %dma_wait3A_93 = arith.constant 0 : i32
      %dma_wait3A_94 = tpu.memref_slice %arg6[%arg0, %add3A_69, %dma_wait3A_93] : memref<2x10240x128xf32, #tpu.memory_space<hbm>> -> memref<1x128x128xf32, #tpu.memory_space<hbm>>
      %dma_wait3A_95 = tpu.memref_squeeze %dma_wait3A_94 : memref<1x128x128xf32, #tpu.memory_space<hbm>> -> memref<128x128xf32, #tpu.memory_space<hbm>>
      tpu.wait_dma2 semaphore(%run_scoped3A : memref<!tpu.dma_semaphore, #tpu.memory_space<semaphore_mem>>) src(%arg9 : memref<128x128xf32, #tpu.memory_space<vmem>>) dst(%dma_wait3A_95 : memref<128x128xf32, #tpu.memory_space<hbm>>)
      tpu.yield
    }) : () -> ()
    %mul3A_70 = arith.constant 640 : i32
    %mul3A_71 = arith.muli %arg1, %mul3A_70 : i32
    %add3A_72 = arith.constant 128 : i32
    %add3A_73 = arith.addi %mul3A_71, %add3A_72 : i32
    "tpu.region"() ({
      %run_scoped3A = tpu.sem_alloc : memref<!tpu.dma_semaphore, #tpu.memory_space<semaphore_mem>>
      %dma_start3A = arith.constant 0 : i32
      %dma_start3A_86 = tpu.memref_slice %arg11[%add3A_73, %dma_start3A] : memref<10240x128xf32, #tpu.memory_space<vmem_shared>> -> memref<128x128xf32, #tpu.memory_space<vmem_shared>>
      %dma_start3A_87 = arith.constant 0 : i32
      %dma_start3A_88 = tpu.memref_slice %arg11[%add3A_73, %dma_start3A_87] : memref<10240x128xf32, #tpu.memory_space<vmem_shared>> -> memref<128x128xf32, #tpu.memory_space<vmem_shared>>
      tpu.enqueue_dma source(%dma_start3A_88 : memref<128x128xf32, #tpu.memory_space<vmem_shared>>) target(%arg9 : memref<128x128xf32, #tpu.memory_space<vmem>>) target_semaphore(%run_scoped3A : memref<!tpu.dma_semaphore, #tpu.memory_space<semaphore_mem>>)
      %dma_wait3A = arith.constant 0 : i32
      %dma_wait3A_89 = tpu.memref_slice %arg11[%add3A_73, %dma_wait3A] : memref<10240x128xf32, #tpu.memory_space<vmem_shared>> -> memref<128x128xf32, #tpu.memory_space<vmem_shared>>
      %dma_wait3A_90 = arith.constant 0 : i32
      %dma_wait3A_91 = tpu.memref_slice %arg11[%add3A_73, %dma_wait3A_90] : memref<10240x128xf32, #tpu.memory_space<vmem_shared>> -> memref<128x128xf32, #tpu.memory_space<vmem_shared>>
      tpu.wait_dma2 semaphore(%run_scoped3A : memref<!tpu.dma_semaphore, #tpu.memory_space<semaphore_mem>>) src(%dma_wait3A_91 : memref<128x128xf32, #tpu.memory_space<vmem_shared>>) dst(%arg9 : memref<128x128xf32, #tpu.memory_space<vmem>>)
      tpu.yield
    }) : () -> ()
    "tpu.region"() ({
      %run_scoped3A = tpu.sem_alloc : memref<!tpu.dma_semaphore, #tpu.memory_space<semaphore_mem>>
      %dma_start3A = arith.constant 0 : i32
      %dma_start3A_86 = tpu.memref_slice %arg6[%arg0, %add3A_73, %dma_start3A] : memref<2x10240x128xf32, #tpu.memory_space<hbm>> -> memref<1x128x128xf32, #tpu.memory_space<hbm>>
      %dma_start3A_87 = tpu.memref_squeeze %dma_start3A_86 : memref<1x128x128xf32, #tpu.memory_space<hbm>> -> memref<128x128xf32, #tpu.memory_space<hbm>>
      %dma_start3A_88 = arith.constant 0 : i32
      %dma_start3A_89 = tpu.memref_slice %arg6[%arg0, %add3A_73, %dma_start3A_88] : memref<2x10240x128xf32, #tpu.memory_space<hbm>> -> memref<1x128x128xf32, #tpu.memory_space<hbm>>
      %dma_start3A_90 = tpu.memref_squeeze %dma_start3A_89 : memref<1x128x128xf32, #tpu.memory_space<hbm>> -> memref<128x128xf32, #tpu.memory_space<hbm>>
      tpu.enqueue_dma source(%arg9 : memref<128x128xf32, #tpu.memory_space<vmem>>) target(%dma_start3A_90 : memref<128x128xf32, #tpu.memory_space<hbm>>) target_semaphore(%run_scoped3A : memref<!tpu.dma_semaphore, #tpu.memory_space<semaphore_mem>>)
      %dma_wait3A = arith.constant 0 : i32
      %dma_wait3A_91 = tpu.memref_slice %arg6[%arg0, %add3A_73, %dma_wait3A] : memref<2x10240x128xf32, #tpu.memory_space<hbm>> -> memref<1x128x128xf32, #tpu.memory_space<hbm>>
      %dma_wait3A_92 = tpu.memref_squeeze %dma_wait3A_91 : memref<1x128x128xf32, #tpu.memory_space<hbm>> -> memref<128x128xf32, #tpu.memory_space<hbm>>
      %dma_wait3A_93 = arith.constant 0 : i32
      %dma_wait3A_94 = tpu.memref_slice %arg6[%arg0, %add3A_73, %dma_wait3A_93] : memref<2x10240x128xf32, #tpu.memory_space<hbm>> -> memref<1x128x128xf32, #tpu.memory_space<hbm>>
      %dma_wait3A_95 = tpu.memref_squeeze %dma_wait3A_94 : memref<1x128x128xf32, #tpu.memory_space<hbm>> -> memref<128x128xf32, #tpu.memory_space<hbm>>
      tpu.wait_dma2 semaphore(%run_scoped3A : memref<!tpu.dma_semaphore, #tpu.memory_space<semaphore_mem>>) src(%arg9 : memref<128x128xf32, #tpu.memory_space<vmem>>) dst(%dma_wait3A_95 : memref<128x128xf32, #tpu.memory_space<hbm>>)
      tpu.yield
    }) : () -> ()
    %mul3A_74 = arith.constant 640 : i32
    %mul3A_75 = arith.muli %arg1, %mul3A_74 : i32
    %add3A_76 = arith.constant 256 : i32
    %add3A_77 = arith.addi %mul3A_75, %add3A_76 : i32
    "tpu.region"() ({
      %run_scoped3A = tpu.sem_alloc : memref<!tpu.dma_semaphore, #tpu.memory_space<semaphore_mem>>
      %dma_start3A = arith.constant 0 : i32
      %dma_start3A_86 = tpu.memref_slice %arg11[%add3A_77, %dma_start3A] : memref<10240x128xf32, #tpu.memory_space<vmem_shared>> -> memref<128x128xf32, #tpu.memory_space<vmem_shared>>
      %dma_start3A_87 = arith.constant 0 : i32
      %dma_start3A_88 = tpu.memref_slice %arg11[%add3A_77, %dma_start3A_87] : memref<10240x128xf32, #tpu.memory_space<vmem_shared>> -> memref<128x128xf32, #tpu.memory_space<vmem_shared>>
      tpu.enqueue_dma source(%dma_start3A_88 : memref<128x128xf32, #tpu.memory_space<vmem_shared>>) target(%arg9 : memref<128x128xf32, #tpu.memory_space<vmem>>) target_semaphore(%run_scoped3A : memref<!tpu.dma_semaphore, #tpu.memory_space<semaphore_mem>>)
      %dma_wait3A = arith.constant 0 : i32
      %dma_wait3A_89 = tpu.memref_slice %arg11[%add3A_77, %dma_wait3A] : memref<10240x128xf32, #tpu.memory_space<vmem_shared>> -> memref<128x128xf32, #tpu.memory_space<vmem_shared>>
      %dma_wait3A_90 = arith.constant 0 : i32
      %dma_wait3A_91 = tpu.memref_slice %arg11[%add3A_77, %dma_wait3A_90] : memref<10240x128xf32, #tpu.memory_space<vmem_shared>> -> memref<128x128xf32, #tpu.memory_space<vmem_shared>>
      tpu.wait_dma2 semaphore(%run_scoped3A : memref<!tpu.dma_semaphore, #tpu.memory_space<semaphore_mem>>) src(%dma_wait3A_91 : memref<128x128xf32, #tpu.memory_space<vmem_shared>>) dst(%arg9 : memref<128x128xf32, #tpu.memory_space<vmem>>)
      tpu.yield
    }) : () -> ()
    "tpu.region"() ({
      %run_scoped3A = tpu.sem_alloc : memref<!tpu.dma_semaphore, #tpu.memory_space<semaphore_mem>>
      %dma_start3A = arith.constant 0 : i32
      %dma_start3A_86 = tpu.memref_slice %arg6[%arg0, %add3A_77, %dma_start3A] : memref<2x10240x128xf32, #tpu.memory_space<hbm>> -> memref<1x128x128xf32, #tpu.memory_space<hbm>>
      %dma_start3A_87 = tpu.memref_squeeze %dma_start3A_86 : memref<1x128x128xf32, #tpu.memory_space<hbm>> -> memref<128x128xf32, #tpu.memory_space<hbm>>
      %dma_start3A_88 = arith.constant 0 : i32
      %dma_start3A_89 = tpu.memref_slice %arg6[%arg0, %add3A_77, %dma_start3A_88] : memref<2x10240x128xf32, #tpu.memory_space<hbm>> -> memref<1x128x128xf32, #tpu.memory_space<hbm>>
      %dma_start3A_90 = tpu.memref_squeeze %dma_start3A_89 : memref<1x128x128xf32, #tpu.memory_space<hbm>> -> memref<128x128xf32, #tpu.memory_space<hbm>>
      tpu.enqueue_dma source(%arg9 : memref<128x128xf32, #tpu.memory_space<vmem>>) target(%dma_start3A_90 : memref<128x128xf32, #tpu.memory_space<hbm>>) target_semaphore(%run_scoped3A : memref<!tpu.dma_semaphore, #tpu.memory_space<semaphore_mem>>)
      %dma_wait3A = arith.constant 0 : i32
      %dma_wait3A_91 = tpu.memref_slice %arg6[%arg0, %add3A_77, %dma_wait3A] : memref<2x10240x128xf32, #tpu.memory_space<hbm>> -> memref<1x128x128xf32, #tpu.memory_space<hbm>>
      %dma_wait3A_92 = tpu.memref_squeeze %dma_wait3A_91 : memref<1x128x128xf32, #tpu.memory_space<hbm>> -> memref<128x128xf32, #tpu.memory_space<hbm>>
      %dma_wait3A_93 = arith.constant 0 : i32
      %dma_wait3A_94 = tpu.memref_slice %arg6[%arg0, %add3A_77, %dma_wait3A_93] : memref<2x10240x128xf32, #tpu.memory_space<hbm>> -> memref<1x128x128xf32, #tpu.memory_space<hbm>>
      %dma_wait3A_95 = tpu.memref_squeeze %dma_wait3A_94 : memref<1x128x128xf32, #tpu.memory_space<hbm>> -> memref<128x128xf32, #tpu.memory_space<hbm>>
      tpu.wait_dma2 semaphore(%run_scoped3A : memref<!tpu.dma_semaphore, #tpu.memory_space<semaphore_mem>>) src(%arg9 : memref<128x128xf32, #tpu.memory_space<vmem>>) dst(%dma_wait3A_95 : memref<128x128xf32, #tpu.memory_space<hbm>>)
      tpu.yield
    }) : () -> ()
    %mul3A_78 = arith.constant 640 : i32
    %mul3A_79 = arith.muli %arg1, %mul3A_78 : i32
    %add3A_80 = arith.constant 384 : i32
    %add3A_81 = arith.addi %mul3A_79, %add3A_80 : i32
    "tpu.region"() ({
      %run_scoped3A = tpu.sem_alloc : memref<!tpu.dma_semaphore, #tpu.memory_space<semaphore_mem>>
      %dma_start3A = arith.constant 0 : i32
      %dma_start3A_86 = tpu.memref_slice %arg11[%add3A_81, %dma_start3A] : memref<10240x128xf32, #tpu.memory_space<vmem_shared>> -> memref<128x128xf32, #tpu.memory_space<vmem_shared>>
      %dma_start3A_87 = arith.constant 0 : i32
      %dma_start3A_88 = tpu.memref_slice %arg11[%add3A_81, %dma_start3A_87] : memref<10240x128xf32, #tpu.memory_space<vmem_shared>> -> memref<128x128xf32, #tpu.memory_space<vmem_shared>>
      tpu.enqueue_dma source(%dma_start3A_88 : memref<128x128xf32, #tpu.memory_space<vmem_shared>>) target(%arg9 : memref<128x128xf32, #tpu.memory_space<vmem>>) target_semaphore(%run_scoped3A : memref<!tpu.dma_semaphore, #tpu.memory_space<semaphore_mem>>)
      %dma_wait3A = arith.constant 0 : i32
      %dma_wait3A_89 = tpu.memref_slice %arg11[%add3A_81, %dma_wait3A] : memref<10240x128xf32, #tpu.memory_space<vmem_shared>> -> memref<128x128xf32, #tpu.memory_space<vmem_shared>>
      %dma_wait3A_90 = arith.constant 0 : i32
      %dma_wait3A_91 = tpu.memref_slice %arg11[%add3A_81, %dma_wait3A_90] : memref<10240x128xf32, #tpu.memory_space<vmem_shared>> -> memref<128x128xf32, #tpu.memory_space<vmem_shared>>
      tpu.wait_dma2 semaphore(%run_scoped3A : memref<!tpu.dma_semaphore, #tpu.memory_space<semaphore_mem>>) src(%dma_wait3A_91 : memref<128x128xf32, #tpu.memory_space<vmem_shared>>) dst(%arg9 : memref<128x128xf32, #tpu.memory_space<vmem>>)
      tpu.yield
    }) : () -> ()
    "tpu.region"() ({
      %run_scoped3A = tpu.sem_alloc : memref<!tpu.dma_semaphore, #tpu.memory_space<semaphore_mem>>
      %dma_start3A = arith.constant 0 : i32
      %dma_start3A_86 = tpu.memref_slice %arg6[%arg0, %add3A_81, %dma_start3A] : memref<2x10240x128xf32, #tpu.memory_space<hbm>> -> memref<1x128x128xf32, #tpu.memory_space<hbm>>
      %dma_start3A_87 = tpu.memref_squeeze %dma_start3A_86 : memref<1x128x128xf32, #tpu.memory_space<hbm>> -> memref<128x128xf32, #tpu.memory_space<hbm>>
      %dma_start3A_88 = arith.constant 0 : i32
      %dma_start3A_89 = tpu.memref_slice %arg6[%arg0, %add3A_81, %dma_start3A_88] : memref<2x10240x128xf32, #tpu.memory_space<hbm>> -> memref<1x128x128xf32, #tpu.memory_space<hbm>>
      %dma_start3A_90 = tpu.memref_squeeze %dma_start3A_89 : memref<1x128x128xf32, #tpu.memory_space<hbm>> -> memref<128x128xf32, #tpu.memory_space<hbm>>
      tpu.enqueue_dma source(%arg9 : memref<128x128xf32, #tpu.memory_space<vmem>>) target(%dma_start3A_90 : memref<128x128xf32, #tpu.memory_space<hbm>>) target_semaphore(%run_scoped3A : memref<!tpu.dma_semaphore, #tpu.memory_space<semaphore_mem>>)
      %dma_wait3A = arith.constant 0 : i32
      %dma_wait3A_91 = tpu.memref_slice %arg6[%arg0, %add3A_81, %dma_wait3A] : memref<2x10240x128xf32, #tpu.memory_space<hbm>> -> memref<1x128x128xf32, #tpu.memory_space<hbm>>
      %dma_wait3A_92 = tpu.memref_squeeze %dma_wait3A_91 : memref<1x128x128xf32, #tpu.memory_space<hbm>> -> memref<128x128xf32, #tpu.memory_space<hbm>>
      %dma_wait3A_93 = arith.constant 0 : i32
      %dma_wait3A_94 = tpu.memref_slice %arg6[%arg0, %add3A_81, %dma_wait3A_93] : memref<2x10240x128xf32, #tpu.memory_space<hbm>> -> memref<1x128x128xf32, #tpu.memory_space<hbm>>
      %dma_wait3A_95 = tpu.memref_squeeze %dma_wait3A_94 : memref<1x128x128xf32, #tpu.memory_space<hbm>> -> memref<128x128xf32, #tpu.memory_space<hbm>>
      tpu.wait_dma2 semaphore(%run_scoped3A : memref<!tpu.dma_semaphore, #tpu.memory_space<semaphore_mem>>) src(%arg9 : memref<128x128xf32, #tpu.memory_space<vmem>>) dst(%dma_wait3A_95 : memref<128x128xf32, #tpu.memory_space<hbm>>)
      tpu.yield
    }) : () -> ()
    %mul3A_82 = arith.constant 640 : i32
    %mul3A_83 = arith.muli %arg1, %mul3A_82 : i32
    %add3A_84 = arith.constant 512 : i32
    %add3A_85 = arith.addi %mul3A_83, %add3A_84 : i32
    "tpu.region"() ({
      %run_scoped3A = tpu.sem_alloc : memref<!tpu.dma_semaphore, #tpu.memory_space<semaphore_mem>>
      %dma_start3A = arith.constant 0 : i32
      %dma_start3A_86 = tpu.memref_slice %arg11[%add3A_85, %dma_start3A] : memref<10240x128xf32, #tpu.memory_space<vmem_shared>> -> memref<128x128xf32, #tpu.memory_space<vmem_shared>>
      %dma_start3A_87 = arith.constant 0 : i32
      %dma_start3A_88 = tpu.memref_slice %arg11[%add3A_85, %dma_start3A_87] : memref<10240x128xf32, #tpu.memory_space<vmem_shared>> -> memref<128x128xf32, #tpu.memory_space<vmem_shared>>
      tpu.enqueue_dma source(%dma_start3A_88 : memref<128x128xf32, #tpu.memory_space<vmem_shared>>) target(%arg9 : memref<128x128xf32, #tpu.memory_space<vmem>>) target_semaphore(%run_scoped3A : memref<!tpu.dma_semaphore, #tpu.memory_space<semaphore_mem>>)
      %dma_wait3A = arith.constant 0 : i32
      %dma_wait3A_89 = tpu.memref_slice %arg11[%add3A_85, %dma_wait3A] : memref<10240x128xf32, #tpu.memory_space<vmem_shared>> -> memref<128x128xf32, #tpu.memory_space<vmem_shared>>
      %dma_wait3A_90 = arith.constant 0 : i32
      %dma_wait3A_91 = tpu.memref_slice %arg11[%add3A_85, %dma_wait3A_90] : memref<10240x128xf32, #tpu.memory_space<vmem_shared>> -> memref<128x128xf32, #tpu.memory_space<vmem_shared>>
      tpu.wait_dma2 semaphore(%run_scoped3A : memref<!tpu.dma_semaphore, #tpu.memory_space<semaphore_mem>>) src(%dma_wait3A_91 : memref<128x128xf32, #tpu.memory_space<vmem_shared>>) dst(%arg9 : memref<128x128xf32, #tpu.memory_space<vmem>>)
      tpu.yield
    }) : () -> ()
    "tpu.region"() ({
      %run_scoped3A = tpu.sem_alloc : memref<!tpu.dma_semaphore, #tpu.memory_space<semaphore_mem>>
      %dma_start3A = arith.constant 0 : i32
      %dma_start3A_86 = tpu.memref_slice %arg6[%arg0, %add3A_85, %dma_start3A] : memref<2x10240x128xf32, #tpu.memory_space<hbm>> -> memref<1x128x128xf32, #tpu.memory_space<hbm>>
      %dma_start3A_87 = tpu.memref_squeeze %dma_start3A_86 : memref<1x128x128xf32, #tpu.memory_space<hbm>> -> memref<128x128xf32, #tpu.memory_space<hbm>>
      %dma_start3A_88 = arith.constant 0 : i32
      %dma_start3A_89 = tpu.memref_slice %arg6[%arg0, %add3A_85, %dma_start3A_88] : memref<2x10240x128xf32, #tpu.memory_space<hbm>> -> memref<1x128x128xf32, #tpu.memory_space<hbm>>
      %dma_start3A_90 = tpu.memref_squeeze %dma_start3A_89 : memref<1x128x128xf32, #tpu.memory_space<hbm>> -> memref<128x128xf32, #tpu.memory_space<hbm>>
      tpu.enqueue_dma source(%arg9 : memref<128x128xf32, #tpu.memory_space<vmem>>) target(%dma_start3A_90 : memref<128x128xf32, #tpu.memory_space<hbm>>) target_semaphore(%run_scoped3A : memref<!tpu.dma_semaphore, #tpu.memory_space<semaphore_mem>>)
      %dma_wait3A = arith.constant 0 : i32
      %dma_wait3A_91 = tpu.memref_slice %arg6[%arg0, %add3A_85, %dma_wait3A] : memref<2x10240x128xf32, #tpu.memory_space<hbm>> -> memref<1x128x128xf32, #tpu.memory_space<hbm>>
      %dma_wait3A_92 = tpu.memref_squeeze %dma_wait3A_91 : memref<1x128x128xf32, #tpu.memory_space<hbm>> -> memref<128x128xf32, #tpu.memory_space<hbm>>
      %dma_wait3A_93 = arith.constant 0 : i32
      %dma_wait3A_94 = tpu.memref_slice %arg6[%arg0, %add3A_85, %dma_wait3A_93] : memref<2x10240x128xf32, #tpu.memory_space<hbm>> -> memref<1x128x128xf32, #tpu.memory_space<hbm>>
      %dma_wait3A_95 = tpu.memref_squeeze %dma_wait3A_94 : memref<1x128x128xf32, #tpu.memory_space<hbm>> -> memref<128x128xf32, #tpu.memory_space<hbm>>
      tpu.wait_dma2 semaphore(%run_scoped3A : memref<!tpu.dma_semaphore, #tpu.memory_space<semaphore_mem>>) src(%arg9 : memref<128x128xf32, #tpu.memory_space<vmem>>) dst(%dma_wait3A_95 : memref<128x128xf32, #tpu.memory_space<hbm>>)
      tpu.yield
    }) : () -> ()
    return
  }
}

#map = affine_map<(d0, d1) -> (0, 0)>
#map1 = affine_map<(d0, d1) -> (0, 0, 0)>
module attributes {stable_mosaic.version = 14 : i64} {
  func.func @_sc_agg_body(%arg0: i32, %arg1: i32, %arg2: memref<10000x128xf32, #tpu.memory_space<hbm>>, %arg3: memref<2560x128xi32, #tpu.memory_space<hbm>>, %arg4: memref<2560x128xi32, #tpu.memory_space<hbm>>, %arg5: memref<128x128xf32, #tpu.memory_space<hbm>>, %arg6: memref<2x10240x128xf32, #tpu.memory_space<hbm>>, %arg7: memref<40x128xi32, #tpu.memory_space<vmem>>, %arg8: memref<40x128xi32, #tpu.memory_space<vmem>>, %arg9: memref<128x128xf32, #tpu.memory_space<vmem>>, %arg10: memref<128x128xf32, #tpu.memory_space<vmem>>, %arg11: memref<10240x128xf32, #tpu.memory_space<vmem_shared>>, %arg12: memref<!tpu.dma_semaphore, #tpu.memory_space<semaphore_mem>>, %arg13: memref<!tpu.dma_semaphore, #tpu.memory_space<semaphore_mem>>) attributes {dimension_semantics = [#tpu.dimension_semantics<core_parallel>, #tpu.dimension_semantics<subcore_parallel>], iteration_bounds = array<i64: 2, 16>, scalar_prefetch = 0 : i64, scratch_operands = 7 : i64, tpu.core_type = #tpu.core_type<sc_vector_subcore>, window_params = [{transform_indices = #map}, {transform_indices = #map}, {transform_indices = #map}, {transform_indices = #map}, {transform_indices = #map1}]} {
    %eq3A = arith.constant 0 : i32
    %eq3A_0 = arith.cmpi eq, %arg0, %eq3A : i32
    %jit3A = arith.constant 120 : i32
    %jit3A_1 = arith.constant 40 : i32
    %select_n3A = arith.select %eq3A_0, %jit3A, %jit3A_1 : i32
    %eq3A_2 = arith.constant 0 : i32
    %eq3A_3 = arith.cmpi eq, %arg0, %eq3A_2 : i32
    %mul3A = arith.constant 120 : i32
    %mul3A_4 = arith.muli %arg1, %mul3A : i32
    %mul3A_5 = arith.constant 40 : i32
    %mul3A_6 = arith.muli %arg1, %mul3A_5 : i32
    %add3A = arith.constant 1920 : i32
    %add3A_7 = arith.addi %add3A, %mul3A_6 : i32
    %select_n3A_8 = arith.select %eq3A_3, %mul3A_4, %add3A_7 : i32
    "tpu.region"() ({
      %run_scoped3A = tpu.sem_alloc : memref<!tpu.dma_semaphore, #tpu.memory_space<semaphore_mem>>
      tpu.enqueue_dma source(%arg5 : memref<128x128xf32, #tpu.memory_space<hbm>>) target(%arg9 : memref<128x128xf32, #tpu.memory_space<vmem>>) target_semaphore(%run_scoped3A : memref<!tpu.dma_semaphore, #tpu.memory_space<semaphore_mem>>)
      tpu.wait_dma2 semaphore(%run_scoped3A : memref<!tpu.dma_semaphore, #tpu.memory_space<semaphore_mem>>) src(%arg5 : memref<128x128xf32, #tpu.memory_space<hbm>>) dst(%arg9 : memref<128x128xf32, #tpu.memory_space<vmem>>)
      tpu.yield
    }) : () -> ()
    %mul3A_9 = arith.constant 640 : i32
    %mul3A_10 = arith.muli %arg1, %mul3A_9 : i32
    %add3A_11 = arith.constant 0 : i32
    %add3A_12 = arith.addi %mul3A_10, %add3A_11 : i32
    "tpu.region"() ({
      %run_scoped3A = tpu.sem_alloc : memref<!tpu.dma_semaphore, #tpu.memory_space<semaphore_mem>>
      %dma_start3A = arith.constant 0 : i32
      %dma_start3A_86 = tpu.memref_slice %arg11[%add3A_12, %dma_start3A] : memref<10240x128xf32, #tpu.memory_space<vmem_shared>> -> memref<128x128xf32, #tpu.memory_space<vmem_shared>>
      %dma_start3A_87 = arith.constant 0 : i32
      %dma_start3A_88 = tpu.memref_slice %arg11[%add3A_12, %dma_start3A_87] : memref<10240x128xf32, #tpu.memory_space<vmem_shared>> -> memref<128x128xf32, #tpu.memory_space<vmem_shared>>
      tpu.enqueue_dma source(%arg9 : memref<128x128xf32, #tpu.memory_space<vmem>>) target(%dma_start3A_88 : memref<128x128xf32, #tpu.memory_space<vmem_shared>>) target_semaphore(%run_scoped3A : memref<!tpu.dma_semaphore, #tpu.memory_space<semaphore_mem>>)
      %dma_wait3A = arith.constant 0 : i32
      %dma_wait3A_89 = tpu.memref_slice %arg11[%add3A_12, %dma_wait3A] : memref<10240x128xf32, #tpu.memory_space<vmem_shared>> -> memref<128x128xf32, #tpu.memory_space<vmem_shared>>
      %dma_wait3A_90 = arith.constant 0 : i32
      %dma_wait3A_91 = tpu.memref_slice %arg11[%add3A_12, %dma_wait3A_90] : memref<10240x128xf32, #tpu.memory_space<vmem_shared>> -> memref<128x128xf32, #tpu.memory_space<vmem_shared>>
      tpu.wait_dma2 semaphore(%run_scoped3A : memref<!tpu.dma_semaphore, #tpu.memory_space<semaphore_mem>>) src(%arg9 : memref<128x128xf32, #tpu.memory_space<vmem>>) dst(%dma_wait3A_91 : memref<128x128xf32, #tpu.memory_space<vmem_shared>>)
      tpu.yield
    }) : () -> ()
    %mul3A_13 = arith.constant 640 : i32
    %mul3A_14 = arith.muli %arg1, %mul3A_13 : i32
    %add3A_15 = arith.constant 128 : i32
    %add3A_16 = arith.addi %mul3A_14, %add3A_15 : i32
    "tpu.region"() ({
      %run_scoped3A = tpu.sem_alloc : memref<!tpu.dma_semaphore, #tpu.memory_space<semaphore_mem>>
      %dma_start3A = arith.constant 0 : i32
      %dma_start3A_86 = tpu.memref_slice %arg11[%add3A_16, %dma_start3A] : memref<10240x128xf32, #tpu.memory_space<vmem_shared>> -> memref<128x128xf32, #tpu.memory_space<vmem_shared>>
      %dma_start3A_87 = arith.constant 0 : i32
      %dma_start3A_88 = tpu.memref_slice %arg11[%add3A_16, %dma_start3A_87] : memref<10240x128xf32, #tpu.memory_space<vmem_shared>> -> memref<128x128xf32, #tpu.memory_space<vmem_shared>>
      tpu.enqueue_dma source(%arg9 : memref<128x128xf32, #tpu.memory_space<vmem>>) target(%dma_start3A_88 : memref<128x128xf32, #tpu.memory_space<vmem_shared>>) target_semaphore(%run_scoped3A : memref<!tpu.dma_semaphore, #tpu.memory_space<semaphore_mem>>)
      %dma_wait3A = arith.constant 0 : i32
      %dma_wait3A_89 = tpu.memref_slice %arg11[%add3A_16, %dma_wait3A] : memref<10240x128xf32, #tpu.memory_space<vmem_shared>> -> memref<128x128xf32, #tpu.memory_space<vmem_shared>>
      %dma_wait3A_90 = arith.constant 0 : i32
      %dma_wait3A_91 = tpu.memref_slice %arg11[%add3A_16, %dma_wait3A_90] : memref<10240x128xf32, #tpu.memory_space<vmem_shared>> -> memref<128x128xf32, #tpu.memory_space<vmem_shared>>
      tpu.wait_dma2 semaphore(%run_scoped3A : memref<!tpu.dma_semaphore, #tpu.memory_space<semaphore_mem>>) src(%arg9 : memref<128x128xf32, #tpu.memory_space<vmem>>) dst(%dma_wait3A_91 : memref<128x128xf32, #tpu.memory_space<vmem_shared>>)
      tpu.yield
    }) : () -> ()
    %mul3A_17 = arith.constant 640 : i32
    %mul3A_18 = arith.muli %arg1, %mul3A_17 : i32
    %add3A_19 = arith.constant 256 : i32
    %add3A_20 = arith.addi %mul3A_18, %add3A_19 : i32
    "tpu.region"() ({
      %run_scoped3A = tpu.sem_alloc : memref<!tpu.dma_semaphore, #tpu.memory_space<semaphore_mem>>
      %dma_start3A = arith.constant 0 : i32
      %dma_start3A_86 = tpu.memref_slice %arg11[%add3A_20, %dma_start3A] : memref<10240x128xf32, #tpu.memory_space<vmem_shared>> -> memref<128x128xf32, #tpu.memory_space<vmem_shared>>
      %dma_start3A_87 = arith.constant 0 : i32
      %dma_start3A_88 = tpu.memref_slice %arg11[%add3A_20, %dma_start3A_87] : memref<10240x128xf32, #tpu.memory_space<vmem_shared>> -> memref<128x128xf32, #tpu.memory_space<vmem_shared>>
      tpu.enqueue_dma source(%arg9 : memref<128x128xf32, #tpu.memory_space<vmem>>) target(%dma_start3A_88 : memref<128x128xf32, #tpu.memory_space<vmem_shared>>) target_semaphore(%run_scoped3A : memref<!tpu.dma_semaphore, #tpu.memory_space<semaphore_mem>>)
      %dma_wait3A = arith.constant 0 : i32
      %dma_wait3A_89 = tpu.memref_slice %arg11[%add3A_20, %dma_wait3A] : memref<10240x128xf32, #tpu.memory_space<vmem_shared>> -> memref<128x128xf32, #tpu.memory_space<vmem_shared>>
      %dma_wait3A_90 = arith.constant 0 : i32
      %dma_wait3A_91 = tpu.memref_slice %arg11[%add3A_20, %dma_wait3A_90] : memref<10240x128xf32, #tpu.memory_space<vmem_shared>> -> memref<128x128xf32, #tpu.memory_space<vmem_shared>>
      tpu.wait_dma2 semaphore(%run_scoped3A : memref<!tpu.dma_semaphore, #tpu.memory_space<semaphore_mem>>) src(%arg9 : memref<128x128xf32, #tpu.memory_space<vmem>>) dst(%dma_wait3A_91 : memref<128x128xf32, #tpu.memory_space<vmem_shared>>)
      tpu.yield
    }) : () -> ()
    %mul3A_21 = arith.constant 640 : i32
    %mul3A_22 = arith.muli %arg1, %mul3A_21 : i32
    %add3A_23 = arith.constant 384 : i32
    %add3A_24 = arith.addi %mul3A_22, %add3A_23 : i32
    "tpu.region"() ({
      %run_scoped3A = tpu.sem_alloc : memref<!tpu.dma_semaphore, #tpu.memory_space<semaphore_mem>>
      %dma_start3A = arith.constant 0 : i32
      %dma_start3A_86 = tpu.memref_slice %arg11[%add3A_24, %dma_start3A] : memref<10240x128xf32, #tpu.memory_space<vmem_shared>> -> memref<128x128xf32, #tpu.memory_space<vmem_shared>>
      %dma_start3A_87 = arith.constant 0 : i32
      %dma_start3A_88 = tpu.memref_slice %arg11[%add3A_24, %dma_start3A_87] : memref<10240x128xf32, #tpu.memory_space<vmem_shared>> -> memref<128x128xf32, #tpu.memory_space<vmem_shared>>
      tpu.enqueue_dma source(%arg9 : memref<128x128xf32, #tpu.memory_space<vmem>>) target(%dma_start3A_88 : memref<128x128xf32, #tpu.memory_space<vmem_shared>>) target_semaphore(%run_scoped3A : memref<!tpu.dma_semaphore, #tpu.memory_space<semaphore_mem>>)
      %dma_wait3A = arith.constant 0 : i32
      %dma_wait3A_89 = tpu.memref_slice %arg11[%add3A_24, %dma_wait3A] : memref<10240x128xf32, #tpu.memory_space<vmem_shared>> -> memref<128x128xf32, #tpu.memory_space<vmem_shared>>
      %dma_wait3A_90 = arith.constant 0 : i32
      %dma_wait3A_91 = tpu.memref_slice %arg11[%add3A_24, %dma_wait3A_90] : memref<10240x128xf32, #tpu.memory_space<vmem_shared>> -> memref<128x128xf32, #tpu.memory_space<vmem_shared>>
      tpu.wait_dma2 semaphore(%run_scoped3A : memref<!tpu.dma_semaphore, #tpu.memory_space<semaphore_mem>>) src(%arg9 : memref<128x128xf32, #tpu.memory_space<vmem>>) dst(%dma_wait3A_91 : memref<128x128xf32, #tpu.memory_space<vmem_shared>>)
      tpu.yield
    }) : () -> ()
    %mul3A_25 = arith.constant 640 : i32
    %mul3A_26 = arith.muli %arg1, %mul3A_25 : i32
    %add3A_27 = arith.constant 512 : i32
    %add3A_28 = arith.addi %mul3A_26, %add3A_27 : i32
    "tpu.region"() ({
      %run_scoped3A = tpu.sem_alloc : memref<!tpu.dma_semaphore, #tpu.memory_space<semaphore_mem>>
      %dma_start3A = arith.constant 0 : i32
      %dma_start3A_86 = tpu.memref_slice %arg11[%add3A_28, %dma_start3A] : memref<10240x128xf32, #tpu.memory_space<vmem_shared>> -> memref<128x128xf32, #tpu.memory_space<vmem_shared>>
      %dma_start3A_87 = arith.constant 0 : i32
      %dma_start3A_88 = tpu.memref_slice %arg11[%add3A_28, %dma_start3A_87] : memref<10240x128xf32, #tpu.memory_space<vmem_shared>> -> memref<128x128xf32, #tpu.memory_space<vmem_shared>>
      tpu.enqueue_dma source(%arg9 : memref<128x128xf32, #tpu.memory_space<vmem>>) target(%dma_start3A_88 : memref<128x128xf32, #tpu.memory_space<vmem_shared>>) target_semaphore(%run_scoped3A : memref<!tpu.dma_semaphore, #tpu.memory_space<semaphore_mem>>)
      %dma_wait3A = arith.constant 0 : i32
      %dma_wait3A_89 = tpu.memref_slice %arg11[%add3A_28, %dma_wait3A] : memref<10240x128xf32, #tpu.memory_space<vmem_shared>> -> memref<128x128xf32, #tpu.memory_space<vmem_shared>>
      %dma_wait3A_90 = arith.constant 0 : i32
      %dma_wait3A_91 = tpu.memref_slice %arg11[%add3A_28, %dma_wait3A_90] : memref<10240x128xf32, #tpu.memory_space<vmem_shared>> -> memref<128x128xf32, #tpu.memory_space<vmem_shared>>
      tpu.wait_dma2 semaphore(%run_scoped3A : memref<!tpu.dma_semaphore, #tpu.memory_space<semaphore_mem>>) src(%arg9 : memref<128x128xf32, #tpu.memory_space<vmem>>) dst(%dma_wait3A_91 : memref<128x128xf32, #tpu.memory_space<vmem_shared>>)
      tpu.yield
    }) : () -> ()
    %barrier3A = arith.constant 0 : index
    tpu.barrier barrier_id(%barrier3A)
    %jit3A_29 = arith.constant 40 : i32
    %div3A = arith.divsi %select_n3A, %jit3A_29 : i32
    %sign3A = arith.constant 0 : i32
    %sign3A_30 = arith.cmpi sgt, %select_n3A, %sign3A : i32
    %sign3A_31 = arith.extui %sign3A_30 : i1 to i32
    %sign3A_32 = arith.constant 0 : i32
    %sign3A_33 = arith.cmpi slt, %select_n3A, %sign3A_32 : i32
    %sign3A_34 = arith.extui %sign3A_33 : i1 to i32
    %sign3A_35 = arith.subi %sign3A_31, %sign3A_34 : i32
    %sign3A_36 = arith.constant 0 : i32
    %sign3A_37 = arith.cmpi sgt, %jit3A_29, %sign3A_36 : i32
    %sign3A_38 = arith.extui %sign3A_37 : i1 to i32
    %sign3A_39 = arith.constant 0 : i32
    %sign3A_40 = arith.cmpi slt, %jit3A_29, %sign3A_39 : i32
    %sign3A_41 = arith.extui %sign3A_40 : i1 to i32
    %sign3A_42 = arith.subi %sign3A_38, %sign3A_41 : i32
    %ne3A = arith.cmpi ne, %sign3A_35, %sign3A_42 : i32
    %rem3A = arith.remsi %select_n3A, %jit3A_29 : i32
    %ne3A_43 = arith.constant 0 : i32
    %ne3A_44 = arith.cmpi ne, %rem3A, %ne3A_43 : i32
    %and3A = arith.andi %ne3A, %ne3A_44 : i1
    %sub3A = arith.constant 1 : i32
    %sub3A_45 = arith.subi %div3A, %sub3A : i32
    %select_n3A_46 = arith.select %and3A, %sub3A_45, %div3A : i32
    %sub3A_47 = arith.constant 0 : i32
    %sub3A_48 = arith.subi %select_n3A_46, %sub3A_47 : i32
    %sub3A_49 = arith.constant 1 : i32
    %sub3A_50 = arith.constant 1 : i32
    %sub3A_51 = arith.subi %sub3A_49, %sub3A_50 : i32
    %add3A_52 = arith.addi %sub3A_48, %sub3A_51 : i32
    %div3A_53 = arith.constant 1 : i32
    %div3A_54 = arith.divsi %add3A_52, %div3A_53 : i32
    %while3A = arith.constant 1 : i32
    %while3A_55 = arith.constant 0 : i32
    %while3A_56 = arith.constant 0 : i32
    %while3A_57 = arith.subi %div3A_54, %while3A_56 : i32
    %while3A_58 = arith.addi %while3A_56, %while3A_57 : i32
    %while3A_59 = arith.constant 1 : i32
    %while3A_60 = arith.divsi %while3A_57, %while3A_59 : i32
    %while3A_61 = arith.muli %while3A_60, %while3A_59 : i32
    %while3A_62 = arith.addi %while3A_56, %while3A_61 : i32
    %while3A_63 = arith.constant 1 : i32
    scf.for %while3A_86 = %while3A_56 to %while3A_62 step %while3A_63  : i32 {
      %mul3A_87 = arith.muli %while3A_86, %while3A : i32
      %add3A_88 = arith.addi %while3A_55, %mul3A_87 : i32
      %mul3A_89 = arith.constant 40 : i32
      %mul3A_90 = arith.muli %add3A_88, %mul3A_89 : i32
      %add3A_91 = arith.addi %select_n3A_8, %mul3A_90 : i32
      %multiple_of3A = tpu.assume_multiple %add3A_91, 8 : i32
      "tpu.region"() ({
        %run_scoped3A_123 = tpu.sem_alloc : memref<!tpu.dma_semaphore, #tpu.memory_space<semaphore_mem>>
        %dma_start3A_124 = arith.constant 0 : i32
        %dma_start3A_125 = tpu.memref_slice %arg3[%multiple_of3A, %dma_start3A_124] : memref<2560x128xi32, #tpu.memory_space<hbm>> -> memref<40x128xi32, #tpu.memory_space<hbm>>
        %dma_start3A_126 = arith.constant 0 : i32
        %dma_start3A_127 = tpu.memref_slice %arg3[%multiple_of3A, %dma_start3A_126] : memref<2560x128xi32, #tpu.memory_space<hbm>> -> memref<40x128xi32, #tpu.memory_space<hbm>>
        tpu.enqueue_dma source(%dma_start3A_127 : memref<40x128xi32, #tpu.memory_space<hbm>>) target(%arg7 : memref<40x128xi32, #tpu.memory_space<vmem>>) target_semaphore(%run_scoped3A_123 : memref<!tpu.dma_semaphore, #tpu.memory_space<semaphore_mem>>)
        %dma_wait3A_128 = arith.constant 0 : i32
        %dma_wait3A_129 = tpu.memref_slice %arg3[%multiple_of3A, %dma_wait3A_128] : memref<2560x128xi32, #tpu.memory_space<hbm>> -> memref<40x128xi32, #tpu.memory_space<hbm>>
        %dma_wait3A_130 = arith.constant 0 : i32
        %dma_wait3A_131 = tpu.memref_slice %arg3[%multiple_of3A, %dma_wait3A_130] : memref<2560x128xi32, #tpu.memory_space<hbm>> -> memref<40x128xi32, #tpu.memory_space<hbm>>
        tpu.wait_dma2 semaphore(%run_scoped3A_123 : memref<!tpu.dma_semaphore, #tpu.memory_space<semaphore_mem>>) src(%dma_wait3A_131 : memref<40x128xi32, #tpu.memory_space<hbm>>) dst(%arg7 : memref<40x128xi32, #tpu.memory_space<vmem>>)
        tpu.yield
      }) : () -> ()
      "tpu.region"() ({
        %run_scoped3A_123 = tpu.sem_alloc : memref<!tpu.dma_semaphore, #tpu.memory_space<semaphore_mem>>
        %dma_start3A_124 = arith.constant 0 : i32
        %dma_start3A_125 = tpu.memref_slice %arg4[%multiple_of3A, %dma_start3A_124] : memref<2560x128xi32, #tpu.memory_space<hbm>> -> memref<40x128xi32, #tpu.memory_space<hbm>>
        %dma_start3A_126 = arith.constant 0 : i32
        %dma_start3A_127 = tpu.memref_slice %arg4[%multiple_of3A, %dma_start3A_126] : memref<2560x128xi32, #tpu.memory_space<hbm>> -> memref<40x128xi32, #tpu.memory_space<hbm>>
        tpu.enqueue_dma source(%dma_start3A_127 : memref<40x128xi32, #tpu.memory_space<hbm>>) target(%arg8 : memref<40x128xi32, #tpu.memory_space<vmem>>) target_semaphore(%run_scoped3A_123 : memref<!tpu.dma_semaphore, #tpu.memory_space<semaphore_mem>>)
        %dma_wait3A_128 = arith.constant 0 : i32
        %dma_wait3A_129 = tpu.memref_slice %arg4[%multiple_of3A, %dma_wait3A_128] : memref<2560x128xi32, #tpu.memory_space<hbm>> -> memref<40x128xi32, #tpu.memory_space<hbm>>
        %dma_wait3A_130 = arith.constant 0 : i32
        %dma_wait3A_131 = tpu.memref_slice %arg4[%multiple_of3A, %dma_wait3A_130] : memref<2560x128xi32, #tpu.memory_space<hbm>> -> memref<40x128xi32, #tpu.memory_space<hbm>>
        tpu.wait_dma2 semaphore(%run_scoped3A_123 : memref<!tpu.dma_semaphore, #tpu.memory_space<semaphore_mem>>) src(%dma_wait3A_131 : memref<40x128xi32, #tpu.memory_space<hbm>>) dst(%arg8 : memref<40x128xi32, #tpu.memory_space<vmem>>)
        tpu.yield
      }) : () -> ()
      %dma_start3A = arith.constant 0 : i32
      %dma_start3A_92 = arith.constant 0 : i32
      %dma_start3A_93 = tpu.memref_slice %arg7[%dma_start3A, %dma_start3A_92] : memref<40x128xi32, #tpu.memory_space<vmem>> -> memref<1x128xi32, #tpu.memory_space<vmem>>
      %dma_start3A_94 = tpu.memref_squeeze %dma_start3A_93 : memref<1x128xi32, #tpu.memory_space<vmem>> -> memref<128xi32, #tpu.memory_space<vmem>>
      %dma_start3A_95 = arith.constant 0 : i32
      %dma_start3A_96 = arith.constant 0 : i32
      %dma_start3A_97 = tpu.memref_slice %arg2[%dma_start3A_95, %dma_start3A_96] : memref<10000x128xf32, #tpu.memory_space<hbm>> -> memref<10000x128xf32, #tpu.memory_space<hbm>>
      tpu.enqueue_indirect_dma source(%dma_start3A_97 : memref<10000x128xf32, #tpu.memory_space<hbm>>) target(%arg9 : memref<128x128xf32, #tpu.memory_space<vmem>>) offsets(%dma_start3A_94 : memref<128xi32, #tpu.memory_space<vmem>>) semaphore(%arg12 : memref<!tpu.dma_semaphore, #tpu.memory_space<semaphore_mem>>)
      %scan3A = arith.constant 0 : i32
      %scan3A_98 = arith.constant 19 : i32
      %scan3A_99 = arith.addi %scan3A, %scan3A_98 : i32
      %scan3A_100 = arith.constant 1 : i32
      scf.for %scan3A_123 = %scan3A to %scan3A_99 step %scan3A_100  : i32 {
        %mul3A_124 = arith.constant 2 : i32
        %mul3A_125 = arith.muli %scan3A_123, %mul3A_124 : i32
        %add3A_126 = arith.constant 0 : i32
        %add3A_127 = arith.addi %add3A_126, %mul3A_125 : i32
        %dma_wait3A_128 = arith.constant 0 : i32
        %dma_wait3A_129 = tpu.memref_slice %arg7[%add3A_127, %dma_wait3A_128] : memref<40x128xi32, #tpu.memory_space<vmem>> -> memref<1x128xi32, #tpu.memory_space<vmem>>
        %dma_wait3A_130 = tpu.memref_squeeze %dma_wait3A_129 : memref<1x128xi32, #tpu.memory_space<vmem>> -> memref<128xi32, #tpu.memory_space<vmem>>
        %dma_wait3A_131 = arith.constant 0 : i32
        %dma_wait3A_132 = arith.constant 0 : i32
        %dma_wait3A_133 = tpu.memref_slice %arg2[%dma_wait3A_131, %dma_wait3A_132] : memref<10000x128xf32, #tpu.memory_space<hbm>> -> memref<10000x128xf32, #tpu.memory_space<hbm>>
        tpu.wait_indirect_dma semaphore(%arg12 : memref<!tpu.dma_semaphore, #tpu.memory_space<semaphore_mem>>) src(%dma_wait3A_133 : memref<10000x128xf32, #tpu.memory_space<hbm>>) dst(%arg9 : memref<128x128xf32, #tpu.memory_space<vmem>>)
        %add3A_134 = arith.constant 1 : i32
        %add3A_135 = arith.addi %add3A_127, %add3A_134 : i32
        %dma_start3A_136 = arith.constant 0 : i32
        %dma_start3A_137 = tpu.memref_slice %arg7[%add3A_135, %dma_start3A_136] : memref<40x128xi32, #tpu.memory_space<vmem>> -> memref<1x128xi32, #tpu.memory_space<vmem>>
        %dma_start3A_138 = tpu.memref_squeeze %dma_start3A_137 : memref<1x128xi32, #tpu.memory_space<vmem>> -> memref<128xi32, #tpu.memory_space<vmem>>
        %dma_start3A_139 = arith.constant 0 : i32
        %dma_start3A_140 = arith.constant 0 : i32
        %dma_start3A_141 = tpu.memref_slice %arg2[%dma_start3A_139, %dma_start3A_140] : memref<10000x128xf32, #tpu.memory_space<hbm>> -> memref<10000x128xf32, #tpu.memory_space<hbm>>
        tpu.enqueue_indirect_dma source(%dma_start3A_141 : memref<10000x128xf32, #tpu.memory_space<hbm>>) target(%arg10 : memref<128x128xf32, #tpu.memory_space<vmem>>) offsets(%dma_start3A_138 : memref<128xi32, #tpu.memory_space<vmem>>) semaphore(%arg13 : memref<!tpu.dma_semaphore, #tpu.memory_space<semaphore_mem>>)
        "tpu.region"() ({
          %run_scoped3A_160 = tpu.sem_alloc : memref<!tpu.dma_semaphore, #tpu.memory_space<semaphore_mem>>
          %dma_start3A_161 = arith.constant 0 : i32
          %dma_start3A_162 = tpu.memref_slice %arg8[%add3A_127, %dma_start3A_161] : memref<40x128xi32, #tpu.memory_space<vmem>> -> memref<1x128xi32, #tpu.memory_space<vmem>>
          %dma_start3A_163 = tpu.memref_squeeze %dma_start3A_162 : memref<1x128xi32, #tpu.memory_space<vmem>> -> memref<128xi32, #tpu.memory_space<vmem>>
          %dma_start3A_164 = arith.constant 0 : i32
          %dma_start3A_165 = arith.constant 0 : i32
          %dma_start3A_166 = tpu.memref_slice %arg11[%dma_start3A_164, %dma_start3A_165] : memref<10240x128xf32, #tpu.memory_space<vmem_shared>> -> memref<10240x128xf32, #tpu.memory_space<vmem_shared>>
          tpu.enqueue_indirect_dma source(%arg9 : memref<128x128xf32, #tpu.memory_space<vmem>>) target(%dma_start3A_166 : memref<10240x128xf32, #tpu.memory_space<vmem_shared>>) offsets(%dma_start3A_163 : memref<128xi32, #tpu.memory_space<vmem>>) semaphore(%run_scoped3A_160 : memref<!tpu.dma_semaphore, #tpu.memory_space<semaphore_mem>>) {add = true}
          %dma_wait3A_167 = arith.constant 0 : i32
          %dma_wait3A_168 = tpu.memref_slice %arg8[%add3A_127, %dma_wait3A_167] : memref<40x128xi32, #tpu.memory_space<vmem>> -> memref<1x128xi32, #tpu.memory_space<vmem>>
          %dma_wait3A_169 = tpu.memref_squeeze %dma_wait3A_168 : memref<1x128xi32, #tpu.memory_space<vmem>> -> memref<128xi32, #tpu.memory_space<vmem>>
          %dma_wait3A_170 = arith.constant 0 : i32
          %dma_wait3A_171 = arith.constant 0 : i32
          %dma_wait3A_172 = tpu.memref_slice %arg11[%dma_wait3A_170, %dma_wait3A_171] : memref<10240x128xf32, #tpu.memory_space<vmem_shared>> -> memref<10240x128xf32, #tpu.memory_space<vmem_shared>>
          tpu.wait_indirect_dma semaphore(%run_scoped3A_160 : memref<!tpu.dma_semaphore, #tpu.memory_space<semaphore_mem>>) src(%arg9 : memref<128x128xf32, #tpu.memory_space<vmem>>) dst(%dma_wait3A_172 : memref<10240x128xf32, #tpu.memory_space<vmem_shared>>)
          tpu.yield
        }) : () -> ()
        %add3A_142 = arith.constant 1 : i32
        %add3A_143 = arith.addi %add3A_127, %add3A_142 : i32
        %dma_wait3A_144 = arith.constant 0 : i32
        %dma_wait3A_145 = tpu.memref_slice %arg7[%add3A_143, %dma_wait3A_144] : memref<40x128xi32, #tpu.memory_space<vmem>> -> memref<1x128xi32, #tpu.memory_space<vmem>>
        %dma_wait3A_146 = tpu.memref_squeeze %dma_wait3A_145 : memref<1x128xi32, #tpu.memory_space<vmem>> -> memref<128xi32, #tpu.memory_space<vmem>>
        %dma_wait3A_147 = arith.constant 0 : i32
        %dma_wait3A_148 = arith.constant 0 : i32
        %dma_wait3A_149 = tpu.memref_slice %arg2[%dma_wait3A_147, %dma_wait3A_148] : memref<10000x128xf32, #tpu.memory_space<hbm>> -> memref<10000x128xf32, #tpu.memory_space<hbm>>
        tpu.wait_indirect_dma semaphore(%arg13 : memref<!tpu.dma_semaphore, #tpu.memory_space<semaphore_mem>>) src(%dma_wait3A_149 : memref<10000x128xf32, #tpu.memory_space<hbm>>) dst(%arg10 : memref<128x128xf32, #tpu.memory_space<vmem>>)
        %add3A_150 = arith.constant 2 : i32
        %add3A_151 = arith.addi %add3A_127, %add3A_150 : i32
        %dma_start3A_152 = arith.constant 0 : i32
        %dma_start3A_153 = tpu.memref_slice %arg7[%add3A_151, %dma_start3A_152] : memref<40x128xi32, #tpu.memory_space<vmem>> -> memref<1x128xi32, #tpu.memory_space<vmem>>
        %dma_start3A_154 = tpu.memref_squeeze %dma_start3A_153 : memref<1x128xi32, #tpu.memory_space<vmem>> -> memref<128xi32, #tpu.memory_space<vmem>>
        %dma_start3A_155 = arith.constant 0 : i32
        %dma_start3A_156 = arith.constant 0 : i32
        %dma_start3A_157 = tpu.memref_slice %arg2[%dma_start3A_155, %dma_start3A_156] : memref<10000x128xf32, #tpu.memory_space<hbm>> -> memref<10000x128xf32, #tpu.memory_space<hbm>>
        tpu.enqueue_indirect_dma source(%dma_start3A_157 : memref<10000x128xf32, #tpu.memory_space<hbm>>) target(%arg9 : memref<128x128xf32, #tpu.memory_space<vmem>>) offsets(%dma_start3A_154 : memref<128xi32, #tpu.memory_space<vmem>>) semaphore(%arg12 : memref<!tpu.dma_semaphore, #tpu.memory_space<semaphore_mem>>)
        %add3A_158 = arith.constant 1 : i32
        %add3A_159 = arith.addi %add3A_127, %add3A_158 : i32
        "tpu.region"() ({
          %run_scoped3A_160 = tpu.sem_alloc : memref<!tpu.dma_semaphore, #tpu.memory_space<semaphore_mem>>
          %dma_start3A_161 = arith.constant 0 : i32
          %dma_start3A_162 = tpu.memref_slice %arg8[%add3A_159, %dma_start3A_161] : memref<40x128xi32, #tpu.memory_space<vmem>> -> memref<1x128xi32, #tpu.memory_space<vmem>>
          %dma_start3A_163 = tpu.memref_squeeze %dma_start3A_162 : memref<1x128xi32, #tpu.memory_space<vmem>> -> memref<128xi32, #tpu.memory_space<vmem>>
          %dma_start3A_164 = arith.constant 0 : i32
          %dma_start3A_165 = arith.constant 0 : i32
          %dma_start3A_166 = tpu.memref_slice %arg11[%dma_start3A_164, %dma_start3A_165] : memref<10240x128xf32, #tpu.memory_space<vmem_shared>> -> memref<10240x128xf32, #tpu.memory_space<vmem_shared>>
          tpu.enqueue_indirect_dma source(%arg10 : memref<128x128xf32, #tpu.memory_space<vmem>>) target(%dma_start3A_166 : memref<10240x128xf32, #tpu.memory_space<vmem_shared>>) offsets(%dma_start3A_163 : memref<128xi32, #tpu.memory_space<vmem>>) semaphore(%run_scoped3A_160 : memref<!tpu.dma_semaphore, #tpu.memory_space<semaphore_mem>>) {add = true}
          %dma_wait3A_167 = arith.constant 0 : i32
          %dma_wait3A_168 = tpu.memref_slice %arg8[%add3A_159, %dma_wait3A_167] : memref<40x128xi32, #tpu.memory_space<vmem>> -> memref<1x128xi32, #tpu.memory_space<vmem>>
          %dma_wait3A_169 = tpu.memref_squeeze %dma_wait3A_168 : memref<1x128xi32, #tpu.memory_space<vmem>> -> memref<128xi32, #tpu.memory_space<vmem>>
          %dma_wait3A_170 = arith.constant 0 : i32
          %dma_wait3A_171 = arith.constant 0 : i32
          %dma_wait3A_172 = tpu.memref_slice %arg11[%dma_wait3A_170, %dma_wait3A_171] : memref<10240x128xf32, #tpu.memory_space<vmem_shared>> -> memref<10240x128xf32, #tpu.memory_space<vmem_shared>>
          tpu.wait_indirect_dma semaphore(%run_scoped3A_160 : memref<!tpu.dma_semaphore, #tpu.memory_space<semaphore_mem>>) src(%arg10 : memref<128x128xf32, #tpu.memory_space<vmem>>) dst(%dma_wait3A_172 : memref<10240x128xf32, #tpu.memory_space<vmem_shared>>)
          tpu.yield
        }) : () -> ()
      }
      %scan3A_101 = arith.constant 19 : i32
      %dma_wait3A = arith.constant 38 : i32
      %dma_wait3A_102 = arith.constant 0 : i32
      %dma_wait3A_103 = tpu.memref_slice %arg7[%dma_wait3A, %dma_wait3A_102] : memref<40x128xi32, #tpu.memory_space<vmem>> -> memref<1x128xi32, #tpu.memory_space<vmem>>
      %dma_wait3A_104 = tpu.memref_squeeze %dma_wait3A_103 : memref<1x128xi32, #tpu.memory_space<vmem>> -> memref<128xi32, #tpu.memory_space<vmem>>
      %dma_wait3A_105 = arith.constant 0 : i32
      %dma_wait3A_106 = arith.constant 0 : i32
      %dma_wait3A_107 = tpu.memref_slice %arg2[%dma_wait3A_105, %dma_wait3A_106] : memref<10000x128xf32, #tpu.memory_space<hbm>> -> memref<10000x128xf32, #tpu.memory_space<hbm>>
      tpu.wait_indirect_dma semaphore(%arg12 : memref<!tpu.dma_semaphore, #tpu.memory_space<semaphore_mem>>) src(%dma_wait3A_107 : memref<10000x128xf32, #tpu.memory_space<hbm>>) dst(%arg9 : memref<128x128xf32, #tpu.memory_space<vmem>>)
      %dma_start3A_108 = arith.constant 39 : i32
      %dma_start3A_109 = arith.constant 0 : i32
      %dma_start3A_110 = tpu.memref_slice %arg7[%dma_start3A_108, %dma_start3A_109] : memref<40x128xi32, #tpu.memory_space<vmem>> -> memref<1x128xi32, #tpu.memory_space<vmem>>
      %dma_start3A_111 = tpu.memref_squeeze %dma_start3A_110 : memref<1x128xi32, #tpu.memory_space<vmem>> -> memref<128xi32, #tpu.memory_space<vmem>>
      %dma_start3A_112 = arith.constant 0 : i32
      %dma_start3A_113 = arith.constant 0 : i32
      %dma_start3A_114 = tpu.memref_slice %arg2[%dma_start3A_112, %dma_start3A_113] : memref<10000x128xf32, #tpu.memory_space<hbm>> -> memref<10000x128xf32, #tpu.memory_space<hbm>>
      tpu.enqueue_indirect_dma source(%dma_start3A_114 : memref<10000x128xf32, #tpu.memory_space<hbm>>) target(%arg10 : memref<128x128xf32, #tpu.memory_space<vmem>>) offsets(%dma_start3A_111 : memref<128xi32, #tpu.memory_space<vmem>>) semaphore(%arg13 : memref<!tpu.dma_semaphore, #tpu.memory_space<semaphore_mem>>)
      %run_scoped3A = arith.constant 38 : i32
      "tpu.region"() ({
        %run_scoped3A_123 = tpu.sem_alloc : memref<!tpu.dma_semaphore, #tpu.memory_space<semaphore_mem>>
        %dma_start3A_124 = arith.constant 0 : i32
        %dma_start3A_125 = tpu.memref_slice %arg8[%run_scoped3A, %dma_start3A_124] : memref<40x128xi32, #tpu.memory_space<vmem>> -> memref<1x128xi32, #tpu.memory_space<vmem>>
        %dma_start3A_126 = tpu.memref_squeeze %dma_start3A_125 : memref<1x128xi32, #tpu.memory_space<vmem>> -> memref<128xi32, #tpu.memory_space<vmem>>
        %dma_start3A_127 = arith.constant 0 : i32
        %dma_start3A_128 = arith.constant 0 : i32
        %dma_start3A_129 = tpu.memref_slice %arg11[%dma_start3A_127, %dma_start3A_128] : memref<10240x128xf32, #tpu.memory_space<vmem_shared>> -> memref<10240x128xf32, #tpu.memory_space<vmem_shared>>
        tpu.enqueue_indirect_dma source(%arg9 : memref<128x128xf32, #tpu.memory_space<vmem>>) target(%dma_start3A_129 : memref<10240x128xf32, #tpu.memory_space<vmem_shared>>) offsets(%dma_start3A_126 : memref<128xi32, #tpu.memory_space<vmem>>) semaphore(%run_scoped3A_123 : memref<!tpu.dma_semaphore, #tpu.memory_space<semaphore_mem>>) {add = true}
        %dma_wait3A_130 = arith.constant 0 : i32
        %dma_wait3A_131 = tpu.memref_slice %arg8[%run_scoped3A, %dma_wait3A_130] : memref<40x128xi32, #tpu.memory_space<vmem>> -> memref<1x128xi32, #tpu.memory_space<vmem>>
        %dma_wait3A_132 = tpu.memref_squeeze %dma_wait3A_131 : memref<1x128xi32, #tpu.memory_space<vmem>> -> memref<128xi32, #tpu.memory_space<vmem>>
        %dma_wait3A_133 = arith.constant 0 : i32
        %dma_wait3A_134 = arith.constant 0 : i32
        %dma_wait3A_135 = tpu.memref_slice %arg11[%dma_wait3A_133, %dma_wait3A_134] : memref<10240x128xf32, #tpu.memory_space<vmem_shared>> -> memref<10240x128xf32, #tpu.memory_space<vmem_shared>>
        tpu.wait_indirect_dma semaphore(%run_scoped3A_123 : memref<!tpu.dma_semaphore, #tpu.memory_space<semaphore_mem>>) src(%arg9 : memref<128x128xf32, #tpu.memory_space<vmem>>) dst(%dma_wait3A_135 : memref<10240x128xf32, #tpu.memory_space<vmem_shared>>)
        tpu.yield
      }) : () -> ()
      %dma_wait3A_115 = arith.constant 39 : i32
      %dma_wait3A_116 = arith.constant 0 : i32
      %dma_wait3A_117 = tpu.memref_slice %arg7[%dma_wait3A_115, %dma_wait3A_116] : memref<40x128xi32, #tpu.memory_space<vmem>> -> memref<1x128xi32, #tpu.memory_space<vmem>>
      %dma_wait3A_118 = tpu.memref_squeeze %dma_wait3A_117 : memref<1x128xi32, #tpu.memory_space<vmem>> -> memref<128xi32, #tpu.memory_space<vmem>>
      %dma_wait3A_119 = arith.constant 0 : i32
      %dma_wait3A_120 = arith.constant 0 : i32
      %dma_wait3A_121 = tpu.memref_slice %arg2[%dma_wait3A_119, %dma_wait3A_120] : memref<10000x128xf32, #tpu.memory_space<hbm>> -> memref<10000x128xf32, #tpu.memory_space<hbm>>
      tpu.wait_indirect_dma semaphore(%arg13 : memref<!tpu.dma_semaphore, #tpu.memory_space<semaphore_mem>>) src(%dma_wait3A_121 : memref<10000x128xf32, #tpu.memory_space<hbm>>) dst(%arg10 : memref<128x128xf32, #tpu.memory_space<vmem>>)
      %run_scoped3A_122 = arith.constant 39 : i32
      "tpu.region"() ({
        %run_scoped3A_123 = tpu.sem_alloc : memref<!tpu.dma_semaphore, #tpu.memory_space<semaphore_mem>>
        %dma_start3A_124 = arith.constant 0 : i32
        %dma_start3A_125 = tpu.memref_slice %arg8[%run_scoped3A_122, %dma_start3A_124] : memref<40x128xi32, #tpu.memory_space<vmem>> -> memref<1x128xi32, #tpu.memory_space<vmem>>
        %dma_start3A_126 = tpu.memref_squeeze %dma_start3A_125 : memref<1x128xi32, #tpu.memory_space<vmem>> -> memref<128xi32, #tpu.memory_space<vmem>>
        %dma_start3A_127 = arith.constant 0 : i32
        %dma_start3A_128 = arith.constant 0 : i32
        %dma_start3A_129 = tpu.memref_slice %arg11[%dma_start3A_127, %dma_start3A_128] : memref<10240x128xf32, #tpu.memory_space<vmem_shared>> -> memref<10240x128xf32, #tpu.memory_space<vmem_shared>>
        tpu.enqueue_indirect_dma source(%arg10 : memref<128x128xf32, #tpu.memory_space<vmem>>) target(%dma_start3A_129 : memref<10240x128xf32, #tpu.memory_space<vmem_shared>>) offsets(%dma_start3A_126 : memref<128xi32, #tpu.memory_space<vmem>>) semaphore(%run_scoped3A_123 : memref<!tpu.dma_semaphore, #tpu.memory_space<semaphore_mem>>) {add = true}
        %dma_wait3A_130 = arith.constant 0 : i32
        %dma_wait3A_131 = tpu.memref_slice %arg8[%run_scoped3A_122, %dma_wait3A_130] : memref<40x128xi32, #tpu.memory_space<vmem>> -> memref<1x128xi32, #tpu.memory_space<vmem>>
        %dma_wait3A_132 = tpu.memref_squeeze %dma_wait3A_131 : memref<1x128xi32, #tpu.memory_space<vmem>> -> memref<128xi32, #tpu.memory_space<vmem>>
        %dma_wait3A_133 = arith.constant 0 : i32
        %dma_wait3A_134 = arith.constant 0 : i32
        %dma_wait3A_135 = tpu.memref_slice %arg11[%dma_wait3A_133, %dma_wait3A_134] : memref<10240x128xf32, #tpu.memory_space<vmem_shared>> -> memref<10240x128xf32, #tpu.memory_space<vmem_shared>>
        tpu.wait_indirect_dma semaphore(%run_scoped3A_123 : memref<!tpu.dma_semaphore, #tpu.memory_space<semaphore_mem>>) src(%arg10 : memref<128x128xf32, #tpu.memory_space<vmem>>) dst(%dma_wait3A_135 : memref<10240x128xf32, #tpu.memory_space<vmem_shared>>)
        tpu.yield
      }) : () -> ()
    }
    %while3A_64 = arith.constant 1 : i32
    scf.for %while3A_86 = %while3A_62 to %while3A_58 step %while3A_64  : i32 {
      %mul3A_87 = arith.muli %while3A_86, %while3A : i32
      %add3A_88 = arith.addi %while3A_55, %mul3A_87 : i32
      %mul3A_89 = arith.constant 40 : i32
      %mul3A_90 = arith.muli %add3A_88, %mul3A_89 : i32
      %add3A_91 = arith.addi %select_n3A_8, %mul3A_90 : i32
      %multiple_of3A = tpu.assume_multiple %add3A_91, 8 : i32
      "tpu.region"() ({
        %run_scoped3A_123 = tpu.sem_alloc : memref<!tpu.dma_semaphore, #tpu.memory_space<semaphore_mem>>
        %dma_start3A_124 = arith.constant 0 : i32
        %dma_start3A_125 = tpu.memref_slice %arg3[%multiple_of3A, %dma_start3A_124] : memref<2560x128xi32, #tpu.memory_space<hbm>> -> memref<40x128xi32, #tpu.memory_space<hbm>>
        %dma_start3A_126 = arith.constant 0 : i32
        %dma_start3A_127 = tpu.memref_slice %arg3[%multiple_of3A, %dma_start3A_126] : memref<2560x128xi32, #tpu.memory_space<hbm>> -> memref<40x128xi32, #tpu.memory_space<hbm>>
        tpu.enqueue_dma source(%dma_start3A_127 : memref<40x128xi32, #tpu.memory_space<hbm>>) target(%arg7 : memref<40x128xi32, #tpu.memory_space<vmem>>) target_semaphore(%run_scoped3A_123 : memref<!tpu.dma_semaphore, #tpu.memory_space<semaphore_mem>>)
        %dma_wait3A_128 = arith.constant 0 : i32
        %dma_wait3A_129 = tpu.memref_slice %arg3[%multiple_of3A, %dma_wait3A_128] : memref<2560x128xi32, #tpu.memory_space<hbm>> -> memref<40x128xi32, #tpu.memory_space<hbm>>
        %dma_wait3A_130 = arith.constant 0 : i32
        %dma_wait3A_131 = tpu.memref_slice %arg3[%multiple_of3A, %dma_wait3A_130] : memref<2560x128xi32, #tpu.memory_space<hbm>> -> memref<40x128xi32, #tpu.memory_space<hbm>>
        tpu.wait_dma2 semaphore(%run_scoped3A_123 : memref<!tpu.dma_semaphore, #tpu.memory_space<semaphore_mem>>) src(%dma_wait3A_131 : memref<40x128xi32, #tpu.memory_space<hbm>>) dst(%arg7 : memref<40x128xi32, #tpu.memory_space<vmem>>)
        tpu.yield
      }) : () -> ()
      "tpu.region"() ({
        %run_scoped3A_123 = tpu.sem_alloc : memref<!tpu.dma_semaphore, #tpu.memory_space<semaphore_mem>>
        %dma_start3A_124 = arith.constant 0 : i32
        %dma_start3A_125 = tpu.memref_slice %arg4[%multiple_of3A, %dma_start3A_124] : memref<2560x128xi32, #tpu.memory_space<hbm>> -> memref<40x128xi32, #tpu.memory_space<hbm>>
        %dma_start3A_126 = arith.constant 0 : i32
        %dma_start3A_127 = tpu.memref_slice %arg4[%multiple_of3A, %dma_start3A_126] : memref<2560x128xi32, #tpu.memory_space<hbm>> -> memref<40x128xi32, #tpu.memory_space<hbm>>
        tpu.enqueue_dma source(%dma_start3A_127 : memref<40x128xi32, #tpu.memory_space<hbm>>) target(%arg8 : memref<40x128xi32, #tpu.memory_space<vmem>>) target_semaphore(%run_scoped3A_123 : memref<!tpu.dma_semaphore, #tpu.memory_space<semaphore_mem>>)
        %dma_wait3A_128 = arith.constant 0 : i32
        %dma_wait3A_129 = tpu.memref_slice %arg4[%multiple_of3A, %dma_wait3A_128] : memref<2560x128xi32, #tpu.memory_space<hbm>> -> memref<40x128xi32, #tpu.memory_space<hbm>>
        %dma_wait3A_130 = arith.constant 0 : i32
        %dma_wait3A_131 = tpu.memref_slice %arg4[%multiple_of3A, %dma_wait3A_130] : memref<2560x128xi32, #tpu.memory_space<hbm>> -> memref<40x128xi32, #tpu.memory_space<hbm>>
        tpu.wait_dma2 semaphore(%run_scoped3A_123 : memref<!tpu.dma_semaphore, #tpu.memory_space<semaphore_mem>>) src(%dma_wait3A_131 : memref<40x128xi32, #tpu.memory_space<hbm>>) dst(%arg8 : memref<40x128xi32, #tpu.memory_space<vmem>>)
        tpu.yield
      }) : () -> ()
      %dma_start3A = arith.constant 0 : i32
      %dma_start3A_92 = arith.constant 0 : i32
      %dma_start3A_93 = tpu.memref_slice %arg7[%dma_start3A, %dma_start3A_92] : memref<40x128xi32, #tpu.memory_space<vmem>> -> memref<1x128xi32, #tpu.memory_space<vmem>>
      %dma_start3A_94 = tpu.memref_squeeze %dma_start3A_93 : memref<1x128xi32, #tpu.memory_space<vmem>> -> memref<128xi32, #tpu.memory_space<vmem>>
      %dma_start3A_95 = arith.constant 0 : i32
      %dma_start3A_96 = arith.constant 0 : i32
      %dma_start3A_97 = tpu.memref_slice %arg2[%dma_start3A_95, %dma_start3A_96] : memref<10000x128xf32, #tpu.memory_space<hbm>> -> memref<10000x128xf32, #tpu.memory_space<hbm>>
      tpu.enqueue_indirect_dma source(%dma_start3A_97 : memref<10000x128xf32, #tpu.memory_space<hbm>>) target(%arg9 : memref<128x128xf32, #tpu.memory_space<vmem>>) offsets(%dma_start3A_94 : memref<128xi32, #tpu.memory_space<vmem>>) semaphore(%arg12 : memref<!tpu.dma_semaphore, #tpu.memory_space<semaphore_mem>>)
      %scan3A = arith.constant 0 : i32
      %scan3A_98 = arith.constant 19 : i32
      %scan3A_99 = arith.addi %scan3A, %scan3A_98 : i32
      %scan3A_100 = arith.constant 1 : i32
      scf.for %scan3A_123 = %scan3A to %scan3A_99 step %scan3A_100  : i32 {
        %mul3A_124 = arith.constant 2 : i32
        %mul3A_125 = arith.muli %scan3A_123, %mul3A_124 : i32
        %add3A_126 = arith.constant 0 : i32
        %add3A_127 = arith.addi %add3A_126, %mul3A_125 : i32
        %dma_wait3A_128 = arith.constant 0 : i32
        %dma_wait3A_129 = tpu.memref_slice %arg7[%add3A_127, %dma_wait3A_128] : memref<40x128xi32, #tpu.memory_space<vmem>> -> memref<1x128xi32, #tpu.memory_space<vmem>>
        %dma_wait3A_130 = tpu.memref_squeeze %dma_wait3A_129 : memref<1x128xi32, #tpu.memory_space<vmem>> -> memref<128xi32, #tpu.memory_space<vmem>>
        %dma_wait3A_131 = arith.constant 0 : i32
        %dma_wait3A_132 = arith.constant 0 : i32
        %dma_wait3A_133 = tpu.memref_slice %arg2[%dma_wait3A_131, %dma_wait3A_132] : memref<10000x128xf32, #tpu.memory_space<hbm>> -> memref<10000x128xf32, #tpu.memory_space<hbm>>
        tpu.wait_indirect_dma semaphore(%arg12 : memref<!tpu.dma_semaphore, #tpu.memory_space<semaphore_mem>>) src(%dma_wait3A_133 : memref<10000x128xf32, #tpu.memory_space<hbm>>) dst(%arg9 : memref<128x128xf32, #tpu.memory_space<vmem>>)
        %add3A_134 = arith.constant 1 : i32
        %add3A_135 = arith.addi %add3A_127, %add3A_134 : i32
        %dma_start3A_136 = arith.constant 0 : i32
        %dma_start3A_137 = tpu.memref_slice %arg7[%add3A_135, %dma_start3A_136] : memref<40x128xi32, #tpu.memory_space<vmem>> -> memref<1x128xi32, #tpu.memory_space<vmem>>
        %dma_start3A_138 = tpu.memref_squeeze %dma_start3A_137 : memref<1x128xi32, #tpu.memory_space<vmem>> -> memref<128xi32, #tpu.memory_space<vmem>>
        %dma_start3A_139 = arith.constant 0 : i32
        %dma_start3A_140 = arith.constant 0 : i32
        %dma_start3A_141 = tpu.memref_slice %arg2[%dma_start3A_139, %dma_start3A_140] : memref<10000x128xf32, #tpu.memory_space<hbm>> -> memref<10000x128xf32, #tpu.memory_space<hbm>>
        tpu.enqueue_indirect_dma source(%dma_start3A_141 : memref<10000x128xf32, #tpu.memory_space<hbm>>) target(%arg10 : memref<128x128xf32, #tpu.memory_space<vmem>>) offsets(%dma_start3A_138 : memref<128xi32, #tpu.memory_space<vmem>>) semaphore(%arg13 : memref<!tpu.dma_semaphore, #tpu.memory_space<semaphore_mem>>)
        "tpu.region"() ({
          %run_scoped3A_160 = tpu.sem_alloc : memref<!tpu.dma_semaphore, #tpu.memory_space<semaphore_mem>>
          %dma_start3A_161 = arith.constant 0 : i32
          %dma_start3A_162 = tpu.memref_slice %arg8[%add3A_127, %dma_start3A_161] : memref<40x128xi32, #tpu.memory_space<vmem>> -> memref<1x128xi32, #tpu.memory_space<vmem>>
          %dma_start3A_163 = tpu.memref_squeeze %dma_start3A_162 : memref<1x128xi32, #tpu.memory_space<vmem>> -> memref<128xi32, #tpu.memory_space<vmem>>
          %dma_start3A_164 = arith.constant 0 : i32
          %dma_start3A_165 = arith.constant 0 : i32
          %dma_start3A_166 = tpu.memref_slice %arg11[%dma_start3A_164, %dma_start3A_165] : memref<10240x128xf32, #tpu.memory_space<vmem_shared>> -> memref<10240x128xf32, #tpu.memory_space<vmem_shared>>
          tpu.enqueue_indirect_dma source(%arg9 : memref<128x128xf32, #tpu.memory_space<vmem>>) target(%dma_start3A_166 : memref<10240x128xf32, #tpu.memory_space<vmem_shared>>) offsets(%dma_start3A_163 : memref<128xi32, #tpu.memory_space<vmem>>) semaphore(%run_scoped3A_160 : memref<!tpu.dma_semaphore, #tpu.memory_space<semaphore_mem>>) {add = true}
          %dma_wait3A_167 = arith.constant 0 : i32
          %dma_wait3A_168 = tpu.memref_slice %arg8[%add3A_127, %dma_wait3A_167] : memref<40x128xi32, #tpu.memory_space<vmem>> -> memref<1x128xi32, #tpu.memory_space<vmem>>
          %dma_wait3A_169 = tpu.memref_squeeze %dma_wait3A_168 : memref<1x128xi32, #tpu.memory_space<vmem>> -> memref<128xi32, #tpu.memory_space<vmem>>
          %dma_wait3A_170 = arith.constant 0 : i32
          %dma_wait3A_171 = arith.constant 0 : i32
          %dma_wait3A_172 = tpu.memref_slice %arg11[%dma_wait3A_170, %dma_wait3A_171] : memref<10240x128xf32, #tpu.memory_space<vmem_shared>> -> memref<10240x128xf32, #tpu.memory_space<vmem_shared>>
          tpu.wait_indirect_dma semaphore(%run_scoped3A_160 : memref<!tpu.dma_semaphore, #tpu.memory_space<semaphore_mem>>) src(%arg9 : memref<128x128xf32, #tpu.memory_space<vmem>>) dst(%dma_wait3A_172 : memref<10240x128xf32, #tpu.memory_space<vmem_shared>>)
          tpu.yield
        }) : () -> ()
        %add3A_142 = arith.constant 1 : i32
        %add3A_143 = arith.addi %add3A_127, %add3A_142 : i32
        %dma_wait3A_144 = arith.constant 0 : i32
        %dma_wait3A_145 = tpu.memref_slice %arg7[%add3A_143, %dma_wait3A_144] : memref<40x128xi32, #tpu.memory_space<vmem>> -> memref<1x128xi32, #tpu.memory_space<vmem>>
        %dma_wait3A_146 = tpu.memref_squeeze %dma_wait3A_145 : memref<1x128xi32, #tpu.memory_space<vmem>> -> memref<128xi32, #tpu.memory_space<vmem>>
        %dma_wait3A_147 = arith.constant 0 : i32
        %dma_wait3A_148 = arith.constant 0 : i32
        %dma_wait3A_149 = tpu.memref_slice %arg2[%dma_wait3A_147, %dma_wait3A_148] : memref<10000x128xf32, #tpu.memory_space<hbm>> -> memref<10000x128xf32, #tpu.memory_space<hbm>>
        tpu.wait_indirect_dma semaphore(%arg13 : memref<!tpu.dma_semaphore, #tpu.memory_space<semaphore_mem>>) src(%dma_wait3A_149 : memref<10000x128xf32, #tpu.memory_space<hbm>>) dst(%arg10 : memref<128x128xf32, #tpu.memory_space<vmem>>)
        %add3A_150 = arith.constant 2 : i32
        %add3A_151 = arith.addi %add3A_127, %add3A_150 : i32
        %dma_start3A_152 = arith.constant 0 : i32
        %dma_start3A_153 = tpu.memref_slice %arg7[%add3A_151, %dma_start3A_152] : memref<40x128xi32, #tpu.memory_space<vmem>> -> memref<1x128xi32, #tpu.memory_space<vmem>>
        %dma_start3A_154 = tpu.memref_squeeze %dma_start3A_153 : memref<1x128xi32, #tpu.memory_space<vmem>> -> memref<128xi32, #tpu.memory_space<vmem>>
        %dma_start3A_155 = arith.constant 0 : i32
        %dma_start3A_156 = arith.constant 0 : i32
        %dma_start3A_157 = tpu.memref_slice %arg2[%dma_start3A_155, %dma_start3A_156] : memref<10000x128xf32, #tpu.memory_space<hbm>> -> memref<10000x128xf32, #tpu.memory_space<hbm>>
        tpu.enqueue_indirect_dma source(%dma_start3A_157 : memref<10000x128xf32, #tpu.memory_space<hbm>>) target(%arg9 : memref<128x128xf32, #tpu.memory_space<vmem>>) offsets(%dma_start3A_154 : memref<128xi32, #tpu.memory_space<vmem>>) semaphore(%arg12 : memref<!tpu.dma_semaphore, #tpu.memory_space<semaphore_mem>>)
        %add3A_158 = arith.constant 1 : i32
        %add3A_159 = arith.addi %add3A_127, %add3A_158 : i32
        "tpu.region"() ({
          %run_scoped3A_160 = tpu.sem_alloc : memref<!tpu.dma_semaphore, #tpu.memory_space<semaphore_mem>>
          %dma_start3A_161 = arith.constant 0 : i32
          %dma_start3A_162 = tpu.memref_slice %arg8[%add3A_159, %dma_start3A_161] : memref<40x128xi32, #tpu.memory_space<vmem>> -> memref<1x128xi32, #tpu.memory_space<vmem>>
          %dma_start3A_163 = tpu.memref_squeeze %dma_start3A_162 : memref<1x128xi32, #tpu.memory_space<vmem>> -> memref<128xi32, #tpu.memory_space<vmem>>
          %dma_start3A_164 = arith.constant 0 : i32
          %dma_start3A_165 = arith.constant 0 : i32
          %dma_start3A_166 = tpu.memref_slice %arg11[%dma_start3A_164, %dma_start3A_165] : memref<10240x128xf32, #tpu.memory_space<vmem_shared>> -> memref<10240x128xf32, #tpu.memory_space<vmem_shared>>
          tpu.enqueue_indirect_dma source(%arg10 : memref<128x128xf32, #tpu.memory_space<vmem>>) target(%dma_start3A_166 : memref<10240x128xf32, #tpu.memory_space<vmem_shared>>) offsets(%dma_start3A_163 : memref<128xi32, #tpu.memory_space<vmem>>) semaphore(%run_scoped3A_160 : memref<!tpu.dma_semaphore, #tpu.memory_space<semaphore_mem>>) {add = true}
          %dma_wait3A_167 = arith.constant 0 : i32
          %dma_wait3A_168 = tpu.memref_slice %arg8[%add3A_159, %dma_wait3A_167] : memref<40x128xi32, #tpu.memory_space<vmem>> -> memref<1x128xi32, #tpu.memory_space<vmem>>
          %dma_wait3A_169 = tpu.memref_squeeze %dma_wait3A_168 : memref<1x128xi32, #tpu.memory_space<vmem>> -> memref<128xi32, #tpu.memory_space<vmem>>
          %dma_wait3A_170 = arith.constant 0 : i32
          %dma_wait3A_171 = arith.constant 0 : i32
          %dma_wait3A_172 = tpu.memref_slice %arg11[%dma_wait3A_170, %dma_wait3A_171] : memref<10240x128xf32, #tpu.memory_space<vmem_shared>> -> memref<10240x128xf32, #tpu.memory_space<vmem_shared>>
          tpu.wait_indirect_dma semaphore(%run_scoped3A_160 : memref<!tpu.dma_semaphore, #tpu.memory_space<semaphore_mem>>) src(%arg10 : memref<128x128xf32, #tpu.memory_space<vmem>>) dst(%dma_wait3A_172 : memref<10240x128xf32, #tpu.memory_space<vmem_shared>>)
          tpu.yield
        }) : () -> ()
      }
      %scan3A_101 = arith.constant 19 : i32
      %dma_wait3A = arith.constant 38 : i32
      %dma_wait3A_102 = arith.constant 0 : i32
      %dma_wait3A_103 = tpu.memref_slice %arg7[%dma_wait3A, %dma_wait3A_102] : memref<40x128xi32, #tpu.memory_space<vmem>> -> memref<1x128xi32, #tpu.memory_space<vmem>>
      %dma_wait3A_104 = tpu.memref_squeeze %dma_wait3A_103 : memref<1x128xi32, #tpu.memory_space<vmem>> -> memref<128xi32, #tpu.memory_space<vmem>>
      %dma_wait3A_105 = arith.constant 0 : i32
      %dma_wait3A_106 = arith.constant 0 : i32
      %dma_wait3A_107 = tpu.memref_slice %arg2[%dma_wait3A_105, %dma_wait3A_106] : memref<10000x128xf32, #tpu.memory_space<hbm>> -> memref<10000x128xf32, #tpu.memory_space<hbm>>
      tpu.wait_indirect_dma semaphore(%arg12 : memref<!tpu.dma_semaphore, #tpu.memory_space<semaphore_mem>>) src(%dma_wait3A_107 : memref<10000x128xf32, #tpu.memory_space<hbm>>) dst(%arg9 : memref<128x128xf32, #tpu.memory_space<vmem>>)
      %dma_start3A_108 = arith.constant 39 : i32
      %dma_start3A_109 = arith.constant 0 : i32
      %dma_start3A_110 = tpu.memref_slice %arg7[%dma_start3A_108, %dma_start3A_109] : memref<40x128xi32, #tpu.memory_space<vmem>> -> memref<1x128xi32, #tpu.memory_space<vmem>>
      %dma_start3A_111 = tpu.memref_squeeze %dma_start3A_110 : memref<1x128xi32, #tpu.memory_space<vmem>> -> memref<128xi32, #tpu.memory_space<vmem>>
      %dma_start3A_112 = arith.constant 0 : i32
      %dma_start3A_113 = arith.constant 0 : i32
      %dma_start3A_114 = tpu.memref_slice %arg2[%dma_start3A_112, %dma_start3A_113] : memref<10000x128xf32, #tpu.memory_space<hbm>> -> memref<10000x128xf32, #tpu.memory_space<hbm>>
      tpu.enqueue_indirect_dma source(%dma_start3A_114 : memref<10000x128xf32, #tpu.memory_space<hbm>>) target(%arg10 : memref<128x128xf32, #tpu.memory_space<vmem>>) offsets(%dma_start3A_111 : memref<128xi32, #tpu.memory_space<vmem>>) semaphore(%arg13 : memref<!tpu.dma_semaphore, #tpu.memory_space<semaphore_mem>>)
      %run_scoped3A = arith.constant 38 : i32
      "tpu.region"() ({
        %run_scoped3A_123 = tpu.sem_alloc : memref<!tpu.dma_semaphore, #tpu.memory_space<semaphore_mem>>
        %dma_start3A_124 = arith.constant 0 : i32
        %dma_start3A_125 = tpu.memref_slice %arg8[%run_scoped3A, %dma_start3A_124] : memref<40x128xi32, #tpu.memory_space<vmem>> -> memref<1x128xi32, #tpu.memory_space<vmem>>
        %dma_start3A_126 = tpu.memref_squeeze %dma_start3A_125 : memref<1x128xi32, #tpu.memory_space<vmem>> -> memref<128xi32, #tpu.memory_space<vmem>>
        %dma_start3A_127 = arith.constant 0 : i32
        %dma_start3A_128 = arith.constant 0 : i32
        %dma_start3A_129 = tpu.memref_slice %arg11[%dma_start3A_127, %dma_start3A_128] : memref<10240x128xf32, #tpu.memory_space<vmem_shared>> -> memref<10240x128xf32, #tpu.memory_space<vmem_shared>>
        tpu.enqueue_indirect_dma source(%arg9 : memref<128x128xf32, #tpu.memory_space<vmem>>) target(%dma_start3A_129 : memref<10240x128xf32, #tpu.memory_space<vmem_shared>>) offsets(%dma_start3A_126 : memref<128xi32, #tpu.memory_space<vmem>>) semaphore(%run_scoped3A_123 : memref<!tpu.dma_semaphore, #tpu.memory_space<semaphore_mem>>) {add = true}
        %dma_wait3A_130 = arith.constant 0 : i32
        %dma_wait3A_131 = tpu.memref_slice %arg8[%run_scoped3A, %dma_wait3A_130] : memref<40x128xi32, #tpu.memory_space<vmem>> -> memref<1x128xi32, #tpu.memory_space<vmem>>
        %dma_wait3A_132 = tpu.memref_squeeze %dma_wait3A_131 : memref<1x128xi32, #tpu.memory_space<vmem>> -> memref<128xi32, #tpu.memory_space<vmem>>
        %dma_wait3A_133 = arith.constant 0 : i32
        %dma_wait3A_134 = arith.constant 0 : i32
        %dma_wait3A_135 = tpu.memref_slice %arg11[%dma_wait3A_133, %dma_wait3A_134] : memref<10240x128xf32, #tpu.memory_space<vmem_shared>> -> memref<10240x128xf32, #tpu.memory_space<vmem_shared>>
        tpu.wait_indirect_dma semaphore(%run_scoped3A_123 : memref<!tpu.dma_semaphore, #tpu.memory_space<semaphore_mem>>) src(%arg9 : memref<128x128xf32, #tpu.memory_space<vmem>>) dst(%dma_wait3A_135 : memref<10240x128xf32, #tpu.memory_space<vmem_shared>>)
        tpu.yield
      }) : () -> ()
      %dma_wait3A_115 = arith.constant 39 : i32
      %dma_wait3A_116 = arith.constant 0 : i32
      %dma_wait3A_117 = tpu.memref_slice %arg7[%dma_wait3A_115, %dma_wait3A_116] : memref<40x128xi32, #tpu.memory_space<vmem>> -> memref<1x128xi32, #tpu.memory_space<vmem>>
      %dma_wait3A_118 = tpu.memref_squeeze %dma_wait3A_117 : memref<1x128xi32, #tpu.memory_space<vmem>> -> memref<128xi32, #tpu.memory_space<vmem>>
      %dma_wait3A_119 = arith.constant 0 : i32
      %dma_wait3A_120 = arith.constant 0 : i32
      %dma_wait3A_121 = tpu.memref_slice %arg2[%dma_wait3A_119, %dma_wait3A_120] : memref<10000x128xf32, #tpu.memory_space<hbm>> -> memref<10000x128xf32, #tpu.memory_space<hbm>>
      tpu.wait_indirect_dma semaphore(%arg13 : memref<!tpu.dma_semaphore, #tpu.memory_space<semaphore_mem>>) src(%dma_wait3A_121 : memref<10000x128xf32, #tpu.memory_space<hbm>>) dst(%arg10 : memref<128x128xf32, #tpu.memory_space<vmem>>)
      %run_scoped3A_122 = arith.constant 39 : i32
      "tpu.region"() ({
        %run_scoped3A_123 = tpu.sem_alloc : memref<!tpu.dma_semaphore, #tpu.memory_space<semaphore_mem>>
        %dma_start3A_124 = arith.constant 0 : i32
        %dma_start3A_125 = tpu.memref_slice %arg8[%run_scoped3A_122, %dma_start3A_124] : memref<40x128xi32, #tpu.memory_space<vmem>> -> memref<1x128xi32, #tpu.memory_space<vmem>>
        %dma_start3A_126 = tpu.memref_squeeze %dma_start3A_125 : memref<1x128xi32, #tpu.memory_space<vmem>> -> memref<128xi32, #tpu.memory_space<vmem>>
        %dma_start3A_127 = arith.constant 0 : i32
        %dma_start3A_128 = arith.constant 0 : i32
        %dma_start3A_129 = tpu.memref_slice %arg11[%dma_start3A_127, %dma_start3A_128] : memref<10240x128xf32, #tpu.memory_space<vmem_shared>> -> memref<10240x128xf32, #tpu.memory_space<vmem_shared>>
        tpu.enqueue_indirect_dma source(%arg10 : memref<128x128xf32, #tpu.memory_space<vmem>>) target(%dma_start3A_129 : memref<10240x128xf32, #tpu.memory_space<vmem_shared>>) offsets(%dma_start3A_126 : memref<128xi32, #tpu.memory_space<vmem>>) semaphore(%run_scoped3A_123 : memref<!tpu.dma_semaphore, #tpu.memory_space<semaphore_mem>>) {add = true}
        %dma_wait3A_130 = arith.constant 0 : i32
        %dma_wait3A_131 = tpu.memref_slice %arg8[%run_scoped3A_122, %dma_wait3A_130] : memref<40x128xi32, #tpu.memory_space<vmem>> -> memref<1x128xi32, #tpu.memory_space<vmem>>
        %dma_wait3A_132 = tpu.memref_squeeze %dma_wait3A_131 : memref<1x128xi32, #tpu.memory_space<vmem>> -> memref<128xi32, #tpu.memory_space<vmem>>
        %dma_wait3A_133 = arith.constant 0 : i32
        %dma_wait3A_134 = arith.constant 0 : i32
        %dma_wait3A_135 = tpu.memref_slice %arg11[%dma_wait3A_133, %dma_wait3A_134] : memref<10240x128xf32, #tpu.memory_space<vmem_shared>> -> memref<10240x128xf32, #tpu.memory_space<vmem_shared>>
        tpu.wait_indirect_dma semaphore(%run_scoped3A_123 : memref<!tpu.dma_semaphore, #tpu.memory_space<semaphore_mem>>) src(%arg10 : memref<128x128xf32, #tpu.memory_space<vmem>>) dst(%dma_wait3A_135 : memref<10240x128xf32, #tpu.memory_space<vmem_shared>>)
        tpu.yield
      }) : () -> ()
    }
    %barrier3A_65 = arith.constant 0 : index
    tpu.barrier barrier_id(%barrier3A_65)
    %mul3A_66 = arith.constant 640 : i32
    %mul3A_67 = arith.muli %arg1, %mul3A_66 : i32
    %add3A_68 = arith.constant 0 : i32
    %add3A_69 = arith.addi %mul3A_67, %add3A_68 : i32
    "tpu.region"() ({
      %run_scoped3A = tpu.sem_alloc : memref<!tpu.dma_semaphore, #tpu.memory_space<semaphore_mem>>
      %dma_start3A = arith.constant 0 : i32
      %dma_start3A_86 = tpu.memref_slice %arg11[%add3A_69, %dma_start3A] : memref<10240x128xf32, #tpu.memory_space<vmem_shared>> -> memref<128x128xf32, #tpu.memory_space<vmem_shared>>
      %dma_start3A_87 = arith.constant 0 : i32
      %dma_start3A_88 = tpu.memref_slice %arg11[%add3A_69, %dma_start3A_87] : memref<10240x128xf32, #tpu.memory_space<vmem_shared>> -> memref<128x128xf32, #tpu.memory_space<vmem_shared>>
      tpu.enqueue_dma source(%dma_start3A_88 : memref<128x128xf32, #tpu.memory_space<vmem_shared>>) target(%arg9 : memref<128x128xf32, #tpu.memory_space<vmem>>) target_semaphore(%run_scoped3A : memref<!tpu.dma_semaphore, #tpu.memory_space<semaphore_mem>>)
      %dma_wait3A = arith.constant 0 : i32
      %dma_wait3A_89 = tpu.memref_slice %arg11[%add3A_69, %dma_wait3A] : memref<10240x128xf32, #tpu.memory_space<vmem_shared>> -> memref<128x128xf32, #tpu.memory_space<vmem_shared>>
      %dma_wait3A_90 = arith.constant 0 : i32
      %dma_wait3A_91 = tpu.memref_slice %arg11[%add3A_69, %dma_wait3A_90] : memref<10240x128xf32, #tpu.memory_space<vmem_shared>> -> memref<128x128xf32, #tpu.memory_space<vmem_shared>>
      tpu.wait_dma2 semaphore(%run_scoped3A : memref<!tpu.dma_semaphore, #tpu.memory_space<semaphore_mem>>) src(%dma_wait3A_91 : memref<128x128xf32, #tpu.memory_space<vmem_shared>>) dst(%arg9 : memref<128x128xf32, #tpu.memory_space<vmem>>)
      tpu.yield
    }) : () -> ()
    "tpu.region"() ({
      %run_scoped3A = tpu.sem_alloc : memref<!tpu.dma_semaphore, #tpu.memory_space<semaphore_mem>>
      %dma_start3A = arith.constant 0 : i32
      %dma_start3A_86 = tpu.memref_slice %arg6[%arg0, %add3A_69, %dma_start3A] : memref<2x10240x128xf32, #tpu.memory_space<hbm>> -> memref<1x128x128xf32, #tpu.memory_space<hbm>>
      %dma_start3A_87 = tpu.memref_squeeze %dma_start3A_86 : memref<1x128x128xf32, #tpu.memory_space<hbm>> -> memref<128x128xf32, #tpu.memory_space<hbm>>
      %dma_start3A_88 = arith.constant 0 : i32
      %dma_start3A_89 = tpu.memref_slice %arg6[%arg0, %add3A_69, %dma_start3A_88] : memref<2x10240x128xf32, #tpu.memory_space<hbm>> -> memref<1x128x128xf32, #tpu.memory_space<hbm>>
      %dma_start3A_90 = tpu.memref_squeeze %dma_start3A_89 : memref<1x128x128xf32, #tpu.memory_space<hbm>> -> memref<128x128xf32, #tpu.memory_space<hbm>>
      tpu.enqueue_dma source(%arg9 : memref<128x128xf32, #tpu.memory_space<vmem>>) target(%dma_start3A_90 : memref<128x128xf32, #tpu.memory_space<hbm>>) target_semaphore(%run_scoped3A : memref<!tpu.dma_semaphore, #tpu.memory_space<semaphore_mem>>)
      %dma_wait3A = arith.constant 0 : i32
      %dma_wait3A_91 = tpu.memref_slice %arg6[%arg0, %add3A_69, %dma_wait3A] : memref<2x10240x128xf32, #tpu.memory_space<hbm>> -> memref<1x128x128xf32, #tpu.memory_space<hbm>>
      %dma_wait3A_92 = tpu.memref_squeeze %dma_wait3A_91 : memref<1x128x128xf32, #tpu.memory_space<hbm>> -> memref<128x128xf32, #tpu.memory_space<hbm>>
      %dma_wait3A_93 = arith.constant 0 : i32
      %dma_wait3A_94 = tpu.memref_slice %arg6[%arg0, %add3A_69, %dma_wait3A_93] : memref<2x10240x128xf32, #tpu.memory_space<hbm>> -> memref<1x128x128xf32, #tpu.memory_space<hbm>>
      %dma_wait3A_95 = tpu.memref_squeeze %dma_wait3A_94 : memref<1x128x128xf32, #tpu.memory_space<hbm>> -> memref<128x128xf32, #tpu.memory_space<hbm>>
      tpu.wait_dma2 semaphore(%run_scoped3A : memref<!tpu.dma_semaphore, #tpu.memory_space<semaphore_mem>>) src(%arg9 : memref<128x128xf32, #tpu.memory_space<vmem>>) dst(%dma_wait3A_95 : memref<128x128xf32, #tpu.memory_space<hbm>>)
      tpu.yield
    }) : () -> ()
    %mul3A_70 = arith.constant 640 : i32
    %mul3A_71 = arith.muli %arg1, %mul3A_70 : i32
    %add3A_72 = arith.constant 128 : i32
    %add3A_73 = arith.addi %mul3A_71, %add3A_72 : i32
    "tpu.region"() ({
      %run_scoped3A = tpu.sem_alloc : memref<!tpu.dma_semaphore, #tpu.memory_space<semaphore_mem>>
      %dma_start3A = arith.constant 0 : i32
      %dma_start3A_86 = tpu.memref_slice %arg11[%add3A_73, %dma_start3A] : memref<10240x128xf32, #tpu.memory_space<vmem_shared>> -> memref<128x128xf32, #tpu.memory_space<vmem_shared>>
      %dma_start3A_87 = arith.constant 0 : i32
      %dma_start3A_88 = tpu.memref_slice %arg11[%add3A_73, %dma_start3A_87] : memref<10240x128xf32, #tpu.memory_space<vmem_shared>> -> memref<128x128xf32, #tpu.memory_space<vmem_shared>>
      tpu.enqueue_dma source(%dma_start3A_88 : memref<128x128xf32, #tpu.memory_space<vmem_shared>>) target(%arg9 : memref<128x128xf32, #tpu.memory_space<vmem>>) target_semaphore(%run_scoped3A : memref<!tpu.dma_semaphore, #tpu.memory_space<semaphore_mem>>)
      %dma_wait3A = arith.constant 0 : i32
      %dma_wait3A_89 = tpu.memref_slice %arg11[%add3A_73, %dma_wait3A] : memref<10240x128xf32, #tpu.memory_space<vmem_shared>> -> memref<128x128xf32, #tpu.memory_space<vmem_shared>>
      %dma_wait3A_90 = arith.constant 0 : i32
      %dma_wait3A_91 = tpu.memref_slice %arg11[%add3A_73, %dma_wait3A_90] : memref<10240x128xf32, #tpu.memory_space<vmem_shared>> -> memref<128x128xf32, #tpu.memory_space<vmem_shared>>
      tpu.wait_dma2 semaphore(%run_scoped3A : memref<!tpu.dma_semaphore, #tpu.memory_space<semaphore_mem>>) src(%dma_wait3A_91 : memref<128x128xf32, #tpu.memory_space<vmem_shared>>) dst(%arg9 : memref<128x128xf32, #tpu.memory_space<vmem>>)
      tpu.yield
    }) : () -> ()
    "tpu.region"() ({
      %run_scoped3A = tpu.sem_alloc : memref<!tpu.dma_semaphore, #tpu.memory_space<semaphore_mem>>
      %dma_start3A = arith.constant 0 : i32
      %dma_start3A_86 = tpu.memref_slice %arg6[%arg0, %add3A_73, %dma_start3A] : memref<2x10240x128xf32, #tpu.memory_space<hbm>> -> memref<1x128x128xf32, #tpu.memory_space<hbm>>
      %dma_start3A_87 = tpu.memref_squeeze %dma_start3A_86 : memref<1x128x128xf32, #tpu.memory_space<hbm>> -> memref<128x128xf32, #tpu.memory_space<hbm>>
      %dma_start3A_88 = arith.constant 0 : i32
      %dma_start3A_89 = tpu.memref_slice %arg6[%arg0, %add3A_73, %dma_start3A_88] : memref<2x10240x128xf32, #tpu.memory_space<hbm>> -> memref<1x128x128xf32, #tpu.memory_space<hbm>>
      %dma_start3A_90 = tpu.memref_squeeze %dma_start3A_89 : memref<1x128x128xf32, #tpu.memory_space<hbm>> -> memref<128x128xf32, #tpu.memory_space<hbm>>
      tpu.enqueue_dma source(%arg9 : memref<128x128xf32, #tpu.memory_space<vmem>>) target(%dma_start3A_90 : memref<128x128xf32, #tpu.memory_space<hbm>>) target_semaphore(%run_scoped3A : memref<!tpu.dma_semaphore, #tpu.memory_space<semaphore_mem>>)
      %dma_wait3A = arith.constant 0 : i32
      %dma_wait3A_91 = tpu.memref_slice %arg6[%arg0, %add3A_73, %dma_wait3A] : memref<2x10240x128xf32, #tpu.memory_space<hbm>> -> memref<1x128x128xf32, #tpu.memory_space<hbm>>
      %dma_wait3A_92 = tpu.memref_squeeze %dma_wait3A_91 : memref<1x128x128xf32, #tpu.memory_space<hbm>> -> memref<128x128xf32, #tpu.memory_space<hbm>>
      %dma_wait3A_93 = arith.constant 0 : i32
      %dma_wait3A_94 = tpu.memref_slice %arg6[%arg0, %add3A_73, %dma_wait3A_93] : memref<2x10240x128xf32, #tpu.memory_space<hbm>> -> memref<1x128x128xf32, #tpu.memory_space<hbm>>
      %dma_wait3A_95 = tpu.memref_squeeze %dma_wait3A_94 : memref<1x128x128xf32, #tpu.memory_space<hbm>> -> memref<128x128xf32, #tpu.memory_space<hbm>>
      tpu.wait_dma2 semaphore(%run_scoped3A : memref<!tpu.dma_semaphore, #tpu.memory_space<semaphore_mem>>) src(%arg9 : memref<128x128xf32, #tpu.memory_space<vmem>>) dst(%dma_wait3A_95 : memref<128x128xf32, #tpu.memory_space<hbm>>)
      tpu.yield
    }) : () -> ()
    %mul3A_74 = arith.constant 640 : i32
    %mul3A_75 = arith.muli %arg1, %mul3A_74 : i32
    %add3A_76 = arith.constant 256 : i32
    %add3A_77 = arith.addi %mul3A_75, %add3A_76 : i32
    "tpu.region"() ({
      %run_scoped3A = tpu.sem_alloc : memref<!tpu.dma_semaphore, #tpu.memory_space<semaphore_mem>>
      %dma_start3A = arith.constant 0 : i32
      %dma_start3A_86 = tpu.memref_slice %arg11[%add3A_77, %dma_start3A] : memref<10240x128xf32, #tpu.memory_space<vmem_shared>> -> memref<128x128xf32, #tpu.memory_space<vmem_shared>>
      %dma_start3A_87 = arith.constant 0 : i32
      %dma_start3A_88 = tpu.memref_slice %arg11[%add3A_77, %dma_start3A_87] : memref<10240x128xf32, #tpu.memory_space<vmem_shared>> -> memref<128x128xf32, #tpu.memory_space<vmem_shared>>
      tpu.enqueue_dma source(%dma_start3A_88 : memref<128x128xf32, #tpu.memory_space<vmem_shared>>) target(%arg9 : memref<128x128xf32, #tpu.memory_space<vmem>>) target_semaphore(%run_scoped3A : memref<!tpu.dma_semaphore, #tpu.memory_space<semaphore_mem>>)
      %dma_wait3A = arith.constant 0 : i32
      %dma_wait3A_89 = tpu.memref_slice %arg11[%add3A_77, %dma_wait3A] : memref<10240x128xf32, #tpu.memory_space<vmem_shared>> -> memref<128x128xf32, #tpu.memory_space<vmem_shared>>
      %dma_wait3A_90 = arith.constant 0 : i32
      %dma_wait3A_91 = tpu.memref_slice %arg11[%add3A_77, %dma_wait3A_90] : memref<10240x128xf32, #tpu.memory_space<vmem_shared>> -> memref<128x128xf32, #tpu.memory_space<vmem_shared>>
      tpu.wait_dma2 semaphore(%run_scoped3A : memref<!tpu.dma_semaphore, #tpu.memory_space<semaphore_mem>>) src(%dma_wait3A_91 : memref<128x128xf32, #tpu.memory_space<vmem_shared>>) dst(%arg9 : memref<128x128xf32, #tpu.memory_space<vmem>>)
      tpu.yield
    }) : () -> ()
    "tpu.region"() ({
      %run_scoped3A = tpu.sem_alloc : memref<!tpu.dma_semaphore, #tpu.memory_space<semaphore_mem>>
      %dma_start3A = arith.constant 0 : i32
      %dma_start3A_86 = tpu.memref_slice %arg6[%arg0, %add3A_77, %dma_start3A] : memref<2x10240x128xf32, #tpu.memory_space<hbm>> -> memref<1x128x128xf32, #tpu.memory_space<hbm>>
      %dma_start3A_87 = tpu.memref_squeeze %dma_start3A_86 : memref<1x128x128xf32, #tpu.memory_space<hbm>> -> memref<128x128xf32, #tpu.memory_space<hbm>>
      %dma_start3A_88 = arith.constant 0 : i32
      %dma_start3A_89 = tpu.memref_slice %arg6[%arg0, %add3A_77, %dma_start3A_88] : memref<2x10240x128xf32, #tpu.memory_space<hbm>> -> memref<1x128x128xf32, #tpu.memory_space<hbm>>
      %dma_start3A_90 = tpu.memref_squeeze %dma_start3A_89 : memref<1x128x128xf32, #tpu.memory_space<hbm>> -> memref<128x128xf32, #tpu.memory_space<hbm>>
      tpu.enqueue_dma source(%arg9 : memref<128x128xf32, #tpu.memory_space<vmem>>) target(%dma_start3A_90 : memref<128x128xf32, #tpu.memory_space<hbm>>) target_semaphore(%run_scoped3A : memref<!tpu.dma_semaphore, #tpu.memory_space<semaphore_mem>>)
      %dma_wait3A = arith.constant 0 : i32
      %dma_wait3A_91 = tpu.memref_slice %arg6[%arg0, %add3A_77, %dma_wait3A] : memref<2x10240x128xf32, #tpu.memory_space<hbm>> -> memref<1x128x128xf32, #tpu.memory_space<hbm>>
      %dma_wait3A_92 = tpu.memref_squeeze %dma_wait3A_91 : memref<1x128x128xf32, #tpu.memory_space<hbm>> -> memref<128x128xf32, #tpu.memory_space<hbm>>
      %dma_wait3A_93 = arith.constant 0 : i32
      %dma_wait3A_94 = tpu.memref_slice %arg6[%arg0, %add3A_77, %dma_wait3A_93] : memref<2x10240x128xf32, #tpu.memory_space<hbm>> -> memref<1x128x128xf32, #tpu.memory_space<hbm>>
      %dma_wait3A_95 = tpu.memref_squeeze %dma_wait3A_94 : memref<1x128x128xf32, #tpu.memory_space<hbm>> -> memref<128x128xf32, #tpu.memory_space<hbm>>
      tpu.wait_dma2 semaphore(%run_scoped3A : memref<!tpu.dma_semaphore, #tpu.memory_space<semaphore_mem>>) src(%arg9 : memref<128x128xf32, #tpu.memory_space<vmem>>) dst(%dma_wait3A_95 : memref<128x128xf32, #tpu.memory_space<hbm>>)
      tpu.yield
    }) : () -> ()
    %mul3A_78 = arith.constant 640 : i32
    %mul3A_79 = arith.muli %arg1, %mul3A_78 : i32
    %add3A_80 = arith.constant 384 : i32
    %add3A_81 = arith.addi %mul3A_79, %add3A_80 : i32
    "tpu.region"() ({
      %run_scoped3A = tpu.sem_alloc : memref<!tpu.dma_semaphore, #tpu.memory_space<semaphore_mem>>
      %dma_start3A = arith.constant 0 : i32
      %dma_start3A_86 = tpu.memref_slice %arg11[%add3A_81, %dma_start3A] : memref<10240x128xf32, #tpu.memory_space<vmem_shared>> -> memref<128x128xf32, #tpu.memory_space<vmem_shared>>
      %dma_start3A_87 = arith.constant 0 : i32
      %dma_start3A_88 = tpu.memref_slice %arg11[%add3A_81, %dma_start3A_87] : memref<10240x128xf32, #tpu.memory_space<vmem_shared>> -> memref<128x128xf32, #tpu.memory_space<vmem_shared>>
      tpu.enqueue_dma source(%dma_start3A_88 : memref<128x128xf32, #tpu.memory_space<vmem_shared>>) target(%arg9 : memref<128x128xf32, #tpu.memory_space<vmem>>) target_semaphore(%run_scoped3A : memref<!tpu.dma_semaphore, #tpu.memory_space<semaphore_mem>>)
      %dma_wait3A = arith.constant 0 : i32
      %dma_wait3A_89 = tpu.memref_slice %arg11[%add3A_81, %dma_wait3A] : memref<10240x128xf32, #tpu.memory_space<vmem_shared>> -> memref<128x128xf32, #tpu.memory_space<vmem_shared>>
      %dma_wait3A_90 = arith.constant 0 : i32
      %dma_wait3A_91 = tpu.memref_slice %arg11[%add3A_81, %dma_wait3A_90] : memref<10240x128xf32, #tpu.memory_space<vmem_shared>> -> memref<128x128xf32, #tpu.memory_space<vmem_shared>>
      tpu.wait_dma2 semaphore(%run_scoped3A : memref<!tpu.dma_semaphore, #tpu.memory_space<semaphore_mem>>) src(%dma_wait3A_91 : memref<128x128xf32, #tpu.memory_space<vmem_shared>>) dst(%arg9 : memref<128x128xf32, #tpu.memory_space<vmem>>)
      tpu.yield
    }) : () -> ()
    "tpu.region"() ({
      %run_scoped3A = tpu.sem_alloc : memref<!tpu.dma_semaphore, #tpu.memory_space<semaphore_mem>>
      %dma_start3A = arith.constant 0 : i32
      %dma_start3A_86 = tpu.memref_slice %arg6[%arg0, %add3A_81, %dma_start3A] : memref<2x10240x128xf32, #tpu.memory_space<hbm>> -> memref<1x128x128xf32, #tpu.memory_space<hbm>>
      %dma_start3A_87 = tpu.memref_squeeze %dma_start3A_86 : memref<1x128x128xf32, #tpu.memory_space<hbm>> -> memref<128x128xf32, #tpu.memory_space<hbm>>
      %dma_start3A_88 = arith.constant 0 : i32
      %dma_start3A_89 = tpu.memref_slice %arg6[%arg0, %add3A_81, %dma_start3A_88] : memref<2x10240x128xf32, #tpu.memory_space<hbm>> -> memref<1x128x128xf32, #tpu.memory_space<hbm>>
      %dma_start3A_90 = tpu.memref_squeeze %dma_start3A_89 : memref<1x128x128xf32, #tpu.memory_space<hbm>> -> memref<128x128xf32, #tpu.memory_space<hbm>>
      tpu.enqueue_dma source(%arg9 : memref<128x128xf32, #tpu.memory_space<vmem>>) target(%dma_start3A_90 : memref<128x128xf32, #tpu.memory_space<hbm>>) target_semaphore(%run_scoped3A : memref<!tpu.dma_semaphore, #tpu.memory_space<semaphore_mem>>)
      %dma_wait3A = arith.constant 0 : i32
      %dma_wait3A_91 = tpu.memref_slice %arg6[%arg0, %add3A_81, %dma_wait3A] : memref<2x10240x128xf32, #tpu.memory_space<hbm>> -> memref<1x128x128xf32, #tpu.memory_space<hbm>>
      %dma_wait3A_92 = tpu.memref_squeeze %dma_wait3A_91 : memref<1x128x128xf32, #tpu.memory_space<hbm>> -> memref<128x128xf32, #tpu.memory_space<hbm>>
      %dma_wait3A_93 = arith.constant 0 : i32
      %dma_wait3A_94 = tpu.memref_slice %arg6[%arg0, %add3A_81, %dma_wait3A_93] : memref<2x10240x128xf32, #tpu.memory_space<hbm>> -> memref<1x128x128xf32, #tpu.memory_space<hbm>>
      %dma_wait3A_95 = tpu.memref_squeeze %dma_wait3A_94 : memref<1x128x128xf32, #tpu.memory_space<hbm>> -> memref<128x128xf32, #tpu.memory_space<hbm>>
      tpu.wait_dma2 semaphore(%run_scoped3A : memref<!tpu.dma_semaphore, #tpu.memory_space<semaphore_mem>>) src(%arg9 : memref<128x128xf32, #tpu.memory_space<vmem>>) dst(%dma_wait3A_95 : memref<128x128xf32, #tpu.memory_space<hbm>>)
      tpu.yield
    }) : () -> ()
    %mul3A_82 = arith.constant 640 : i32
    %mul3A_83 = arith.muli %arg1, %mul3A_82 : i32
    %add3A_84 = arith.constant 512 : i32
    %add3A_85 = arith.addi %mul3A_83, %add3A_84 : i32
    "tpu.region"() ({
      %run_scoped3A = tpu.sem_alloc : memref<!tpu.dma_semaphore, #tpu.memory_space<semaphore_mem>>
      %dma_start3A = arith.constant 0 : i32
      %dma_start3A_86 = tpu.memref_slice %arg11[%add3A_85, %dma_start3A] : memref<10240x128xf32, #tpu.memory_space<vmem_shared>> -> memref<128x128xf32, #tpu.memory_space<vmem_shared>>
      %dma_start3A_87 = arith.constant 0 : i32
      %dma_start3A_88 = tpu.memref_slice %arg11[%add3A_85, %dma_start3A_87] : memref<10240x128xf32, #tpu.memory_space<vmem_shared>> -> memref<128x128xf32, #tpu.memory_space<vmem_shared>>
      tpu.enqueue_dma source(%dma_start3A_88 : memref<128x128xf32, #tpu.memory_space<vmem_shared>>) target(%arg9 : memref<128x128xf32, #tpu.memory_space<vmem>>) target_semaphore(%run_scoped3A : memref<!tpu.dma_semaphore, #tpu.memory_space<semaphore_mem>>)
      %dma_wait3A = arith.constant 0 : i32
      %dma_wait3A_89 = tpu.memref_slice %arg11[%add3A_85, %dma_wait3A] : memref<10240x128xf32, #tpu.memory_space<vmem_shared>> -> memref<128x128xf32, #tpu.memory_space<vmem_shared>>
      %dma_wait3A_90 = arith.constant 0 : i32
      %dma_wait3A_91 = tpu.memref_slice %arg11[%add3A_85, %dma_wait3A_90] : memref<10240x128xf32, #tpu.memory_space<vmem_shared>> -> memref<128x128xf32, #tpu.memory_space<vmem_shared>>
      tpu.wait_dma2 semaphore(%run_scoped3A : memref<!tpu.dma_semaphore, #tpu.memory_space<semaphore_mem>>) src(%dma_wait3A_91 : memref<128x128xf32, #tpu.memory_space<vmem_shared>>) dst(%arg9 : memref<128x128xf32, #tpu.memory_space<vmem>>)
      tpu.yield
    }) : () -> ()
    "tpu.region"() ({
      %run_scoped3A = tpu.sem_alloc : memref<!tpu.dma_semaphore, #tpu.memory_space<semaphore_mem>>
      %dma_start3A = arith.constant 0 : i32
      %dma_start3A_86 = tpu.memref_slice %arg6[%arg0, %add3A_85, %dma_start3A] : memref<2x10240x128xf32, #tpu.memory_space<hbm>> -> memref<1x128x128xf32, #tpu.memory_space<hbm>>
      %dma_start3A_87 = tpu.memref_squeeze %dma_start3A_86 : memref<1x128x128xf32, #tpu.memory_space<hbm>> -> memref<128x128xf32, #tpu.memory_space<hbm>>
      %dma_start3A_88 = arith.constant 0 : i32
      %dma_start3A_89 = tpu.memref_slice %arg6[%arg0, %add3A_85, %dma_start3A_88] : memref<2x10240x128xf32, #tpu.memory_space<hbm>> -> memref<1x128x128xf32, #tpu.memory_space<hbm>>
      %dma_start3A_90 = tpu.memref_squeeze %dma_start3A_89 : memref<1x128x128xf32, #tpu.memory_space<hbm>> -> memref<128x128xf32, #tpu.memory_space<hbm>>
      tpu.enqueue_dma source(%arg9 : memref<128x128xf32, #tpu.memory_space<vmem>>) target(%dma_start3A_90 : memref<128x128xf32, #tpu.memory_space<hbm>>) target_semaphore(%run_scoped3A : memref<!tpu.dma_semaphore, #tpu.memory_space<semaphore_mem>>)
      %dma_wait3A = arith.constant 0 : i32
      %dma_wait3A_91 = tpu.memref_slice %arg6[%arg0, %add3A_85, %dma_wait3A] : memref<2x10240x128xf32, #tpu.memory_space<hbm>> -> memref<1x128x128xf32, #tpu.memory_space<hbm>>
      %dma_wait3A_92 = tpu.memref_squeeze %dma_wait3A_91 : memref<1x128x128xf32, #tpu.memory_space<hbm>> -> memref<128x128xf32, #tpu.memory_space<hbm>>
      %dma_wait3A_93 = arith.constant 0 : i32
      %dma_wait3A_94 = tpu.memref_slice %arg6[%arg0, %add3A_85, %dma_wait3A_93] : memref<2x10240x128xf32, #tpu.memory_space<hbm>> -> memref<1x128x128xf32, #tpu.memory_space<hbm>>
      %dma_wait3A_95 = tpu.memref_squeeze %dma_wait3A_94 : memref<1x128x128xf32, #tpu.memory_space<hbm>> -> memref<128x128xf32, #tpu.memory_space<hbm>>
      tpu.wait_dma2 semaphore(%run_scoped3A : memref<!tpu.dma_semaphore, #tpu.memory_space<semaphore_mem>>) src(%arg9 : memref<128x128xf32, #tpu.memory_space<vmem>>) dst(%dma_wait3A_95 : memref<128x128xf32, #tpu.memory_space<hbm>>)
      tpu.yield
    }) : () -> ()
    return
  }
}

#map = affine_map<(d0, d1) -> (0, 0)>
#map1 = affine_map<(d0, d1) -> (0, 0, 0)>
module attributes {stable_mosaic.version = 14 : i64} {
  func.func @_sc_hist_body(%arg0: i32, %arg1: i32, %arg2: memref<2560x128xi32, #tpu.memory_space<hbm>>, %arg3: memref<128x128xf32, #tpu.memory_space<hbm>>, %arg4: memref<128x128xf32, #tpu.memory_space<hbm>>, %arg5: memref<2x10240x128xf32, #tpu.memory_space<hbm>>, %arg6: memref<40x128xi32, #tpu.memory_space<vmem>>, %arg7: memref<128x128xf32, #tpu.memory_space<vmem>>, %arg8: memref<10240x128xf32, #tpu.memory_space<vmem_shared>>) attributes {dimension_semantics = [#tpu.dimension_semantics<core_parallel>, #tpu.dimension_semantics<subcore_parallel>], iteration_bounds = array<i64: 2, 16>, scalar_prefetch = 0 : i64, scratch_operands = 3 : i64, tpu.core_type = #tpu.core_type<sc_vector_subcore>, window_params = [{transform_indices = #map}, {transform_indices = #map}, {transform_indices = #map}, {transform_indices = #map1}]} {
    %mul3A = arith.constant 16 : i32
    %mul3A_0 = arith.muli %arg0, %mul3A : i32
    %add3A = arith.addi %mul3A_0, %arg1 : i32
    "tpu.region"() ({
      %run_scoped3A = tpu.sem_alloc : memref<!tpu.dma_semaphore, #tpu.memory_space<semaphore_mem>>
      tpu.enqueue_dma source(%arg3 : memref<128x128xf32, #tpu.memory_space<hbm>>) target(%arg7 : memref<128x128xf32, #tpu.memory_space<vmem>>) target_semaphore(%run_scoped3A : memref<!tpu.dma_semaphore, #tpu.memory_space<semaphore_mem>>)
      tpu.wait_dma2 semaphore(%run_scoped3A : memref<!tpu.dma_semaphore, #tpu.memory_space<semaphore_mem>>) src(%arg3 : memref<128x128xf32, #tpu.memory_space<hbm>>) dst(%arg7 : memref<128x128xf32, #tpu.memory_space<vmem>>)
      tpu.yield
    }) : () -> ()
    %mul3A_1 = arith.constant 640 : i32
    %mul3A_2 = arith.muli %arg1, %mul3A_1 : i32
    %add3A_3 = arith.constant 0 : i32
    %add3A_4 = arith.addi %mul3A_2, %add3A_3 : i32
    "tpu.region"() ({
      %run_scoped3A = tpu.sem_alloc : memref<!tpu.dma_semaphore, #tpu.memory_space<semaphore_mem>>
      %dma_start3A = arith.constant 0 : i32
      %dma_start3A_46 = tpu.memref_slice %arg8[%add3A_4, %dma_start3A] : memref<10240x128xf32, #tpu.memory_space<vmem_shared>> -> memref<128x128xf32, #tpu.memory_space<vmem_shared>>
      %dma_start3A_47 = arith.constant 0 : i32
      %dma_start3A_48 = tpu.memref_slice %arg8[%add3A_4, %dma_start3A_47] : memref<10240x128xf32, #tpu.memory_space<vmem_shared>> -> memref<128x128xf32, #tpu.memory_space<vmem_shared>>
      tpu.enqueue_dma source(%arg7 : memref<128x128xf32, #tpu.memory_space<vmem>>) target(%dma_start3A_48 : memref<128x128xf32, #tpu.memory_space<vmem_shared>>) target_semaphore(%run_scoped3A : memref<!tpu.dma_semaphore, #tpu.memory_space<semaphore_mem>>)
      %dma_wait3A = arith.constant 0 : i32
      %dma_wait3A_49 = tpu.memref_slice %arg8[%add3A_4, %dma_wait3A] : memref<10240x128xf32, #tpu.memory_space<vmem_shared>> -> memref<128x128xf32, #tpu.memory_space<vmem_shared>>
      %dma_wait3A_50 = arith.constant 0 : i32
      %dma_wait3A_51 = tpu.memref_slice %arg8[%add3A_4, %dma_wait3A_50] : memref<10240x128xf32, #tpu.memory_space<vmem_shared>> -> memref<128x128xf32, #tpu.memory_space<vmem_shared>>
      tpu.wait_dma2 semaphore(%run_scoped3A : memref<!tpu.dma_semaphore, #tpu.memory_space<semaphore_mem>>) src(%arg7 : memref<128x128xf32, #tpu.memory_space<vmem>>) dst(%dma_wait3A_51 : memref<128x128xf32, #tpu.memory_space<vmem_shared>>)
      tpu.yield
    }) : () -> ()
    %mul3A_5 = arith.constant 640 : i32
    %mul3A_6 = arith.muli %arg1, %mul3A_5 : i32
    %add3A_7 = arith.constant 128 : i32
    %add3A_8 = arith.addi %mul3A_6, %add3A_7 : i32
    "tpu.region"() ({
      %run_scoped3A = tpu.sem_alloc : memref<!tpu.dma_semaphore, #tpu.memory_space<semaphore_mem>>
      %dma_start3A = arith.constant 0 : i32
      %dma_start3A_46 = tpu.memref_slice %arg8[%add3A_8, %dma_start3A] : memref<10240x128xf32, #tpu.memory_space<vmem_shared>> -> memref<128x128xf32, #tpu.memory_space<vmem_shared>>
      %dma_start3A_47 = arith.constant 0 : i32
      %dma_start3A_48 = tpu.memref_slice %arg8[%add3A_8, %dma_start3A_47] : memref<10240x128xf32, #tpu.memory_space<vmem_shared>> -> memref<128x128xf32, #tpu.memory_space<vmem_shared>>
      tpu.enqueue_dma source(%arg7 : memref<128x128xf32, #tpu.memory_space<vmem>>) target(%dma_start3A_48 : memref<128x128xf32, #tpu.memory_space<vmem_shared>>) target_semaphore(%run_scoped3A : memref<!tpu.dma_semaphore, #tpu.memory_space<semaphore_mem>>)
      %dma_wait3A = arith.constant 0 : i32
      %dma_wait3A_49 = tpu.memref_slice %arg8[%add3A_8, %dma_wait3A] : memref<10240x128xf32, #tpu.memory_space<vmem_shared>> -> memref<128x128xf32, #tpu.memory_space<vmem_shared>>
      %dma_wait3A_50 = arith.constant 0 : i32
      %dma_wait3A_51 = tpu.memref_slice %arg8[%add3A_8, %dma_wait3A_50] : memref<10240x128xf32, #tpu.memory_space<vmem_shared>> -> memref<128x128xf32, #tpu.memory_space<vmem_shared>>
      tpu.wait_dma2 semaphore(%run_scoped3A : memref<!tpu.dma_semaphore, #tpu.memory_space<semaphore_mem>>) src(%arg7 : memref<128x128xf32, #tpu.memory_space<vmem>>) dst(%dma_wait3A_51 : memref<128x128xf32, #tpu.memory_space<vmem_shared>>)
      tpu.yield
    }) : () -> ()
    %mul3A_9 = arith.constant 640 : i32
    %mul3A_10 = arith.muli %arg1, %mul3A_9 : i32
    %add3A_11 = arith.constant 256 : i32
    %add3A_12 = arith.addi %mul3A_10, %add3A_11 : i32
    "tpu.region"() ({
      %run_scoped3A = tpu.sem_alloc : memref<!tpu.dma_semaphore, #tpu.memory_space<semaphore_mem>>
      %dma_start3A = arith.constant 0 : i32
      %dma_start3A_46 = tpu.memref_slice %arg8[%add3A_12, %dma_start3A] : memref<10240x128xf32, #tpu.memory_space<vmem_shared>> -> memref<128x128xf32, #tpu.memory_space<vmem_shared>>
      %dma_start3A_47 = arith.constant 0 : i32
      %dma_start3A_48 = tpu.memref_slice %arg8[%add3A_12, %dma_start3A_47] : memref<10240x128xf32, #tpu.memory_space<vmem_shared>> -> memref<128x128xf32, #tpu.memory_space<vmem_shared>>
      tpu.enqueue_dma source(%arg7 : memref<128x128xf32, #tpu.memory_space<vmem>>) target(%dma_start3A_48 : memref<128x128xf32, #tpu.memory_space<vmem_shared>>) target_semaphore(%run_scoped3A : memref<!tpu.dma_semaphore, #tpu.memory_space<semaphore_mem>>)
      %dma_wait3A = arith.constant 0 : i32
      %dma_wait3A_49 = tpu.memref_slice %arg8[%add3A_12, %dma_wait3A] : memref<10240x128xf32, #tpu.memory_space<vmem_shared>> -> memref<128x128xf32, #tpu.memory_space<vmem_shared>>
      %dma_wait3A_50 = arith.constant 0 : i32
      %dma_wait3A_51 = tpu.memref_slice %arg8[%add3A_12, %dma_wait3A_50] : memref<10240x128xf32, #tpu.memory_space<vmem_shared>> -> memref<128x128xf32, #tpu.memory_space<vmem_shared>>
      tpu.wait_dma2 semaphore(%run_scoped3A : memref<!tpu.dma_semaphore, #tpu.memory_space<semaphore_mem>>) src(%arg7 : memref<128x128xf32, #tpu.memory_space<vmem>>) dst(%dma_wait3A_51 : memref<128x128xf32, #tpu.memory_space<vmem_shared>>)
      tpu.yield
    }) : () -> ()
    %mul3A_13 = arith.constant 640 : i32
    %mul3A_14 = arith.muli %arg1, %mul3A_13 : i32
    %add3A_15 = arith.constant 384 : i32
    %add3A_16 = arith.addi %mul3A_14, %add3A_15 : i32
    "tpu.region"() ({
      %run_scoped3A = tpu.sem_alloc : memref<!tpu.dma_semaphore, #tpu.memory_space<semaphore_mem>>
      %dma_start3A = arith.constant 0 : i32
      %dma_start3A_46 = tpu.memref_slice %arg8[%add3A_16, %dma_start3A] : memref<10240x128xf32, #tpu.memory_space<vmem_shared>> -> memref<128x128xf32, #tpu.memory_space<vmem_shared>>
      %dma_start3A_47 = arith.constant 0 : i32
      %dma_start3A_48 = tpu.memref_slice %arg8[%add3A_16, %dma_start3A_47] : memref<10240x128xf32, #tpu.memory_space<vmem_shared>> -> memref<128x128xf32, #tpu.memory_space<vmem_shared>>
      tpu.enqueue_dma source(%arg7 : memref<128x128xf32, #tpu.memory_space<vmem>>) target(%dma_start3A_48 : memref<128x128xf32, #tpu.memory_space<vmem_shared>>) target_semaphore(%run_scoped3A : memref<!tpu.dma_semaphore, #tpu.memory_space<semaphore_mem>>)
      %dma_wait3A = arith.constant 0 : i32
      %dma_wait3A_49 = tpu.memref_slice %arg8[%add3A_16, %dma_wait3A] : memref<10240x128xf32, #tpu.memory_space<vmem_shared>> -> memref<128x128xf32, #tpu.memory_space<vmem_shared>>
      %dma_wait3A_50 = arith.constant 0 : i32
      %dma_wait3A_51 = tpu.memref_slice %arg8[%add3A_16, %dma_wait3A_50] : memref<10240x128xf32, #tpu.memory_space<vmem_shared>> -> memref<128x128xf32, #tpu.memory_space<vmem_shared>>
      tpu.wait_dma2 semaphore(%run_scoped3A : memref<!tpu.dma_semaphore, #tpu.memory_space<semaphore_mem>>) src(%arg7 : memref<128x128xf32, #tpu.memory_space<vmem>>) dst(%dma_wait3A_51 : memref<128x128xf32, #tpu.memory_space<vmem_shared>>)
      tpu.yield
    }) : () -> ()
    %mul3A_17 = arith.constant 640 : i32
    %mul3A_18 = arith.muli %arg1, %mul3A_17 : i32
    %add3A_19 = arith.constant 512 : i32
    %add3A_20 = arith.addi %mul3A_18, %add3A_19 : i32
    "tpu.region"() ({
      %run_scoped3A = tpu.sem_alloc : memref<!tpu.dma_semaphore, #tpu.memory_space<semaphore_mem>>
      %dma_start3A = arith.constant 0 : i32
      %dma_start3A_46 = tpu.memref_slice %arg8[%add3A_20, %dma_start3A] : memref<10240x128xf32, #tpu.memory_space<vmem_shared>> -> memref<128x128xf32, #tpu.memory_space<vmem_shared>>
      %dma_start3A_47 = arith.constant 0 : i32
      %dma_start3A_48 = tpu.memref_slice %arg8[%add3A_20, %dma_start3A_47] : memref<10240x128xf32, #tpu.memory_space<vmem_shared>> -> memref<128x128xf32, #tpu.memory_space<vmem_shared>>
      tpu.enqueue_dma source(%arg7 : memref<128x128xf32, #tpu.memory_space<vmem>>) target(%dma_start3A_48 : memref<128x128xf32, #tpu.memory_space<vmem_shared>>) target_semaphore(%run_scoped3A : memref<!tpu.dma_semaphore, #tpu.memory_space<semaphore_mem>>)
      %dma_wait3A = arith.constant 0 : i32
      %dma_wait3A_49 = tpu.memref_slice %arg8[%add3A_20, %dma_wait3A] : memref<10240x128xf32, #tpu.memory_space<vmem_shared>> -> memref<128x128xf32, #tpu.memory_space<vmem_shared>>
      %dma_wait3A_50 = arith.constant 0 : i32
      %dma_wait3A_51 = tpu.memref_slice %arg8[%add3A_20, %dma_wait3A_50] : memref<10240x128xf32, #tpu.memory_space<vmem_shared>> -> memref<128x128xf32, #tpu.memory_space<vmem_shared>>
      tpu.wait_dma2 semaphore(%run_scoped3A : memref<!tpu.dma_semaphore, #tpu.memory_space<semaphore_mem>>) src(%arg7 : memref<128x128xf32, #tpu.memory_space<vmem>>) dst(%dma_wait3A_51 : memref<128x128xf32, #tpu.memory_space<vmem_shared>>)
      tpu.yield
    }) : () -> ()
    "tpu.region"() ({
      %run_scoped3A = tpu.sem_alloc : memref<!tpu.dma_semaphore, #tpu.memory_space<semaphore_mem>>
      tpu.enqueue_dma source(%arg4 : memref<128x128xf32, #tpu.memory_space<hbm>>) target(%arg7 : memref<128x128xf32, #tpu.memory_space<vmem>>) target_semaphore(%run_scoped3A : memref<!tpu.dma_semaphore, #tpu.memory_space<semaphore_mem>>)
      tpu.wait_dma2 semaphore(%run_scoped3A : memref<!tpu.dma_semaphore, #tpu.memory_space<semaphore_mem>>) src(%arg4 : memref<128x128xf32, #tpu.memory_space<hbm>>) dst(%arg7 : memref<128x128xf32, #tpu.memory_space<vmem>>)
      tpu.yield
    }) : () -> ()
    %barrier3A = arith.constant 0 : index
    tpu.barrier barrier_id(%barrier3A)
    %scan3A = arith.constant 0 : i32
    %scan3A_21 = arith.constant 2 : i32
    %scan3A_22 = arith.addi %scan3A, %scan3A_21 : i32
    %scan3A_23 = arith.constant 1 : i32
    scf.for %scan3A_46 = %scan3A to %scan3A_22 step %scan3A_23  : i32 {
      %mul3A_47 = arith.constant 1 : i32
      %mul3A_48 = arith.muli %scan3A_46, %mul3A_47 : i32
      %add3A_49 = arith.constant 0 : i32
      %add3A_50 = arith.addi %add3A_49, %mul3A_48 : i32
      %mul3A_51 = arith.constant 80 : i32
      %mul3A_52 = arith.muli %add3A, %mul3A_51 : i32
      %mul3A_53 = arith.constant 40 : i32
      %mul3A_54 = arith.muli %add3A_50, %mul3A_53 : i32
      %add3A_55 = arith.addi %mul3A_52, %mul3A_54 : i32
      %multiple_of3A = tpu.assume_multiple %add3A_55, 8 : i32
      "tpu.region"() ({
        %run_scoped3A = tpu.sem_alloc : memref<!tpu.dma_semaphore, #tpu.memory_space<semaphore_mem>>
        %dma_start3A = arith.constant 0 : i32
        %dma_start3A_61 = tpu.memref_slice %arg2[%multiple_of3A, %dma_start3A] : memref<2560x128xi32, #tpu.memory_space<hbm>> -> memref<40x128xi32, #tpu.memory_space<hbm>>
        %dma_start3A_62 = arith.constant 0 : i32
        %dma_start3A_63 = tpu.memref_slice %arg2[%multiple_of3A, %dma_start3A_62] : memref<2560x128xi32, #tpu.memory_space<hbm>> -> memref<40x128xi32, #tpu.memory_space<hbm>>
        tpu.enqueue_dma source(%dma_start3A_63 : memref<40x128xi32, #tpu.memory_space<hbm>>) target(%arg6 : memref<40x128xi32, #tpu.memory_space<vmem>>) target_semaphore(%run_scoped3A : memref<!tpu.dma_semaphore, #tpu.memory_space<semaphore_mem>>)
        %dma_wait3A = arith.constant 0 : i32
        %dma_wait3A_64 = tpu.memref_slice %arg2[%multiple_of3A, %dma_wait3A] : memref<2560x128xi32, #tpu.memory_space<hbm>> -> memref<40x128xi32, #tpu.memory_space<hbm>>
        %dma_wait3A_65 = arith.constant 0 : i32
        %dma_wait3A_66 = tpu.memref_slice %arg2[%multiple_of3A, %dma_wait3A_65] : memref<2560x128xi32, #tpu.memory_space<hbm>> -> memref<40x128xi32, #tpu.memory_space<hbm>>
        tpu.wait_dma2 semaphore(%run_scoped3A : memref<!tpu.dma_semaphore, #tpu.memory_space<semaphore_mem>>) src(%dma_wait3A_66 : memref<40x128xi32, #tpu.memory_space<hbm>>) dst(%arg6 : memref<40x128xi32, #tpu.memory_space<vmem>>)
        tpu.yield
      }) : () -> ()
      %scan3A_56 = arith.constant 0 : i32
      %scan3A_57 = arith.constant 40 : i32
      %scan3A_58 = arith.addi %scan3A_56, %scan3A_57 : i32
      %scan3A_59 = arith.constant 1 : i32
      scf.for %scan3A_61 = %scan3A_56 to %scan3A_58 step %scan3A_59  : i32 {
        %mul3A_62 = arith.constant 1 : i32
        %mul3A_63 = arith.muli %scan3A_61, %mul3A_62 : i32
        %add3A_64 = arith.constant 0 : i32
        %add3A_65 = arith.addi %add3A_64, %mul3A_63 : i32
        "tpu.region"() ({
          %run_scoped3A = tpu.sem_alloc : memref<!tpu.dma_semaphore, #tpu.memory_space<semaphore_mem>>
          %dma_start3A = arith.constant 0 : i32
          %dma_start3A_66 = tpu.memref_slice %arg6[%add3A_65, %dma_start3A] : memref<40x128xi32, #tpu.memory_space<vmem>> -> memref<1x128xi32, #tpu.memory_space<vmem>>
          %dma_start3A_67 = tpu.memref_squeeze %dma_start3A_66 : memref<1x128xi32, #tpu.memory_space<vmem>> -> memref<128xi32, #tpu.memory_space<vmem>>
          %dma_start3A_68 = arith.constant 0 : i32
          %dma_start3A_69 = arith.constant 0 : i32
          %dma_start3A_70 = tpu.memref_slice %arg8[%dma_start3A_68, %dma_start3A_69] : memref<10240x128xf32, #tpu.memory_space<vmem_shared>> -> memref<10240x128xf32, #tpu.memory_space<vmem_shared>>
          tpu.enqueue_indirect_dma source(%arg7 : memref<128x128xf32, #tpu.memory_space<vmem>>) target(%dma_start3A_70 : memref<10240x128xf32, #tpu.memory_space<vmem_shared>>) offsets(%dma_start3A_67 : memref<128xi32, #tpu.memory_space<vmem>>) semaphore(%run_scoped3A : memref<!tpu.dma_semaphore, #tpu.memory_space<semaphore_mem>>) {add = true}
          %dma_wait3A = arith.constant 0 : i32
          %dma_wait3A_71 = tpu.memref_slice %arg6[%add3A_65, %dma_wait3A] : memref<40x128xi32, #tpu.memory_space<vmem>> -> memref<1x128xi32, #tpu.memory_space<vmem>>
          %dma_wait3A_72 = tpu.memref_squeeze %dma_wait3A_71 : memref<1x128xi32, #tpu.memory_space<vmem>> -> memref<128xi32, #tpu.memory_space<vmem>>
          %dma_wait3A_73 = arith.constant 0 : i32
          %dma_wait3A_74 = arith.constant 0 : i32
          %dma_wait3A_75 = tpu.memref_slice %arg8[%dma_wait3A_73, %dma_wait3A_74] : memref<10240x128xf32, #tpu.memory_space<vmem_shared>> -> memref<10240x128xf32, #tpu.memory_space<vmem_shared>>
          tpu.wait_indirect_dma semaphore(%run_scoped3A : memref<!tpu.dma_semaphore, #tpu.memory_space<semaphore_mem>>) src(%arg7 : memref<128x128xf32, #tpu.memory_space<vmem>>) dst(%dma_wait3A_75 : memref<10240x128xf32, #tpu.memory_space<vmem_shared>>)
          tpu.yield
        }) : () -> ()
      }
      %scan3A_60 = arith.constant 40 : i32
    }
    %scan3A_24 = arith.constant 2 : i32
    %barrier3A_25 = arith.constant 0 : index
    tpu.barrier barrier_id(%barrier3A_25)
    %mul3A_26 = arith.constant 640 : i32
    %mul3A_27 = arith.muli %arg1, %mul3A_26 : i32
    %add3A_28 = arith.constant 0 : i32
    %add3A_29 = arith.addi %mul3A_27, %add3A_28 : i32
    "tpu.region"() ({
      %run_scoped3A = tpu.sem_alloc : memref<!tpu.dma_semaphore, #tpu.memory_space<semaphore_mem>>
      %dma_start3A = arith.constant 0 : i32
      %dma_start3A_46 = tpu.memref_slice %arg8[%add3A_29, %dma_start3A] : memref<10240x128xf32, #tpu.memory_space<vmem_shared>> -> memref<128x128xf32, #tpu.memory_space<vmem_shared>>
      %dma_start3A_47 = arith.constant 0 : i32
      %dma_start3A_48 = tpu.memref_slice %arg8[%add3A_29, %dma_start3A_47] : memref<10240x128xf32, #tpu.memory_space<vmem_shared>> -> memref<128x128xf32, #tpu.memory_space<vmem_shared>>
      tpu.enqueue_dma source(%dma_start3A_48 : memref<128x128xf32, #tpu.memory_space<vmem_shared>>) target(%arg7 : memref<128x128xf32, #tpu.memory_space<vmem>>) target_semaphore(%run_scoped3A : memref<!tpu.dma_semaphore, #tpu.memory_space<semaphore_mem>>)
      %dma_wait3A = arith.constant 0 : i32
      %dma_wait3A_49 = tpu.memref_slice %arg8[%add3A_29, %dma_wait3A] : memref<10240x128xf32, #tpu.memory_space<vmem_shared>> -> memref<128x128xf32, #tpu.memory_space<vmem_shared>>
      %dma_wait3A_50 = arith.constant 0 : i32
      %dma_wait3A_51 = tpu.memref_slice %arg8[%add3A_29, %dma_wait3A_50] : memref<10240x128xf32, #tpu.memory_space<vmem_shared>> -> memref<128x128xf32, #tpu.memory_space<vmem_shared>>
      tpu.wait_dma2 semaphore(%run_scoped3A : memref<!tpu.dma_semaphore, #tpu.memory_space<semaphore_mem>>) src(%dma_wait3A_51 : memref<128x128xf32, #tpu.memory_space<vmem_shared>>) dst(%arg7 : memref<128x128xf32, #tpu.memory_space<vmem>>)
      tpu.yield
    }) : () -> ()
    "tpu.region"() ({
      %run_scoped3A = tpu.sem_alloc : memref<!tpu.dma_semaphore, #tpu.memory_space<semaphore_mem>>
      %dma_start3A = arith.constant 0 : i32
      %dma_start3A_46 = tpu.memref_slice %arg5[%arg0, %add3A_29, %dma_start3A] : memref<2x10240x128xf32, #tpu.memory_space<hbm>> -> memref<1x128x128xf32, #tpu.memory_space<hbm>>
      %dma_start3A_47 = tpu.memref_squeeze %dma_start3A_46 : memref<1x128x128xf32, #tpu.memory_space<hbm>> -> memref<128x128xf32, #tpu.memory_space<hbm>>
      %dma_start3A_48 = arith.constant 0 : i32
      %dma_start3A_49 = tpu.memref_slice %arg5[%arg0, %add3A_29, %dma_start3A_48] : memref<2x10240x128xf32, #tpu.memory_space<hbm>> -> memref<1x128x128xf32, #tpu.memory_space<hbm>>
      %dma_start3A_50 = tpu.memref_squeeze %dma_start3A_49 : memref<1x128x128xf32, #tpu.memory_space<hbm>> -> memref<128x128xf32, #tpu.memory_space<hbm>>
      tpu.enqueue_dma source(%arg7 : memref<128x128xf32, #tpu.memory_space<vmem>>) target(%dma_start3A_50 : memref<128x128xf32, #tpu.memory_space<hbm>>) target_semaphore(%run_scoped3A : memref<!tpu.dma_semaphore, #tpu.memory_space<semaphore_mem>>)
      %dma_wait3A = arith.constant 0 : i32
      %dma_wait3A_51 = tpu.memref_slice %arg5[%arg0, %add3A_29, %dma_wait3A] : memref<2x10240x128xf32, #tpu.memory_space<hbm>> -> memref<1x128x128xf32, #tpu.memory_space<hbm>>
      %dma_wait3A_52 = tpu.memref_squeeze %dma_wait3A_51 : memref<1x128x128xf32, #tpu.memory_space<hbm>> -> memref<128x128xf32, #tpu.memory_space<hbm>>
      %dma_wait3A_53 = arith.constant 0 : i32
      %dma_wait3A_54 = tpu.memref_slice %arg5[%arg0, %add3A_29, %dma_wait3A_53] : memref<2x10240x128xf32, #tpu.memory_space<hbm>> -> memref<1x128x128xf32, #tpu.memory_space<hbm>>
      %dma_wait3A_55 = tpu.memref_squeeze %dma_wait3A_54 : memref<1x128x128xf32, #tpu.memory_space<hbm>> -> memref<128x128xf32, #tpu.memory_space<hbm>>
      tpu.wait_dma2 semaphore(%run_scoped3A : memref<!tpu.dma_semaphore, #tpu.memory_space<semaphore_mem>>) src(%arg7 : memref<128x128xf32, #tpu.memory_space<vmem>>) dst(%dma_wait3A_55 : memref<128x128xf32, #tpu.memory_space<hbm>>)
      tpu.yield
    }) : () -> ()
    %mul3A_30 = arith.constant 640 : i32
    %mul3A_31 = arith.muli %arg1, %mul3A_30 : i32
    %add3A_32 = arith.constant 128 : i32
    %add3A_33 = arith.addi %mul3A_31, %add3A_32 : i32
    "tpu.region"() ({
      %run_scoped3A = tpu.sem_alloc : memref<!tpu.dma_semaphore, #tpu.memory_space<semaphore_mem>>
      %dma_start3A = arith.constant 0 : i32
      %dma_start3A_46 = tpu.memref_slice %arg8[%add3A_33, %dma_start3A] : memref<10240x128xf32, #tpu.memory_space<vmem_shared>> -> memref<128x128xf32, #tpu.memory_space<vmem_shared>>
      %dma_start3A_47 = arith.constant 0 : i32
      %dma_start3A_48 = tpu.memref_slice %arg8[%add3A_33, %dma_start3A_47] : memref<10240x128xf32, #tpu.memory_space<vmem_shared>> -> memref<128x128xf32, #tpu.memory_space<vmem_shared>>
      tpu.enqueue_dma source(%dma_start3A_48 : memref<128x128xf32, #tpu.memory_space<vmem_shared>>) target(%arg7 : memref<128x128xf32, #tpu.memory_space<vmem>>) target_semaphore(%run_scoped3A : memref<!tpu.dma_semaphore, #tpu.memory_space<semaphore_mem>>)
      %dma_wait3A = arith.constant 0 : i32
      %dma_wait3A_49 = tpu.memref_slice %arg8[%add3A_33, %dma_wait3A] : memref<10240x128xf32, #tpu.memory_space<vmem_shared>> -> memref<128x128xf32, #tpu.memory_space<vmem_shared>>
      %dma_wait3A_50 = arith.constant 0 : i32
      %dma_wait3A_51 = tpu.memref_slice %arg8[%add3A_33, %dma_wait3A_50] : memref<10240x128xf32, #tpu.memory_space<vmem_shared>> -> memref<128x128xf32, #tpu.memory_space<vmem_shared>>
      tpu.wait_dma2 semaphore(%run_scoped3A : memref<!tpu.dma_semaphore, #tpu.memory_space<semaphore_mem>>) src(%dma_wait3A_51 : memref<128x128xf32, #tpu.memory_space<vmem_shared>>) dst(%arg7 : memref<128x128xf32, #tpu.memory_space<vmem>>)
      tpu.yield
    }) : () -> ()
    "tpu.region"() ({
      %run_scoped3A = tpu.sem_alloc : memref<!tpu.dma_semaphore, #tpu.memory_space<semaphore_mem>>
      %dma_start3A = arith.constant 0 : i32
      %dma_start3A_46 = tpu.memref_slice %arg5[%arg0, %add3A_33, %dma_start3A] : memref<2x10240x128xf32, #tpu.memory_space<hbm>> -> memref<1x128x128xf32, #tpu.memory_space<hbm>>
      %dma_start3A_47 = tpu.memref_squeeze %dma_start3A_46 : memref<1x128x128xf32, #tpu.memory_space<hbm>> -> memref<128x128xf32, #tpu.memory_space<hbm>>
      %dma_start3A_48 = arith.constant 0 : i32
      %dma_start3A_49 = tpu.memref_slice %arg5[%arg0, %add3A_33, %dma_start3A_48] : memref<2x10240x128xf32, #tpu.memory_space<hbm>> -> memref<1x128x128xf32, #tpu.memory_space<hbm>>
      %dma_start3A_50 = tpu.memref_squeeze %dma_start3A_49 : memref<1x128x128xf32, #tpu.memory_space<hbm>> -> memref<128x128xf32, #tpu.memory_space<hbm>>
      tpu.enqueue_dma source(%arg7 : memref<128x128xf32, #tpu.memory_space<vmem>>) target(%dma_start3A_50 : memref<128x128xf32, #tpu.memory_space<hbm>>) target_semaphore(%run_scoped3A : memref<!tpu.dma_semaphore, #tpu.memory_space<semaphore_mem>>)
      %dma_wait3A = arith.constant 0 : i32
      %dma_wait3A_51 = tpu.memref_slice %arg5[%arg0, %add3A_33, %dma_wait3A] : memref<2x10240x128xf32, #tpu.memory_space<hbm>> -> memref<1x128x128xf32, #tpu.memory_space<hbm>>
      %dma_wait3A_52 = tpu.memref_squeeze %dma_wait3A_51 : memref<1x128x128xf32, #tpu.memory_space<hbm>> -> memref<128x128xf32, #tpu.memory_space<hbm>>
      %dma_wait3A_53 = arith.constant 0 : i32
      %dma_wait3A_54 = tpu.memref_slice %arg5[%arg0, %add3A_33, %dma_wait3A_53] : memref<2x10240x128xf32, #tpu.memory_space<hbm>> -> memref<1x128x128xf32, #tpu.memory_space<hbm>>
      %dma_wait3A_55 = tpu.memref_squeeze %dma_wait3A_54 : memref<1x128x128xf32, #tpu.memory_space<hbm>> -> memref<128x128xf32, #tpu.memory_space<hbm>>
      tpu.wait_dma2 semaphore(%run_scoped3A : memref<!tpu.dma_semaphore, #tpu.memory_space<semaphore_mem>>) src(%arg7 : memref<128x128xf32, #tpu.memory_space<vmem>>) dst(%dma_wait3A_55 : memref<128x128xf32, #tpu.memory_space<hbm>>)
      tpu.yield
    }) : () -> ()
    %mul3A_34 = arith.constant 640 : i32
    %mul3A_35 = arith.muli %arg1, %mul3A_34 : i32
    %add3A_36 = arith.constant 256 : i32
    %add3A_37 = arith.addi %mul3A_35, %add3A_36 : i32
    "tpu.region"() ({
      %run_scoped3A = tpu.sem_alloc : memref<!tpu.dma_semaphore, #tpu.memory_space<semaphore_mem>>
      %dma_start3A = arith.constant 0 : i32
      %dma_start3A_46 = tpu.memref_slice %arg8[%add3A_37, %dma_start3A] : memref<10240x128xf32, #tpu.memory_space<vmem_shared>> -> memref<128x128xf32, #tpu.memory_space<vmem_shared>>
      %dma_start3A_47 = arith.constant 0 : i32
      %dma_start3A_48 = tpu.memref_slice %arg8[%add3A_37, %dma_start3A_47] : memref<10240x128xf32, #tpu.memory_space<vmem_shared>> -> memref<128x128xf32, #tpu.memory_space<vmem_shared>>
      tpu.enqueue_dma source(%dma_start3A_48 : memref<128x128xf32, #tpu.memory_space<vmem_shared>>) target(%arg7 : memref<128x128xf32, #tpu.memory_space<vmem>>) target_semaphore(%run_scoped3A : memref<!tpu.dma_semaphore, #tpu.memory_space<semaphore_mem>>)
      %dma_wait3A = arith.constant 0 : i32
      %dma_wait3A_49 = tpu.memref_slice %arg8[%add3A_37, %dma_wait3A] : memref<10240x128xf32, #tpu.memory_space<vmem_shared>> -> memref<128x128xf32, #tpu.memory_space<vmem_shared>>
      %dma_wait3A_50 = arith.constant 0 : i32
      %dma_wait3A_51 = tpu.memref_slice %arg8[%add3A_37, %dma_wait3A_50] : memref<10240x128xf32, #tpu.memory_space<vmem_shared>> -> memref<128x128xf32, #tpu.memory_space<vmem_shared>>
      tpu.wait_dma2 semaphore(%run_scoped3A : memref<!tpu.dma_semaphore, #tpu.memory_space<semaphore_mem>>) src(%dma_wait3A_51 : memref<128x128xf32, #tpu.memory_space<vmem_shared>>) dst(%arg7 : memref<128x128xf32, #tpu.memory_space<vmem>>)
      tpu.yield
    }) : () -> ()
    "tpu.region"() ({
      %run_scoped3A = tpu.sem_alloc : memref<!tpu.dma_semaphore, #tpu.memory_space<semaphore_mem>>
      %dma_start3A = arith.constant 0 : i32
      %dma_start3A_46 = tpu.memref_slice %arg5[%arg0, %add3A_37, %dma_start3A] : memref<2x10240x128xf32, #tpu.memory_space<hbm>> -> memref<1x128x128xf32, #tpu.memory_space<hbm>>
      %dma_start3A_47 = tpu.memref_squeeze %dma_start3A_46 : memref<1x128x128xf32, #tpu.memory_space<hbm>> -> memref<128x128xf32, #tpu.memory_space<hbm>>
      %dma_start3A_48 = arith.constant 0 : i32
      %dma_start3A_49 = tpu.memref_slice %arg5[%arg0, %add3A_37, %dma_start3A_48] : memref<2x10240x128xf32, #tpu.memory_space<hbm>> -> memref<1x128x128xf32, #tpu.memory_space<hbm>>
      %dma_start3A_50 = tpu.memref_squeeze %dma_start3A_49 : memref<1x128x128xf32, #tpu.memory_space<hbm>> -> memref<128x128xf32, #tpu.memory_space<hbm>>
      tpu.enqueue_dma source(%arg7 : memref<128x128xf32, #tpu.memory_space<vmem>>) target(%dma_start3A_50 : memref<128x128xf32, #tpu.memory_space<hbm>>) target_semaphore(%run_scoped3A : memref<!tpu.dma_semaphore, #tpu.memory_space<semaphore_mem>>)
      %dma_wait3A = arith.constant 0 : i32
      %dma_wait3A_51 = tpu.memref_slice %arg5[%arg0, %add3A_37, %dma_wait3A] : memref<2x10240x128xf32, #tpu.memory_space<hbm>> -> memref<1x128x128xf32, #tpu.memory_space<hbm>>
      %dma_wait3A_52 = tpu.memref_squeeze %dma_wait3A_51 : memref<1x128x128xf32, #tpu.memory_space<hbm>> -> memref<128x128xf32, #tpu.memory_space<hbm>>
      %dma_wait3A_53 = arith.constant 0 : i32
      %dma_wait3A_54 = tpu.memref_slice %arg5[%arg0, %add3A_37, %dma_wait3A_53] : memref<2x10240x128xf32, #tpu.memory_space<hbm>> -> memref<1x128x128xf32, #tpu.memory_space<hbm>>
      %dma_wait3A_55 = tpu.memref_squeeze %dma_wait3A_54 : memref<1x128x128xf32, #tpu.memory_space<hbm>> -> memref<128x128xf32, #tpu.memory_space<hbm>>
      tpu.wait_dma2 semaphore(%run_scoped3A : memref<!tpu.dma_semaphore, #tpu.memory_space<semaphore_mem>>) src(%arg7 : memref<128x128xf32, #tpu.memory_space<vmem>>) dst(%dma_wait3A_55 : memref<128x128xf32, #tpu.memory_space<hbm>>)
      tpu.yield
    }) : () -> ()
    %mul3A_38 = arith.constant 640 : i32
    %mul3A_39 = arith.muli %arg1, %mul3A_38 : i32
    %add3A_40 = arith.constant 384 : i32
    %add3A_41 = arith.addi %mul3A_39, %add3A_40 : i32
    "tpu.region"() ({
      %run_scoped3A = tpu.sem_alloc : memref<!tpu.dma_semaphore, #tpu.memory_space<semaphore_mem>>
      %dma_start3A = arith.constant 0 : i32
      %dma_start3A_46 = tpu.memref_slice %arg8[%add3A_41, %dma_start3A] : memref<10240x128xf32, #tpu.memory_space<vmem_shared>> -> memref<128x128xf32, #tpu.memory_space<vmem_shared>>
      %dma_start3A_47 = arith.constant 0 : i32
      %dma_start3A_48 = tpu.memref_slice %arg8[%add3A_41, %dma_start3A_47] : memref<10240x128xf32, #tpu.memory_space<vmem_shared>> -> memref<128x128xf32, #tpu.memory_space<vmem_shared>>
      tpu.enqueue_dma source(%dma_start3A_48 : memref<128x128xf32, #tpu.memory_space<vmem_shared>>) target(%arg7 : memref<128x128xf32, #tpu.memory_space<vmem>>) target_semaphore(%run_scoped3A : memref<!tpu.dma_semaphore, #tpu.memory_space<semaphore_mem>>)
      %dma_wait3A = arith.constant 0 : i32
      %dma_wait3A_49 = tpu.memref_slice %arg8[%add3A_41, %dma_wait3A] : memref<10240x128xf32, #tpu.memory_space<vmem_shared>> -> memref<128x128xf32, #tpu.memory_space<vmem_shared>>
      %dma_wait3A_50 = arith.constant 0 : i32
      %dma_wait3A_51 = tpu.memref_slice %arg8[%add3A_41, %dma_wait3A_50] : memref<10240x128xf32, #tpu.memory_space<vmem_shared>> -> memref<128x128xf32, #tpu.memory_space<vmem_shared>>
      tpu.wait_dma2 semaphore(%run_scoped3A : memref<!tpu.dma_semaphore, #tpu.memory_space<semaphore_mem>>) src(%dma_wait3A_51 : memref<128x128xf32, #tpu.memory_space<vmem_shared>>) dst(%arg7 : memref<128x128xf32, #tpu.memory_space<vmem>>)
      tpu.yield
    }) : () -> ()
    "tpu.region"() ({
      %run_scoped3A = tpu.sem_alloc : memref<!tpu.dma_semaphore, #tpu.memory_space<semaphore_mem>>
      %dma_start3A = arith.constant 0 : i32
      %dma_start3A_46 = tpu.memref_slice %arg5[%arg0, %add3A_41, %dma_start3A] : memref<2x10240x128xf32, #tpu.memory_space<hbm>> -> memref<1x128x128xf32, #tpu.memory_space<hbm>>
      %dma_start3A_47 = tpu.memref_squeeze %dma_start3A_46 : memref<1x128x128xf32, #tpu.memory_space<hbm>> -> memref<128x128xf32, #tpu.memory_space<hbm>>
      %dma_start3A_48 = arith.constant 0 : i32
      %dma_start3A_49 = tpu.memref_slice %arg5[%arg0, %add3A_41, %dma_start3A_48] : memref<2x10240x128xf32, #tpu.memory_space<hbm>> -> memref<1x128x128xf32, #tpu.memory_space<hbm>>
      %dma_start3A_50 = tpu.memref_squeeze %dma_start3A_49 : memref<1x128x128xf32, #tpu.memory_space<hbm>> -> memref<128x128xf32, #tpu.memory_space<hbm>>
      tpu.enqueue_dma source(%arg7 : memref<128x128xf32, #tpu.memory_space<vmem>>) target(%dma_start3A_50 : memref<128x128xf32, #tpu.memory_space<hbm>>) target_semaphore(%run_scoped3A : memref<!tpu.dma_semaphore, #tpu.memory_space<semaphore_mem>>)
      %dma_wait3A = arith.constant 0 : i32
      %dma_wait3A_51 = tpu.memref_slice %arg5[%arg0, %add3A_41, %dma_wait3A] : memref<2x10240x128xf32, #tpu.memory_space<hbm>> -> memref<1x128x128xf32, #tpu.memory_space<hbm>>
      %dma_wait3A_52 = tpu.memref_squeeze %dma_wait3A_51 : memref<1x128x128xf32, #tpu.memory_space<hbm>> -> memref<128x128xf32, #tpu.memory_space<hbm>>
      %dma_wait3A_53 = arith.constant 0 : i32
      %dma_wait3A_54 = tpu.memref_slice %arg5[%arg0, %add3A_41, %dma_wait3A_53] : memref<2x10240x128xf32, #tpu.memory_space<hbm>> -> memref<1x128x128xf32, #tpu.memory_space<hbm>>
      %dma_wait3A_55 = tpu.memref_squeeze %dma_wait3A_54 : memref<1x128x128xf32, #tpu.memory_space<hbm>> -> memref<128x128xf32, #tpu.memory_space<hbm>>
      tpu.wait_dma2 semaphore(%run_scoped3A : memref<!tpu.dma_semaphore, #tpu.memory_space<semaphore_mem>>) src(%arg7 : memref<128x128xf32, #tpu.memory_space<vmem>>) dst(%dma_wait3A_55 : memref<128x128xf32, #tpu.memory_space<hbm>>)
      tpu.yield
    }) : () -> ()
    %mul3A_42 = arith.constant 640 : i32
    %mul3A_43 = arith.muli %arg1, %mul3A_42 : i32
    %add3A_44 = arith.constant 512 : i32
    %add3A_45 = arith.addi %mul3A_43, %add3A_44 : i32
    "tpu.region"() ({
      %run_scoped3A = tpu.sem_alloc : memref<!tpu.dma_semaphore, #tpu.memory_space<semaphore_mem>>
      %dma_start3A = arith.constant 0 : i32
      %dma_start3A_46 = tpu.memref_slice %arg8[%add3A_45, %dma_start3A] : memref<10240x128xf32, #tpu.memory_space<vmem_shared>> -> memref<128x128xf32, #tpu.memory_space<vmem_shared>>
      %dma_start3A_47 = arith.constant 0 : i32
      %dma_start3A_48 = tpu.memref_slice %arg8[%add3A_45, %dma_start3A_47] : memref<10240x128xf32, #tpu.memory_space<vmem_shared>> -> memref<128x128xf32, #tpu.memory_space<vmem_shared>>
      tpu.enqueue_dma source(%dma_start3A_48 : memref<128x128xf32, #tpu.memory_space<vmem_shared>>) target(%arg7 : memref<128x128xf32, #tpu.memory_space<vmem>>) target_semaphore(%run_scoped3A : memref<!tpu.dma_semaphore, #tpu.memory_space<semaphore_mem>>)
      %dma_wait3A = arith.constant 0 : i32
      %dma_wait3A_49 = tpu.memref_slice %arg8[%add3A_45, %dma_wait3A] : memref<10240x128xf32, #tpu.memory_space<vmem_shared>> -> memref<128x128xf32, #tpu.memory_space<vmem_shared>>
      %dma_wait3A_50 = arith.constant 0 : i32
      %dma_wait3A_51 = tpu.memref_slice %arg8[%add3A_45, %dma_wait3A_50] : memref<10240x128xf32, #tpu.memory_space<vmem_shared>> -> memref<128x128xf32, #tpu.memory_space<vmem_shared>>
      tpu.wait_dma2 semaphore(%run_scoped3A : memref<!tpu.dma_semaphore, #tpu.memory_space<semaphore_mem>>) src(%dma_wait3A_51 : memref<128x128xf32, #tpu.memory_space<vmem_shared>>) dst(%arg7 : memref<128x128xf32, #tpu.memory_space<vmem>>)
      tpu.yield
    }) : () -> ()
    "tpu.region"() ({
      %run_scoped3A = tpu.sem_alloc : memref<!tpu.dma_semaphore, #tpu.memory_space<semaphore_mem>>
      %dma_start3A = arith.constant 0 : i32
      %dma_start3A_46 = tpu.memref_slice %arg5[%arg0, %add3A_45, %dma_start3A] : memref<2x10240x128xf32, #tpu.memory_space<hbm>> -> memref<1x128x128xf32, #tpu.memory_space<hbm>>
      %dma_start3A_47 = tpu.memref_squeeze %dma_start3A_46 : memref<1x128x128xf32, #tpu.memory_space<hbm>> -> memref<128x128xf32, #tpu.memory_space<hbm>>
      %dma_start3A_48 = arith.constant 0 : i32
      %dma_start3A_49 = tpu.memref_slice %arg5[%arg0, %add3A_45, %dma_start3A_48] : memref<2x10240x128xf32, #tpu.memory_space<hbm>> -> memref<1x128x128xf32, #tpu.memory_space<hbm>>
      %dma_start3A_50 = tpu.memref_squeeze %dma_start3A_49 : memref<1x128x128xf32, #tpu.memory_space<hbm>> -> memref<128x128xf32, #tpu.memory_space<hbm>>
      tpu.enqueue_dma source(%arg7 : memref<128x128xf32, #tpu.memory_space<vmem>>) target(%dma_start3A_50 : memref<128x128xf32, #tpu.memory_space<hbm>>) target_semaphore(%run_scoped3A : memref<!tpu.dma_semaphore, #tpu.memory_space<semaphore_mem>>)
      %dma_wait3A = arith.constant 0 : i32
      %dma_wait3A_51 = tpu.memref_slice %arg5[%arg0, %add3A_45, %dma_wait3A] : memref<2x10240x128xf32, #tpu.memory_space<hbm>> -> memref<1x128x128xf32, #tpu.memory_space<hbm>>
      %dma_wait3A_52 = tpu.memref_squeeze %dma_wait3A_51 : memref<1x128x128xf32, #tpu.memory_space<hbm>> -> memref<128x128xf32, #tpu.memory_space<hbm>>
      %dma_wait3A_53 = arith.constant 0 : i32
      %dma_wait3A_54 = tpu.memref_slice %arg5[%arg0, %add3A_45, %dma_wait3A_53] : memref<2x10240x128xf32, #tpu.memory_space<hbm>> -> memref<1x128x128xf32, #tpu.memory_space<hbm>>
      %dma_wait3A_55 = tpu.memref_squeeze %dma_wait3A_54 : memref<1x128x128xf32, #tpu.memory_space<hbm>> -> memref<128x128xf32, #tpu.memory_space<hbm>>
      tpu.wait_dma2 semaphore(%run_scoped3A : memref<!tpu.dma_semaphore, #tpu.memory_space<semaphore_mem>>) src(%arg7 : memref<128x128xf32, #tpu.memory_space<vmem>>) dst(%dma_wait3A_55 : memref<128x128xf32, #tpu.memory_space<hbm>>)
      tpu.yield
    }) : () -> ()
    return
  }
}

module attributes {stable_mosaic.version = 14 : i64} {
  func.func @_mm2_body(%arg0: i32, %arg1: memref<1000x128xf32, #tpu.memory_space<vmem>>, %arg2: memref<128x128xf32, #tpu.memory_space<vmem>>, %arg3: memref<128x128xf32, #tpu.memory_space<vmem>>, %arg4: memref<1000x128xf32, #tpu.memory_space<vmem>>, %arg5: memref<1000x128xf32, #tpu.memory_space<vmem>>) attributes {dimension_semantics = [#tpu.dimension_semantics<arbitrary>], iteration_bounds = array<i64: 10>, scalar_prefetch = 0 : i64, scratch_operands = 0 : i64, tpu.core_type = #tpu.core_type<tc>, window_params = [{transform_indices = @transform_0, window_bounds = array<i64: 1000, 128>}, {pipeline_mode = #tpu.pipeline_mode<synchronous>, transform_indices = @transform_1, window_bounds = array<i64: 128, 128>}, {pipeline_mode = #tpu.pipeline_mode<synchronous>, transform_indices = @transform_2, window_bounds = array<i64: 128, 128>}, {transform_indices = @transform_3, window_bounds = array<i64: 1000, 128>}, {transform_indices = @transform_4, window_bounds = array<i64: 1000, 128>}]} {
    %get3A = arith.constant 0 : index
    %get3A_0 = arith.constant 0 : index
    %get3A_1 = vector.load %arg1[%get3A, %get3A_0] : memref<1000x128xf32, #tpu.memory_space<vmem>>, vector<1000x128xf32>
    %get3A_2 = arith.constant 0 : index
    %get3A_3 = arith.constant 0 : index
    %get3A_4 = vector.load %arg2[%get3A_2, %get3A_3] : memref<128x128xf32, #tpu.memory_space<vmem>>, vector<128x128xf32>
    %dot_general3A = arith.constant dense<0.000000e+00> : vector<1000x128xf32>
    %dot_general3A_5 = tpu.matmul %get3A_1, %get3A_4, %dot_general3A {dimension_numbers = #tpu.dot_dimension_numbers<[1], [0], [0], [1], [0, 0, 1, 1], [], []>, transpose_lhs_hint = false} : vector<1000x128xf32>, vector<128x128xf32>, vector<1000x128xf32> -> vector<1000x128xf32>
    %swap3A = arith.constant 0 : index
    %swap3A_6 = arith.constant 0 : index
    %swap3A_7 = vector.load %arg4[%swap3A, %swap3A_6] : memref<1000x128xf32, #tpu.memory_space<vmem>>, vector<1000x128xf32>
    tpu.vector_store %arg4[%swap3A, %swap3A_6], %dot_general3A_5 {strides = array<i32>} : memref<1000x128xf32, #tpu.memory_space<vmem>>, vector<1000x128xf32>,
    %get3A_8 = arith.constant 0 : index
    %get3A_9 = arith.constant 0 : index
    %get3A_10 = vector.load %arg3[%get3A_8, %get3A_9] : memref<128x128xf32, #tpu.memory_space<vmem>>, vector<128x128xf32>
    %dot_general3A_11 = arith.constant dense<0.000000e+00> : vector<1000x128xf32>
    %dot_general3A_12 = tpu.matmul %get3A_1, %get3A_10, %dot_general3A_11 {dimension_numbers = #tpu.dot_dimension_numbers<[1], [0], [0], [1], [0, 0, 1, 1], [], []>, transpose_lhs_hint = false} : vector<1000x128xf32>, vector<128x128xf32>, vector<1000x128xf32> -> vector<1000x128xf32>
    %swap3A_13 = arith.constant 0 : index
    %swap3A_14 = arith.constant 0 : index
    %swap3A_15 = vector.load %arg5[%swap3A_13, %swap3A_14] : memref<1000x128xf32, #tpu.memory_space<vmem>>, vector<1000x128xf32>
    tpu.vector_store %arg5[%swap3A_13, %swap3A_14], %dot_general3A_12 {strides = array<i32>} : memref<1000x128xf32, #tpu.memory_space<vmem>>, vector<1000x128xf32>,
    return
  }
  func.func @transform_0(%arg0: i32) -> (i32, i32) {
    %c0_i32 = arith.constant 0 : i32
    %c0_i32_0 = arith.constant 0 : i32
    return %arg0, %c0_i32 : i32, i32
  }
  func.func @transform_1(%arg0: i32) -> (i32, i32) {
    %c0_i32 = arith.constant 0 : i32
    %c0_i32_0 = arith.constant 0 : i32
    %c0_i32_1 = arith.constant 0 : i32
    return %c0_i32, %c0_i32_0 : i32, i32
  }
  func.func @transform_2(%arg0: i32) -> (i32, i32) {
    %c0_i32 = arith.constant 0 : i32
    %c0_i32_0 = arith.constant 0 : i32
    %c0_i32_1 = arith.constant 0 : i32
    return %c0_i32, %c0_i32_0 : i32, i32
  }
  func.func @transform_3(%arg0: i32) -> (i32, i32) {
    %c0_i32 = arith.constant 0 : i32
    %c0_i32_0 = arith.constant 0 : i32
    return %arg0, %c0_i32 : i32, i32
  }
  func.func @transform_4(%arg0: i32) -> (i32, i32) {
    %c0_i32 = arith.constant 0 : i32
    %c0_i32_0 = arith.constant 0 : i32
    return %arg0, %c0_i32 : i32, i32
  }
}

module attributes {stable_mosaic.version = 14 : i64} {
  func.func @_mid_body(%arg0: i32, %arg1: memref<2x1000x128xf32, #tpu.memory_space<vmem>>, %arg2: memref<2x1000x128xf32, #tpu.memory_space<vmem>>, %arg3: memref<1000x128xf32, #tpu.memory_space<vmem>>, %arg4: memref<1x128xf32, #tpu.memory_space<vmem>>, %arg5: memref<128x128xf32, #tpu.memory_space<vmem>>, %arg6: memref<128x128xf32, #tpu.memory_space<vmem>>, %arg7: memref<1000x128xf32, #tpu.memory_space<vmem>>, %arg8: memref<1000x128xf32, #tpu.memory_space<vmem>>) attributes {dimension_semantics = [#tpu.dimension_semantics<arbitrary>], iteration_bounds = array<i64: 10>, scalar_prefetch = 0 : i64, scratch_operands = 0 : i64, tpu.core_type = #tpu.core_type<tc>, window_params = [{transform_indices = @transform_0, window_bounds = array<i64: 2, 1000, 128>}, {transform_indices = @transform_1, window_bounds = array<i64: 2, 1000, 128>}, {transform_indices = @transform_2, window_bounds = array<i64: 1000, 128>}, {pipeline_mode = #tpu.pipeline_mode<synchronous>, transform_indices = @transform_3, window_bounds = array<i64: 1, 128>}, {pipeline_mode = #tpu.pipeline_mode<synchronous>, transform_indices = @transform_4, window_bounds = array<i64: 128, 128>}, {pipeline_mode = #tpu.pipeline_mode<synchronous>, transform_indices = @transform_5, window_bounds = array<i64: 128, 128>}, {transform_indices = @transform_6, window_bounds = array<i64: 1000, 128>}, {transform_indices = @transform_7, window_bounds = array<i64: 1000, 128>}]} {
    %get3A = arith.constant 0 : index
    %get3A_0 = arith.constant 0 : index
    %get3A_1 = arith.constant 0 : index
    %get3A_2 = vector.load %arg2[%get3A, %get3A_0, %get3A_1] : memref<2x1000x128xf32, #tpu.memory_space<vmem>>, vector<1x1000x128xf32>
    %get3A_3 = vector.shape_cast %get3A_2 : vector<1x1000x128xf32> to vector<1000x128xf32>
    %slice3A = vector.extract_strided_slice %get3A_3 {offsets = [0, 0], sizes = [1000, 1], strides = [1, 1]} : vector<1000x128xf32> to vector<1000x1xf32>
    %get3A_4 = arith.constant 1 : index
    %get3A_5 = arith.constant 0 : index
    %get3A_6 = arith.constant 0 : index
    %get3A_7 = vector.load %arg2[%get3A_4, %get3A_5, %get3A_6] : memref<2x1000x128xf32, #tpu.memory_space<vmem>>, vector<1x1000x128xf32>
    %get3A_8 = vector.shape_cast %get3A_7 : vector<1x1000x128xf32> to vector<1000x128xf32>
    %slice3A_9 = vector.extract_strided_slice %get3A_8 {offsets = [0, 0], sizes = [1000, 1], strides = [1, 1]} : vector<1000x128xf32> to vector<1000x1xf32>
    %add3A = arith.addf %slice3A, %slice3A_9 : vector<1000x1xf32>
    %max3A = arith.constant 1.000000e+00 : f32
    %max3A_10 = vector.broadcast %max3A : f32 to vector<1000x1xf32>
    %max3A_11 = arith.maximumf %add3A, %max3A_10 : vector<1000x1xf32>
    %div3A = arith.constant 1.000000e+00 : f32
    %div3A_12 = vector.broadcast %div3A : f32 to vector<1000x1xf32>
    %div3A_13 = arith.divf %div3A_12, %max3A_11 : vector<1000x1xf32>
    %get3A_14 = arith.constant 0 : index
    %get3A_15 = arith.constant 0 : index
    %get3A_16 = arith.constant 0 : index
    %get3A_17 = vector.load %arg1[%get3A_14, %get3A_15, %get3A_16] : memref<2x1000x128xf32, #tpu.memory_space<vmem>>, vector<1x1000x128xf32>
    %get3A_18 = vector.shape_cast %get3A_17 : vector<1x1000x128xf32> to vector<1000x128xf32>
    %get3A_19 = arith.constant 1 : index
    %get3A_20 = arith.constant 0 : index
    %get3A_21 = arith.constant 0 : index
    %get3A_22 = vector.load %arg1[%get3A_19, %get3A_20, %get3A_21] : memref<2x1000x128xf32, #tpu.memory_space<vmem>>, vector<1x1000x128xf32>
    %get3A_23 = vector.shape_cast %get3A_22 : vector<1x1000x128xf32> to vector<1000x128xf32>
    %add3A_24 = arith.addf %get3A_18, %get3A_23 : vector<1000x128xf32>
    %mul3A = vector.broadcast %div3A_13 : vector<1000x1xf32> to vector<1000x128xf32>
    %mul3A_25 = arith.mulf %add3A_24, %mul3A : vector<1000x128xf32>
    %get3A_26 = arith.constant 0 : index
    %get3A_27 = arith.constant 0 : index
    %get3A_28 = vector.load %arg3[%get3A_26, %get3A_27] : memref<1000x128xf32, #tpu.memory_space<vmem>>, vector<1000x128xf32>
    %add3A_29 = arith.addf %mul3A_25, %get3A_28 : vector<1000x128xf32>
    %get3A_30 = arith.constant 0 : index
    %get3A_31 = arith.constant 0 : index
    %get3A_32 = vector.load %arg4[%get3A_30, %get3A_31] : memref<1x128xf32, #tpu.memory_space<vmem>>, vector<1x128xf32>
    %add3A_33 = vector.broadcast %get3A_32 : vector<1x128xf32> to vector<1000x128xf32>
    %add3A_34 = arith.addf %add3A_29, %add3A_33 : vector<1000x128xf32>
    %max3A_35 = arith.constant 0.000000e+00 : f32
    %max3A_36 = vector.broadcast %max3A_35 : f32 to vector<1000x128xf32>
    %max3A_37 = arith.maximumf %add3A_34, %max3A_36 : vector<1000x128xf32>
    %get3A_38 = arith.constant 0 : index
    %get3A_39 = arith.constant 0 : index
    %get3A_40 = vector.load %arg5[%get3A_38, %get3A_39] : memref<128x128xf32, #tpu.memory_space<vmem>>, vector<128x128xf32>
    %dot_general3A = arith.constant dense<0.000000e+00> : vector<1000x128xf32>
    %dot_general3A_41 = tpu.matmul %max3A_37, %get3A_40, %dot_general3A {dimension_numbers = #tpu.dot_dimension_numbers<[1], [0], [0], [1], [0, 0, 1, 1], [], []>, transpose_lhs_hint = false} : vector<1000x128xf32>, vector<128x128xf32>, vector<1000x128xf32> -> vector<1000x128xf32>
    %swap3A = arith.constant 0 : index
    %swap3A_42 = arith.constant 0 : index
    %swap3A_43 = vector.load %arg7[%swap3A, %swap3A_42] : memref<1000x128xf32, #tpu.memory_space<vmem>>, vector<1000x128xf32>
    tpu.vector_store %arg7[%swap3A, %swap3A_42], %dot_general3A_41 {strides = array<i32>} : memref<1000x128xf32, #tpu.memory_space<vmem>>, vector<1000x128xf32>,
    %get3A_44 = arith.constant 0 : index
    %get3A_45 = arith.constant 0 : index
    %get3A_46 = vector.load %arg6[%get3A_44, %get3A_45] : memref<128x128xf32, #tpu.memory_space<vmem>>, vector<128x128xf32>
    %dot_general3A_47 = arith.constant dense<0.000000e+00> : vector<1000x128xf32>
    %dot_general3A_48 = tpu.matmul %max3A_37, %get3A_46, %dot_general3A_47 {dimension_numbers = #tpu.dot_dimension_numbers<[1], [0], [0], [1], [0, 0, 1, 1], [], []>, transpose_lhs_hint = false} : vector<1000x128xf32>, vector<128x128xf32>, vector<1000x128xf32> -> vector<1000x128xf32>
    %swap3A_49 = arith.constant 0 : index
    %swap3A_50 = arith.constant 0 : index
    %swap3A_51 = vector.load %arg8[%swap3A_49, %swap3A_50] : memref<1000x128xf32, #tpu.memory_space<vmem>>, vector<1000x128xf32>
    tpu.vector_store %arg8[%swap3A_49, %swap3A_50], %dot_general3A_48 {strides = array<i32>} : memref<1000x128xf32, #tpu.memory_space<vmem>>, vector<1000x128xf32>,
    return
  }
  func.func @transform_0(%arg0: i32) -> (i32, i32, i32) {
    %c0_i32 = arith.constant 0 : i32
    %c0_i32_0 = arith.constant 0 : i32
    %c0_i32_1 = arith.constant 0 : i32
    return %c0_i32, %arg0, %c0_i32_0 : i32, i32, i32
  }
  func.func @transform_1(%arg0: i32) -> (i32, i32, i32) {
    %c0_i32 = arith.constant 0 : i32
    %c0_i32_0 = arith.constant 0 : i32
    %c0_i32_1 = arith.constant 0 : i32
    return %c0_i32, %arg0, %c0_i32_0 : i32, i32, i32
  }
  func.func @transform_2(%arg0: i32) -> (i32, i32) {
    %c0_i32 = arith.constant 0 : i32
    %c0_i32_0 = arith.constant 0 : i32
    return %arg0, %c0_i32 : i32, i32
  }
  func.func @transform_3(%arg0: i32) -> (i32, i32) {
    %c0_i32 = arith.constant 0 : i32
    %c0_i32_0 = arith.constant 0 : i32
    %c0_i32_1 = arith.constant 0 : i32
    return %c0_i32, %c0_i32_0 : i32, i32
  }
  func.func @transform_4(%arg0: i32) -> (i32, i32) {
    %c0_i32 = arith.constant 0 : i32
    %c0_i32_0 = arith.constant 0 : i32
    %c0_i32_1 = arith.constant 0 : i32
    return %c0_i32, %c0_i32_0 : i32, i32
  }
  func.func @transform_5(%arg0: i32) -> (i32, i32) {
    %c0_i32 = arith.constant 0 : i32
    %c0_i32_0 = arith.constant 0 : i32
    %c0_i32_1 = arith.constant 0 : i32
    return %c0_i32, %c0_i32_0 : i32, i32
  }
  func.func @transform_6(%arg0: i32) -> (i32, i32) {
    %c0_i32 = arith.constant 0 : i32
    %c0_i32_0 = arith.constant 0 : i32
    return %arg0, %c0_i32 : i32, i32
  }
  func.func @transform_7(%arg0: i32) -> (i32, i32) {
    %c0_i32 = arith.constant 0 : i32
    %c0_i32_0 = arith.constant 0 : i32
    return %arg0, %c0_i32 : i32, i32
  }
}

module attributes {stable_mosaic.version = 14 : i64} {
  func.func @_final_body(%arg0: i32, %arg1: memref<2x1000x128xf32, #tpu.memory_space<vmem>>, %arg2: memref<2x1000x128xf32, #tpu.memory_space<vmem>>, %arg3: memref<1000x128xf32, #tpu.memory_space<vmem>>, %arg4: memref<1x128xf32, #tpu.memory_space<vmem>>, %arg5: memref<1000x128xf32, #tpu.memory_space<vmem>>) attributes {dimension_semantics = [#tpu.dimension_semantics<arbitrary>], iteration_bounds = array<i64: 10>, scalar_prefetch = 0 : i64, scratch_operands = 0 : i64, tpu.core_type = #tpu.core_type<tc>, window_params = [{transform_indices = @transform_0, window_bounds = array<i64: 2, 1000, 128>}, {transform_indices = @transform_1, window_bounds = array<i64: 2, 1000, 128>}, {transform_indices = @transform_2, window_bounds = array<i64: 1000, 128>}, {pipeline_mode = #tpu.pipeline_mode<synchronous>, transform_indices = @transform_3, window_bounds = array<i64: 1, 128>}, {transform_indices = @transform_4, window_bounds = array<i64: 1000, 128>}]} {
    %get3A = arith.constant 0 : index
    %get3A_0 = arith.constant 0 : index
    %get3A_1 = arith.constant 0 : index
    %get3A_2 = vector.load %arg2[%get3A, %get3A_0, %get3A_1] : memref<2x1000x128xf32, #tpu.memory_space<vmem>>, vector<1x1000x128xf32>
    %get3A_3 = vector.shape_cast %get3A_2 : vector<1x1000x128xf32> to vector<1000x128xf32>
    %slice3A = vector.extract_strided_slice %get3A_3 {offsets = [0, 0], sizes = [1000, 1], strides = [1, 1]} : vector<1000x128xf32> to vector<1000x1xf32>
    %get3A_4 = arith.constant 1 : index
    %get3A_5 = arith.constant 0 : index
    %get3A_6 = arith.constant 0 : index
    %get3A_7 = vector.load %arg2[%get3A_4, %get3A_5, %get3A_6] : memref<2x1000x128xf32, #tpu.memory_space<vmem>>, vector<1x1000x128xf32>
    %get3A_8 = vector.shape_cast %get3A_7 : vector<1x1000x128xf32> to vector<1000x128xf32>
    %slice3A_9 = vector.extract_strided_slice %get3A_8 {offsets = [0, 0], sizes = [1000, 1], strides = [1, 1]} : vector<1000x128xf32> to vector<1000x1xf32>
    %add3A = arith.addf %slice3A, %slice3A_9 : vector<1000x1xf32>
    %max3A = arith.constant 1.000000e+00 : f32
    %max3A_10 = vector.broadcast %max3A : f32 to vector<1000x1xf32>
    %max3A_11 = arith.maximumf %add3A, %max3A_10 : vector<1000x1xf32>
    %div3A = arith.constant 1.000000e+00 : f32
    %div3A_12 = vector.broadcast %div3A : f32 to vector<1000x1xf32>
    %div3A_13 = arith.divf %div3A_12, %max3A_11 : vector<1000x1xf32>
    %get3A_14 = arith.constant 0 : index
    %get3A_15 = arith.constant 0 : index
    %get3A_16 = arith.constant 0 : index
    %get3A_17 = vector.load %arg1[%get3A_14, %get3A_15, %get3A_16] : memref<2x1000x128xf32, #tpu.memory_space<vmem>>, vector<1x1000x128xf32>
    %get3A_18 = vector.shape_cast %get3A_17 : vector<1x1000x128xf32> to vector<1000x128xf32>
    %get3A_19 = arith.constant 1 : index
    %get3A_20 = arith.constant 0 : index
    %get3A_21 = arith.constant 0 : index
    %get3A_22 = vector.load %arg1[%get3A_19, %get3A_20, %get3A_21] : memref<2x1000x128xf32, #tpu.memory_space<vmem>>, vector<1x1000x128xf32>
    %get3A_23 = vector.shape_cast %get3A_22 : vector<1x1000x128xf32> to vector<1000x128xf32>
    %add3A_24 = arith.addf %get3A_18, %get3A_23 : vector<1000x128xf32>
    %mul3A = vector.broadcast %div3A_13 : vector<1000x1xf32> to vector<1000x128xf32>
    %mul3A_25 = arith.mulf %add3A_24, %mul3A : vector<1000x128xf32>
    %get3A_26 = arith.constant 0 : index
    %get3A_27 = arith.constant 0 : index
    %get3A_28 = vector.load %arg3[%get3A_26, %get3A_27] : memref<1000x128xf32, #tpu.memory_space<vmem>>, vector<1000x128xf32>
    %add3A_29 = arith.addf %mul3A_25, %get3A_28 : vector<1000x128xf32>
    %get3A_30 = arith.constant 0 : index
    %get3A_31 = arith.constant 0 : index
    %get3A_32 = vector.load %arg4[%get3A_30, %get3A_31] : memref<1x128xf32, #tpu.memory_space<vmem>>, vector<1x128xf32>
    %add3A_33 = vector.broadcast %get3A_32 : vector<1x128xf32> to vector<1000x128xf32>
    %add3A_34 = arith.addf %add3A_29, %add3A_33 : vector<1000x128xf32>
    %swap3A = arith.constant 0 : index
    %swap3A_35 = arith.constant 0 : index
    %swap3A_36 = vector.load %arg5[%swap3A, %swap3A_35] : memref<1000x128xf32, #tpu.memory_space<vmem>>, vector<1000x128xf32>
    tpu.vector_store %arg5[%swap3A, %swap3A_35], %add3A_34 {strides = array<i32>} : memref<1000x128xf32, #tpu.memory_space<vmem>>, vector<1000x128xf32>,
    return
  }
  func.func @transform_0(%arg0: i32) -> (i32, i32, i32) {
    %c0_i32 = arith.constant 0 : i32
    %c0_i32_0 = arith.constant 0 : i32
    %c0_i32_1 = arith.constant 0 : i32
    return %c0_i32, %arg0, %c0_i32_0 : i32, i32, i32
  }
  func.func @transform_1(%arg0: i32) -> (i32, i32, i32) {
    %c0_i32 = arith.constant 0 : i32
    %c0_i32_0 = arith.constant 0 : i32
    %c0_i32_1 = arith.constant 0 : i32
    return %c0_i32, %arg0, %c0_i32_0 : i32, i32, i32
  }
  func.func @transform_2(%arg0: i32) -> (i32, i32) {
    %c0_i32 = arith.constant 0 : i32
    %c0_i32_0 = arith.constant 0 : i32
    return %arg0, %c0_i32 : i32, i32
  }
  func.func @transform_3(%arg0: i32) -> (i32, i32) {
    %c0_i32 = arith.constant 0 : i32
    %c0_i32_0 = arith.constant 0 : i32
    %c0_i32_1 = arith.constant 0 : i32
    return %c0_i32, %c0_i32_0 : i32, i32
  }
  func.func @transform_4(%arg0: i32) -> (i32, i32) {
    %c0_i32 = arith.constant 0 : i32
    %c0_i32_0 = arith.constant 0 : i32
    return %arg0, %c0_i32 : i32, i32
  }
}

</mosaic_0001>

<sc_bundles>
// kernel: kernel.11.cloned.1.call-start
scs
__scs_entry_jumppad:
0x0: {  	(pc) =	sbr.rel $0x88, $3  }
0x1: {  	(tag) =	ssettag $0x0;
	lr =	simm.s32 $0x1  }
0x2: {  	[smem:$0x3F99] =	sst lr;
	_ =	strace $0xD0000000  }
0x3: {  	_ = 	snop  }
0x4: {  	_ = 	snop  }
0x5: {  	_ = 	snop  }
0x6: {  	_ = 	snop  }
0x7: {  	_ = 	snop  }
__scs_overlays_trampoline_lowered:
0x8: {  	[smem:$0x3FA8] =	sst s0  }
0x9: {  	[smem:$0x3FA9] =	sst s1  }
0xa: {  	[smem:$0x3FAA] =	sst s2  }
0xb: {  	[smem:$0x3FAB] =	sst s3  }
0xc: {  	[smem:$0x3FAC] =	sst s4  }
0xd: {  	[smem:$0x3FAD] =	sst s5  }
0xe: {  	[smem:$0x3FAE] =	sst s6  }
0xf: {  	[smem:$0x3FAF] =	sst s7  }
0x10: {  	[smem:$0x3FB0] =	sst s8  }
0x11: {  	[smem:$0x3FB1] =	sst s9;
	s0 =	simm.s32 @!p0 $0x0  }
0x12: {  	s1 =	sld [smem:$0x3F97];
	s0 =	simm.s32 @p0 $0x1  }
0x13: {  	[smem:$0x3FB2] =	sst s0;
	s0 =	simm.s32 @!p1 $0x0  }
0x14: {  	s2 =	sld [smem:$0x3F96];
	s0 =	simm.s32 @p1 $0x1  }
0x15: {  	[smem:$0x3FB3] =	sst s0;
	s0 =	simm.s32 @!p2 $0x0  }
0x16: {  	s3 =	sld [smem:$0x3FDB];
	s0 =	simm.s32 @p2 $0x1  }
0x17: {  	s4 =	simm.s32 $0x1BF5;
	[smem:$0x3FB5] =	sst s0  }
0x18: {  	s0 =	sld [smem:$0x3F98];
	_ =	swait.ge [sflag:s4], $0x0  }
0x19: {  	s7 =	sld [smem:$0x3F99]  }
0x1a: {  	s8 =	sadd.s32 $0xFFFFE003, lr  }
0x1b: {  	s9 =	sadd.s32 $0xFFFFFEF7, lr;
	s5 =	simm.s32 $0xFFFFFFFF;
	p2 =	slt.u32 s8, $0xFFFFF086  }
0x1c: {  	p1 =	slt.u32 s9, $0xF7A;
	s5 =	simm.s32 @!p2 $0x0  }
0x1d: {  	s5 =	simm.s32 @p1 $0x1;
	p0 =	seq.s32 s7, s2  }
0x1e: {  	s7 =	smul.u32 @!p0 $0xF7A, s2;
	p2 =	seq.s32 @!p0 s5, $0x0  }
0x1f: {  	s9 =	smul.u32 $0xF7A, s1;
	s8 =	simm.s32 @!p0 $0x1BF5;
	p2 =	por !p2, p0  }
0x20: {  	[sflag:s8] =	ssyncset.s32 @!p0 $0xFFFFF086;
	s6 =	sadd.s32 @!p0 s3, s7;
	s7 =	simm.s32 @!p0 $0x108  }
0x21: {  	s3 =	sadd.s32 s3, s9;
	s6 =	sadd.s32 @!p0 $0x88, s6;
	s7 =	simm.s32 @p2 $0x1082  }
0x22: {  	[simem:s7], [sflag:s8] =	dma.local @!p0 [hbm:s6], $0xF7A  }
0x23: {  	s9 =	sor.u32 $0xD0000000, s2;
	s6 =	simm.s32 $0x108;
	_ =	swait.ge @!p0 [sflag:s8], $0x0  }
0x24: {  	s3 =	sadd.s32 $0x88, s3;
	s6 =	simm.s32 @!p1 $0x1082;
	[sflag:s4] =	ssyncset.s32 $0xFFFFF086  }
0x25: {  	[simem:s6], [sflag:s4] =	dma.local [hbm:s3], $0xF7A  }
0x26: {  	[smem:$0x3F99] =	sst s1;
	(tag) =	ssettag s2;
	_ =	strace s9  }
0x27: {  	s1 =	sld [smem:$0x3FA9]  }
0x28: {  	s2 =	sld [smem:$0x3FAA]  }
0x29: {  	s4 =	sld [smem:$0x3FAC]  }
0x2a: {  	p0 =	seq.s32 s5, $0x0;
	s5 =	sld [smem:$0x3FAD]  }
0x2b: {  	s6 =	sld [smem:$0x3FAE]  }
0x2c: {  	s7 =	sld [smem:$0x3FAF]  }
0x2d: {  	s3 =	simm.s32 $0x108;
	s8 =	sld [smem:$0x3FB0]  }
0x2e: {  	s3 =	simm.s32 @!p0 $0x1082;
	s9 =	sld [smem:$0x3FB1]  }
0x2f: {  	lr =	sadd.s32 s0, s3;
	s0 =	sld [smem:$0x3FA8]  }
0x30: {  	s3 =	sld [smem:$0x3FAB]  }
0x31: {  	[smem:$0x3FB4] =	sst s10  }
0x32: {  	s10 =	sld [smem:$0x3FB2];
	_ =	sdelay $0x3  }
0x33: {  	p0 =	seq.s32 s10, $0x1;
	s10 =	sld [smem:$0x3FB4];
	_ =	sdelay $0x3  }
0x34: {  	[smem:$0x3FB4] =	sst s10  }
0x35: {  	s10 =	sld [smem:$0x3FB3];
	_ =	sdelay $0x3  }
0x36: {  	p1 =	seq.s32 s10, $0x1;
	s10 =	sld [smem:$0x3FB4];
	_ =	sdelay $0x3  }
0x37: {  	[smem:$0x3FB4] =	sst s10  }
0x38: {  	s10 =	sld [smem:$0x3FB5]  }
0x39: {  	_ = 	snop;
	(pc) =	sbr.ind lr, $3  }
0x3a: {  	_ = 	snop  }
0x3b: {  	_ = 	snop  }
0x3c: {  	p2 =	seq.s32 s10, $0x1;
	s10 =	sld [smem:$0x3FB4]  }
0x3d: {  	_ =	shalt  }
0x3e: {  	_ =	shalt  }
0x3f: {  	_ =	shalt  }
0x40: {  	_ =	shalt  }
0x41: {  	_ =	shalt  }
0x42: {  	_ =	shalt  }
0x43: {  	_ =	shalt  }
0x44: {  	_ =	shalt  }
0x45: {  	_ =	shalt  }
0x46: {  	_ =	shalt  }
0x47: {  	_ =	shalt  }
0x48: {  	_ =	shalt  }
0x49: {  	_ =	shalt  }
0x4a: {  	_ =	shalt  }
0x4b: {  	_ =	shalt  }
0x4c: {  	_ =	shalt  }
0x4d: {  	_ =	shalt  }
0x4e: {  	_ =	shalt  }
0x4f: {  	_ =	shalt  }
0x50: {  	_ =	shalt  }
0x51: {  	_ =	shalt  }
0x52: {  	_ =	shalt  }
0x53: {  	_ =	shalt  }
0x54: {  	_ =	shalt  }
0x55: {  	_ =	shalt  }
0x56: {  	_ =	shalt  }
0x57: {  	_ =	shalt  }
0x58: {  	_ =	shalt  }
0x59: {  	_ =	shalt  }
0x5a: {  	_ =	shalt  }
0x5b: {  	_ =	shalt  }
0x5c: {  	_ =	shalt  }
0x5d: {  	_ =	shalt  }
0x5e: {  	_ =	shalt  }
0x5f: {  	_ =	shalt  }
0x60: {  	_ =	shalt  }
0x61: {  	_ =	shalt  }
0x62: {  	_ =	shalt  }
0x63: {  	_ =	shalt  }
0x64: {  	_ =	shalt  }
0x65: {  	_ =	shalt  }
0x66: {  	_ =	shalt  }
0x67: {  	_ =	shalt  }
0x68: {  	_ =	shalt  }
0x69: {  	_ =	shalt  }
0x6a: {  	_ =	shalt  }
0x6b: {  	_ =	shalt  }
0x6c: {  	_ =	shalt  }
0x6d: {  	_ =	shalt  }
0x6e: {  	_ =	shalt  }
0x6f: {  	_ =	shalt  }
0x70: {  	_ =	shalt  }
0x71: {  	_ =	shalt  }
0x72: {  	_ =	shalt  }
0x73: {  	_ =	shalt  }
0x74: {  	_ =	shalt  }
0x75: {  	_ =	shalt  }
0x76: {  	_ =	shalt  }
0x77: {  	_ =	shalt  }
0x78: {  	_ =	shalt  }
0x79: {  	_ =	shalt  }
0x7a: {  	_ =	shalt  }
0x7b: {  	_ =	shalt  }
0x7c: {  	_ =	shalt  }
0x7d: {  	_ =	shalt  }
0x7e: {  	_ =	shalt  }
0x7f: {  	_ =	shalt  }
0x80: {  	_ =	shalt  }
0x81: {  	_ =	shalt  }
0x82: {  	_ =	shalt  }
0x83: {  	_ =	shalt  }
0x84: {  	_ =	shalt  }
0x85: {  	_ =	shalt  }
0x86: {  	_ =	shalt  }
0x87: {  	_ =	shalt  }
.Lfunc_end0:
.L_simem_size_0:
called_computation.1_lowered:
.L_overlay_start_0:
0x88: {  	s2 =	sld [smem:$0x3FD9]  }
0x89: {  	s3 =	sld [smem:$0x3FFE];
	_ =	sdelay $0x1  }
0x8a: {  	s1 =	srdreg.scid  }
0x8b: {  	s0 =	sand.u32 $0x1, s1  }
0x8c: {  	s17 =	sshll.u32 s0, $0xA;
	s2 =	sadd.s32 s3, s2  }
0x8d: {  	s2 =	sadd.s32 s2, s17  }
0x8e: {  	[smem:$0x3FC0] =	sst s2  }
0x8f: {  	_ = 	snop  }
0x90: {  	(tm) =	ssettm $0x1  }
0x91: {  	s18 =	sld [smem:$0x3FFB];
	_ =	sdelay $0x3  }
0x92: {  	_ =	strace s18  }
0x93: {  	s2 =	sld [smem:$0x3FFC];
	_ =	sdelay $0x3  }
0x94: {  	_ =	strace s2  }
0x95: {  	s2 =	sld [smem:$0x3FFD];
	_ =	sdelay $0x3  }
0x96: {  	_ =	strace s2  }
0x97: {  	_ =	strace $0x8FFFFFFF  }
0x98: {  	s19 =	sld [smem:$0x3FDB];
	_ =	sdelay $0x1  }
0x99: {  	s20 =	simm.s32 $_scs_section_size  }
0x9a: {  	s4 =	simm.s32 $_size__tile_overlayer_lowered;
	s5 =	simm.s32 $_tile_overlayer_lowered  }
0x9b: {  	s6 =	simm.s32 $0x1BFF;
	s21 =	sshll.u32 s5, $0x1;
	s3 =	sadd.s32 s20, s19  }
0x9c: {  	s22 =	simm.s32 $0x0;
	s4 =	sshll.u32 s4, $0x1;
	s5 =	sadd.s32 s21, s3  }
0x9d: {  	[timem:s22], [sflag:s6] =	dma.local [hbm:s5], s4  }
0x9e: {  	_ =	swait.ge [sflag:s6], s4  }
0x9f: {  	s4 =	ssub.s32 $0x0, s4;
	[sflag:s6] =	ssyncset.done $0x0  }
0xa0: {  	[sflag:s6] =	ssyncadd.s32 s4;
	_ =	sdelay $0x1  }
0xa1: {  	s23 =	simm.s32 $0x1B8B  }
0xa2: {  	_ =	swait.ge [sflag:s23], $0x1  }
0xa3: {  	[sflag:s23] =	ssyncset.done $0x0  }
0xa4: {  	[sflag:s23] =	ssyncadd.s32 $0xFFFFFFFF  }
0xa5: {  	s4 =	sld [smem:$0x0]  }
0xa6: {  	s5 =	sand.u32 $0xFFFFFFFE, s1  }
0xa7: {  	p0 =	sne.s32 s1, s5  }
0xa8: {  	s5 =	sshll.u32 @p0 s5, $0xE  }
0xa9: {  	s5 =	sadd.s32 @p0 $0x11B8D, s5;
	s6 =	sshll.u32 @p0 s4, $0x11  }
0xaa: {  	s5 =	sor.u32 @p0 s6, s5  }
0xab: {  	[sflag:s5] =	ssyncadd.remote.s32 @p0 $0x1;
	_ =	sdelay $0x1  }
0xac: {  	s5 =	simm.s32 @p0 $0x1B8D  }
0xad: {  	_ =	swait.eq @p0 [sflag:s5], $0x1  }
0xae: {  	[sflag:s5] =	ssyncadd.s32 @p0 $0xFFFFFFFF  }
0xaf: {  	s6 =	sshll.u32 @!p0 s1, $0xE  }
0xb0: {  	s6 =	sor.u32 @!p0 $0x4000, s6;
	s5 =	simm.s32 @!p0 $0x1B8D  }
0xb1: {  	s4 =	sshll.u32 @!p0 s4, $0x11;
	s6 =	sadd.s32 @!p0 $0x11B8D, s6;
	_ =	swait.eq @!p0 [sflag:s5], $0x1  }
0xb2: {  	s4 =	sor.u32 @!p0 s4, s6;
	[sflag:s5] =	ssyncadd.s32 @!p0 $0xFFFFFFFF  }
0xb3: {  	s25 =	simm.s32 $0x1B8E;
	s24 =	sld [smem:$0x3FFE];
	[sflag:s4] =	ssyncadd.remote.s32 @!p0 $0x1  }
0xb4: {  	s26 =	simm.s32 $execute0_lowered;
	[smem:$0x3FD2] =	sst s25  }
0xb5: {  	s5 =	sshll.u32 s26, $0x1;
	_ =	strace $0x80000049;
	[dreg:$0x1] =	wrdreg $0xFFFFFFFF  }
0xb6: {  	s28 =	simm.s32 $_size_execute0_lowered;
	s3 =	sadd.s32 s3, s5;
	[dreg:$0x0] =	wrdreg $0x0  }
0xb7: {  	s5 =	sshll.u32 s28, $0x1;
	[dreg:$0x2] =	wrdreg s3  }
0xb8: {  	[dreg:$0x3] =	wrdreg s5  }
0xb9: {  	[dreg:$0x4] =	wrdreg $0xC0  }
0xba: {  	_ =	task [dreg:s22], $0x5FFFF  }
0xbb: {  	[dreg:$0x1] =	wrdreg $0xFFFFFFFF  }
0xbc: {  	[dreg:$0x0] =	wrdreg $0x60  }
0xbd: {  	[dreg:$0x2] =	wrdreg s24  }
0xbe: {  	[dreg:$0x3] =	wrdreg $0x54000  }
0xbf: {  	[dreg:$0x4] =	wrdreg $0xA  }
0xc0: {  	_ =	task.clear_ibuf [dreg:s22], $0x5FFFF;
	_ =	strace $0x90000049  }
0xc1: {  	s29 =	simm.s32 $0xA;
	_ =	strace $0x8000004B  }
0xc2: {  	_ =	swait.ge [sflag:s29], $0x1  }
0xc3: {  	[sflag:s29] =	ssyncadd.s32 $0xFFFFFFFF  }
0xc4: {  	_ =	strace $0x9000004B  }
0xc5: {  	_ =	sfence  }
0xc6: {  	s30 =	sld [smem:$0x0];
	_ =	sdelay $0x2  }
0xc7: {  	s31 =	sshll.u32 s1, $0xD;
	s1 =	sshrl.u32 s1, $0x2  }
0xc8: {  	s4 =	sand.u32 $0x4000, s31;
	s1 =	sadd.s32 s1, s30  }
0xc9: {  	s0 =	sor.u32 s4, s0;
	s1 =	sshll.u32 s1, $0x11  }
0xca: {  	s0 =	sor.u32 s1, s0  }
0xcb: {  	s0 =	sadd.s32 $0x8F2B, s0  }
0xcc: {  	[sflag:s0] =	ssyncadd.remote.s32 $0x1  }
0xcd: {  	_ =	sfence.sel $0xFFFF  }
0xce: {  	[dreg:$0x0] =	wrdreg $0xFFFFFFFF;
	(pc) =	sbr.abs _section_cstart, $3  }
0xcf: {  	[dreg:$0x1] =	wrdreg $0xFFFFFFFF  }
0xd0: {  	_ =	task.clear_ibuf [dreg:s22], $0x2FFFF;
	_ =	strace $0x9FFFFFFF  }
0xd1: {  	(tm) =	ssettm $0x7FFFFFFF  }
tec
execute0_lowered:
.L_overlay_start_1:
0x0: {  	(tag) =	ssettag $0x1  }
0x1: {  	s6 =	rddreg [dreg:$0x0]  }
0x2: {  	s0 =	srdreg.scid;
	s2 =	rddreg [dreg:$0x1]  }
0x3: {  	s1 =	stileid.u32;
	s3 =	simm.s32 $0x0;
	s21 =	simm.s32 $0x80  }
0x4: {  	s22 =	simm.s32 $0x0;
	s7 =	sand.u32 $0x1, s0;
	s0 =	rddreg [dreg:$0x2]  }
0x5: {  	[smem:$0x7FF] =	sst s3;
	s8 =	smul.u32 $0x50000, s1;
	s5 =	sadd.s32 $0x66800, s6  }
0x6: {  	s10 =	smul.u32 $0x14000, s1;
	s15 =	sadd.s32 $0x67000, s6;
	s4 =	sshll.u32 s7, $0x4  }
0x7: {  	_ =	strace $0x8000004A;
	s9 =	ssub.s32 $0x2, s7;
	s17 =	smul.u32 $0x140000, s7  }
0x8: {  	s4 =	sor.u32 s1, s4;
	s31 =	sshrl.u32 s9, $0x1;
	s8 =	sshrl.u32 s8, $0x2  }
0x9: {  	s11 =	sadd.s32 $0x4000, s10;
	s13 =	sadd.s32 $0x8000, s10;
	s14 =	sadd.s32 $0xC000, s10  }
0xa: {  	s19 =	sadd.s32 $0x10000, s10;
	s4 =	smul.u32 $0x500, s4;
	s16 =	ssub.s32 s9, s31  }
0xb: {  	s7 =	sadd.s32 s11, s2;
	s9 =	sadd.s32 s14, s2;
	s12 =	sadd.s32 s10, s17  }
0xc: {  	s11 =	sadd.s32 s17, s11;
	s10 =	sadd.s32 s19, s2;
	s14 =	sadd.s32 s17, s14  }
0xd: {  	s12 =	sshrl.u32 s12, $0x3;
	s20 =	sshrl.u32 s11, $0x3;
	s14 =	sshrl.u32 s14, $0x3  }
0xe: {  	s16 =	smax.u32 s16, $0x1;
	s18 =	sadd.s32 s4, s6;
	s4 =	sadd.s32 $0x16000, s6  }
0xf: {  	s6 =	sadd.s32 s8, s2;
	s8 =	sadd.s32 s13, s2;
	s11 =	sadd.s32 s15, s12  }
0x10: {  	s12 =	sadd.s32 s15, s20;
	s13 =	sadd.s32 s17, s13;
	s17 =	sadd.s32 s17, s19  }
0x11: {  	s14 =	sadd.s32 s15, s14;
	s19 =	simm.s32 $0x1400;
	s13 =	sshrl.u32 s13, $0x3  }
0x12: {  	s20 =	simm.s32 $0x1;
	s17 =	sshrl.u32 s17, $0x3;
	s13 =	sadd.s32 s15, s13  }
0x13: {  	s15 =	sadd.s32 s15, s17;
	s17 =	sadd.s32 $0x2000, s18;
	s18 =	sadd.s32 $0x2280, s18  }
.LBB2_1:
0x14: {  	[tilespmem:s19], [sflag:$0x1] =	stream.linear.gather [hbm4b:s4+s3], $0x4000, $0x38;
	[tilespmem:$0x19400] =	vst v63  }
0x15: {  	_ =	swait.ge [sflag:s20], $0x4000  }
0x16: {  	[sflag:s20] =	ssyncset.done $0x0  }
0x17: {  	[sflag:s20] =	ssyncadd.s32 $0xFFFFC000  }
0x18: {  	[spmem:s6] =	stream.linear.scatter [tilespmem:s19], [sflag:$0x1], $0x4000, $0x38;
	[tilespmem:$0x19400] =	vst v63  }
0x19: {  	_ =	swait.ge [sflag:s20], $0x4000  }
0x1a: {  	[sflag:s20] =	ssyncset.done $0x0  }
0x1b: {  	[sflag:s20] =	ssyncadd.s32 $0xFFFFC000  }
0x1c: {  	[spmem:s7] =	stream.linear.scatter [tilespmem:s19], [sflag:$0x1], $0x4000, $0x38;
	[tilespmem:$0x19400] =	vst v63  }
0x1d: {  	_ =	swait.ge [sflag:s20], $0x4000  }
0x1e: {  	[sflag:s20] =	ssyncset.done $0x0  }
0x1f: {  	[sflag:s20] =	ssyncadd.s32 $0xFFFFC000  }
0x20: {  	[spmem:s8] =	stream.linear.scatter [tilespmem:s19], [sflag:$0x1], $0x4000, $0x38;
	[tilespmem:$0x19400] =	vst v63  }
0x21: {  	_ =	swait.ge [sflag:s20], $0x4000  }
0x22: {  	[sflag:s20] =	ssyncset.done $0x0  }
0x23: {  	[sflag:s20] =	ssyncadd.s32 $0xFFFFC000  }
0x24: {  	[spmem:s9] =	stream.linear.scatter [tilespmem:s19], [sflag:$0x1], $0x4000, $0x38;
	[tilespmem:$0x19400] =	vst v63  }
0x25: {  	_ =	swait.ge [sflag:s20], $0x4000  }
0x26: {  	[sflag:s20] =	ssyncset.done $0x0  }
0x27: {  	[sflag:s20] =	ssyncadd.s32 $0xFFFFC000  }
0x28: {  	[spmem:s10] =	stream.linear.scatter [tilespmem:s19], [sflag:$0x1], $0x4000, $0x38;
	[tilespmem:$0x19400] =	vst v63  }
0x29: {  	_ =	swait.ge [sflag:s20], $0x4000  }
0x2a: {  	[sflag:s20] =	ssyncset.done $0x0  }
0x2b: {  	[sflag:s20] =	ssyncadd.s32 $0xFFFFC000  }
0x2c: {  	[tilespmem:s19], [sflag:$0x1] =	stream.linear.gather [hbm4b:s5+s3], $0x4000, $0x38;
	[tilespmem:$0x19400] =	vst v63  }
0x2d: {  	_ =	swait.ge [sflag:s20], $0x4000  }
0x2e: {  	[sflag:s20] =	ssyncset.done $0x0  }
0x2f: {  	[sflag:s20] =	ssyncadd.s32 $0xFFFFC000  }
0x30: {  	[bflag:$0x0] =	sbarrier.arrive $0xFFFF  }
0x31: {  	[tilespmem:s3], [sflag:$0x1] =	stream.linear.gather [hbm4b:s17+s3], $0x1400, $0x38;
	[tilespmem:$0x19400] =	vst v63  }
0x32: {  	_ =	swait.ge [sflag:s20], $0x1400  }
0x33: {  	[sflag:s20] =	ssyncset.done $0x0  }
0x34: {  	s23 =	simm.s32 $0x0;
	[sflag:s20] =	ssyncadd.s32 $0xFFFFEC00  }
0x35: {  	[spmem:s2] =	stream.indirect.scatter.add.f32 [tilespmem:s19], [sflag:$0x1], $0x80, s23, s21, $0xb8;
	[tilespmem:$0x19400] =	vst v63  }
0x36: {  	_ =	swait.ge [sflag:s20], $0x4000  }
0x37: {  	s23 =	simm.s32 $0x200;
	[sflag:s20] =	ssyncset.done $0x0  }
.LBB2_2:
0x38: {  	s24 =	sshra.s32 s23, $0x2;
	[sflag:s20] =	ssyncadd.s32 $0xFFFFC000;
	p0 =	sne.s32 s23, $0x4E00  }
0x39: {  	[spmem:s2] =	stream.indirect.scatter.add.f32 [tilespmem:s19], [sflag:$0x1], $0x80, s24, s21, $0xb8;
	[tilespmem:$0x19400] =	vst v63  }
.Ltmp0:
0x3a: {  	_ = 	snop;
	(pc) =	sbr.rel @p0 .LBB2_2-.Ltmp0, $4  }
0x3b: {  	_ = 	snop  }
0x3c: {  	s23 =	sadd.s32 $0x200, s23  }
0x3d: {  	_ =	swait.ge [sflag:s20], $0x4000  }
0x3e: {  	[sflag:s20] =	ssyncset.done $0x0  }
0x3f: {  	[sflag:s20] =	ssyncadd.s32 $0xFFFFC000;
	s23 =	simm.s32 $0x0  }
0x40: {  	[tilespmem:s23], [sflag:$0x1] =	stream.linear.gather [hbm4b:s18+s23], $0x1400, $0x38;
	[tilespmem:$0x19400] =	vst v63  }
0x41: {  	_ =	swait.ge [sflag:s20], $0x1400  }
0x42: {  	[sflag:s20] =	ssyncset.done $0x0  }
0x43: {  	s31 =	simm.s32 $0x0;
	[sflag:s20] =	ssyncadd.s32 $0xFFFFEC00  }
0x44: {  	[spmem:s2] =	stream.indirect.scatter.add.f32 [tilespmem:s19], [sflag:$0x1], $0x80, s31, s21, $0xb8;
	[tilespmem:$0x19400] =	vst v63  }
0x45: {  	_ =	swait.ge [sflag:s20], $0x4000  }
0x46: {  	s23 =	simm.s32 $0x200;
	[sflag:s20] =	ssyncset.done $0x0  }
.LBB2_4:
0x47: {  	s24 =	sshra.s32 s23, $0x2;
	[sflag:s20] =	ssyncadd.s32 $0xFFFFC000;
	p0 =	sne.s32 s23, $0x4E00  }
0x48: {  	[spmem:s2] =	stream.indirect.scatter.add.f32 [tilespmem:s19], [sflag:$0x1], $0x80, s24, s21, $0xb8;
	[tilespmem:$0x19400] =	vst v63  }
.Ltmp1:
0x49: {  	_ = 	snop;
	(pc) =	sbr.rel @p0 .LBB2_4-.Ltmp1, $4  }
0x4a: {  	_ = 	snop  }
0x4b: {  	s23 =	sadd.s32 $0x200, s23  }
0x4c: {  	_ =	swait.ge [sflag:s20], $0x4000  }
0x4d: {  	[sflag:s20] =	ssyncset.done $0x0  }
0x4e: {  	[sflag:s20] =	ssyncadd.s32 $0xFFFFC000  }
0x4f: {  	[bflag:$0x0] =	sbarrier.arrive $0xFFFF  }
0x50: {  	[tilespmem:s19], [sflag:$0x1] =	stream.linear.gather [spmem:s6], $0x4000, $0x38;
	[tilespmem:$0x19400] =	vst v63  }
0x51: {  	_ =	swait.ge [sflag:s20], $0x4000  }
0x52: {  	[sflag:s20] =	ssyncset.done $0x0  }
0x53: {  	[sflag:s20] =	ssyncadd.s32 $0xFFFFC000  }
0x54: {  	[hbm4b:s11+s3] =	stream.linear.scatter [tilespmem:s19], [sflag:$0x1], $0x4000, $0x38;
	[tilespmem:$0x19400] =	vst v63  }
0x55: {  	_ =	swait.ge [sflag:s20], $0x4000  }
0x56: {  	[sflag:s20] =	ssyncset.done $0x0  }
0x57: {  	[sflag:s20] =	ssyncadd.s32 $0xFFFFC000  }
0x58: {  	[tilespmem:s19], [sflag:$0x1] =	stream.linear.gather [spmem:s7], $0x4000, $0x38;
	[tilespmem:$0x19400] =	vst v63  }
0x59: {  	_ =	swait.ge [sflag:s20], $0x4000  }
0x5a: {  	[sflag:s20] =	ssyncset.done $0x0  }
0x5b: {  	[sflag:s20] =	ssyncadd.s32 $0xFFFFC000  }
0x5c: {  	[hbm4b:s12+s3] =	stream.linear.scatter [tilespmem:s19], [sflag:$0x1], $0x4000, $0x38;
	[tilespmem:$0x19400] =	vst v63  }
0x5d: {  	_ =	swait.ge [sflag:s20], $0x4000  }
0x5e: {  	[sflag:s20] =	ssyncset.done $0x0  }
0x5f: {  	[sflag:s20] =	ssyncadd.s32 $0xFFFFC000  }
0x60: {  	[tilespmem:s19], [sflag:$0x1] =	stream.linear.gather [spmem:s8], $0x4000, $0x38;
	[tilespmem:$0x19400] =	vst v63  }
0x61: {  	_ =	swait.ge [sflag:s20], $0x4000  }
0x62: {  	[sflag:s20] =	ssyncset.done $0x0  }
0x63: {  	[sflag:s20] =	ssyncadd.s32 $0xFFFFC000  }
0x64: {  	[hbm4b:s13+s3] =	stream.linear.scatter [tilespmem:s19], [sflag:$0x1], $0x4000, $0x38;
	[tilespmem:$0x19400] =	vst v63  }
0x65: {  	_ =	swait.ge [sflag:s20], $0x4000  }
0x66: {  	[sflag:s20] =	ssyncset.done $0x0  }
0x67: {  	[sflag:s20] =	ssyncadd.s32 $0xFFFFC000  }
0x68: {  	[tilespmem:s19], [sflag:$0x1] =	stream.linear.gather [spmem:s9], $0x4000, $0x38;
	[tilespmem:$0x19400] =	vst v63  }
0x69: {  	_ =	swait.ge [sflag:s20], $0x4000  }
0x6a: {  	[sflag:s20] =	ssyncset.done $0x0  }
0x6b: {  	[sflag:s20] =	ssyncadd.s32 $0xFFFFC000  }
0x6c: {  	[hbm4b:s14+s3] =	stream.linear.scatter [tilespmem:s19], [sflag:$0x1], $0x4000, $0x38;
	[tilespmem:$0x19400] =	vst v63  }
0x6d: {  	_ =	swait.ge [sflag:s20], $0x4000  }
0x6e: {  	[sflag:s20] =	ssyncset.done $0x0  }
0x6f: {  	[sflag:s20] =	ssyncadd.s32 $0xFFFFC000  }
0x70: {  	[tilespmem:s19], [sflag:$0x1] =	stream.linear.gather [spmem:s10], $0x4000, $0x38;
	[tilespmem:$0x19400] =	vst v63  }
0x71: {  	s22 =	sadd.s32 $0x1, s22;
	_ =	swait.ge [sflag:s20], $0x4000  }
0x72: {  	p0 =	sne.s32 s22, s16;
	[sflag:s20] =	ssyncset.done $0x0  }
.Ltmp2:
0x73: {  	[sflag:s20] =	ssyncadd.s32 $0xFFFFC000;
	(pc) =	sbr.rel @p0 .LBB2_1-.Ltmp2, $4  }
0x74: {  	[hbm4b:s15+s3] =	stream.linear.scatter [tilespmem:s19], [sflag:$0x1], $0x4000, $0x38;
	[tilespmem:$0x19400] =	vst v63  }
0x75: {  	_ =	swait.ge [sflag:s20], $0x4000  }
0x76: {  	[sflag:s20] =	ssyncset.done $0x0  }
0x77: {  	[sflag:s20] =	ssyncadd.s32 $0xFFFFC000  }
0x78: {  	_ =	sfence.sel $0x180000  }
0x79: {  	[bflag:$0x0] =	sbarrier.arrive $0xFFFF  }
0x7a: {  	p0 =	sne.s32 s1, $0x0;
	_ =	strace $0x9000004A  }
0x7b: {  	s0 =	sadd.s32 @!p0 $0x100000, s0;
	[bflag:$0x2] =	sbarrier.arrive $0xFFFF  }
0x7c: {  	[sflag:s0] =	ssyncadd.tile.s32 @!p0 $0x1;
	_ =	shalt  }
.Lfunc_end2:
_tile_overlayer_lowered:
.L_overlay_start_2:
0x7d: {  	(tag) =	ssettag $0x2  }
0x7e: {  	s0 =	rddreg [dreg:$0x0];
	s2 =	stileid.u32  }
0x7f: {  	s1 =	rddreg [dreg:$0x1];
	p0 =	sne.s32 s2, $0x0  }
0x80: {  	s3 =	rddreg [dreg:$0x2];
	[bflag:$0x3] =	sbarrier.arrive $0xFFFF;
	s2 =	simm.s32 @!p0 $0x1C01  }
0x81: {  	[timem:s3], [sflag:s2] =	dma.local @!p0 [hbm:s0], s1  }
0x82: {  	s0 =	simm.s32 @!p0 $0x1  }
0x83: {  	_ =	swait.ge @!p0 [sflag:s0], s1  }
0x84: {  	s1 =	ssub.s32 @!p0 $0x0, s1;
	[sflag:s0] =	ssyncset.done @!p0 $0x0  }
0x85: {  	[sflag:s0] =	ssyncadd.s32 @!p0 s1  }
0x86: {  	[bflag:$0x3] =	sbarrier.arrive $0xFFFF  }
0x87: {  	_ =	shalt  }

// kernel: kernel.14.cloned.1.call-start
scs
__scs_entry_jumppad:
0x0: {  	(pc) =	sbr.rel $0x88, $3  }
0x1: {  	(tag) =	ssettag $0x0;
	lr =	simm.s32 $0x1  }
0x2: {  	[smem:$0x3F99] =	sst lr;
	_ =	strace $0xD0000000  }
0x3: {  	_ = 	snop  }
0x4: {  	_ = 	snop  }
0x5: {  	_ = 	snop  }
0x6: {  	_ = 	snop  }
0x7: {  	_ = 	snop  }
__scs_overlays_trampoline_lowered:
0x8: {  	[smem:$0x3FA8] =	sst s0  }
0x9: {  	[smem:$0x3FA9] =	sst s1  }
0xa: {  	[smem:$0x3FAA] =	sst s2  }
0xb: {  	[smem:$0x3FAB] =	sst s3  }
0xc: {  	[smem:$0x3FAC] =	sst s4  }
0xd: {  	[smem:$0x3FAD] =	sst s5  }
0xe: {  	[smem:$0x3FAE] =	sst s6  }
0xf: {  	[smem:$0x3FAF] =	sst s7  }
0x10: {  	[smem:$0x3FB0] =	sst s8  }
0x11: {  	[smem:$0x3FB1] =	sst s9;
	s0 =	simm.s32 @!p0 $0x0  }
0x12: {  	s1 =	sld [smem:$0x3F97];
	s0 =	simm.s32 @p0 $0x1  }
0x13: {  	[smem:$0x3FB2] =	sst s0;
	s0 =	simm.s32 @!p1 $0x0  }
0x14: {  	s2 =	sld [smem:$0x3F96];
	s0 =	simm.s32 @p1 $0x1  }
0x15: {  	[smem:$0x3FB3] =	sst s0;
	s0 =	simm.s32 @!p2 $0x0  }
0x16: {  	s3 =	sld [smem:$0x3FDB];
	s0 =	simm.s32 @p2 $0x1  }
0x17: {  	s4 =	simm.s32 $0x1BF5;
	[smem:$0x3FB5] =	sst s0  }
0x18: {  	s0 =	sld [smem:$0x3F98];
	_ =	swait.ge [sflag:s4], $0x0  }
0x19: {  	s7 =	sld [smem:$0x3F99]  }
0x1a: {  	s8 =	sadd.s32 $0xFFFFE003, lr  }
0x1b: {  	s9 =	sadd.s32 $0xFFFFFEF7, lr;
	s5 =	simm.s32 $0xFFFFFFFF;
	p2 =	slt.u32 s8, $0xFFFFF086  }
0x1c: {  	p1 =	slt.u32 s9, $0xF7A;
	s5 =	simm.s32 @!p2 $0x0  }
0x1d: {  	s5 =	simm.s32 @p1 $0x1;
	p0 =	seq.s32 s7, s2  }
0x1e: {  	s7 =	smul.u32 @!p0 $0xF7A, s2;
	p2 =	seq.s32 @!p0 s5, $0x0  }
0x1f: {  	s9 =	smul.u32 $0xF7A, s1;
	s8 =	simm.s32 @!p0 $0x1BF5;
	p2 =	por !p2, p0  }
0x20: {  	[sflag:s8] =	ssyncset.s32 @!p0 $0xFFFFF086;
	s6 =	sadd.s32 @!p0 s3, s7;
	s7 =	simm.s32 @!p0 $0x108  }
0x21: {  	s3 =	sadd.s32 s3, s9;
	s6 =	sadd.s32 @!p0 $0x88, s6;
	s7 =	simm.s32 @p2 $0x1082  }
0x22: {  	[simem:s7], [sflag:s8] =	dma.local @!p0 [hbm:s6], $0xF7A  }
0x23: {  	s9 =	sor.u32 $0xD0000000, s2;
	s6 =	simm.s32 $0x108;
	_ =	swait.ge @!p0 [sflag:s8], $0x0  }
0x24: {  	s3 =	sadd.s32 $0x88, s3;
	s6 =	simm.s32 @!p1 $0x1082;
	[sflag:s4] =	ssyncset.s32 $0xFFFFF086  }
0x25: {  	[simem:s6], [sflag:s4] =	dma.local [hbm:s3], $0xF7A  }
0x26: {  	[smem:$0x3F99] =	sst s1;
	(tag) =	ssettag s2;
	_ =	strace s9  }
0x27: {  	s1 =	sld [smem:$0x3FA9]  }
0x28: {  	s2 =	sld [smem:$0x3FAA]  }
0x29: {  	s4 =	sld [smem:$0x3FAC]  }
0x2a: {  	p0 =	seq.s32 s5, $0x0;
	s5 =	sld [smem:$0x3FAD]  }
0x2b: {  	s6 =	sld [smem:$0x3FAE]  }
0x2c: {  	s7 =	sld [smem:$0x3FAF]  }
0x2d: {  	s3 =	simm.s32 $0x108;
	s8 =	sld [smem:$0x3FB0]  }
0x2e: {  	s3 =	simm.s32 @!p0 $0x1082;
	s9 =	sld [smem:$0x3FB1]  }
0x2f: {  	lr =	sadd.s32 s0, s3;
	s0 =	sld [smem:$0x3FA8]  }
0x30: {  	s3 =	sld [smem:$0x3FAB]  }
0x31: {  	[smem:$0x3FB4] =	sst s10  }
0x32: {  	s10 =	sld [smem:$0x3FB2];
	_ =	sdelay $0x3  }
0x33: {  	p0 =	seq.s32 s10, $0x1;
	s10 =	sld [smem:$0x3FB4];
	_ =	sdelay $0x3  }
0x34: {  	[smem:$0x3FB4] =	sst s10  }
0x35: {  	s10 =	sld [smem:$0x3FB3];
	_ =	sdelay $0x3  }
0x36: {  	p1 =	seq.s32 s10, $0x1;
	s10 =	sld [smem:$0x3FB4];
	_ =	sdelay $0x3  }
0x37: {  	[smem:$0x3FB4] =	sst s10  }
0x38: {  	s10 =	sld [smem:$0x3FB5]  }
0x39: {  	_ = 	snop;
	(pc) =	sbr.ind lr, $3  }
0x3a: {  	_ = 	snop  }
0x3b: {  	_ = 	snop  }
0x3c: {  	p2 =	seq.s32 s10, $0x1;
	s10 =	sld [smem:$0x3FB4]  }
0x3d: {  	_ =	shalt  }
0x3e: {  	_ =	shalt  }
0x3f: {  	_ =	shalt  }
0x40: {  	_ =	shalt  }
0x41: {  	_ =	shalt  }
0x42: {  	_ =	shalt  }
0x43: {  	_ =	shalt  }
0x44: {  	_ =	shalt  }
0x45: {  	_ =	shalt  }
0x46: {  	_ =	shalt  }
0x47: {  	_ =	shalt  }
0x48: {  	_ =	shalt  }
0x49: {  	_ =	shalt  }
0x4a: {  	_ =	shalt  }
0x4b: {  	_ =	shalt  }
0x4c: {  	_ =	shalt  }
0x4d: {  	_ =	shalt  }
0x4e: {  	_ =	shalt  }
0x4f: {  	_ =	shalt  }
0x50: {  	_ =	shalt  }
0x51: {  	_ =	shalt  }
0x52: {  	_ =	shalt  }
0x53: {  	_ =	shalt  }
0x54: {  	_ =	shalt  }
0x55: {  	_ =	shalt  }
0x56: {  	_ =	shalt  }
0x57: {  	_ =	shalt  }
0x58: {  	_ =	shalt  }
0x59: {  	_ =	shalt  }
0x5a: {  	_ =	shalt  }
0x5b: {  	_ =	shalt  }
0x5c: {  	_ =	shalt  }
0x5d: {  	_ =	shalt  }
0x5e: {  	_ =	shalt  }
0x5f: {  	_ =	shalt  }
0x60: {  	_ =	shalt  }
0x61: {  	_ =	shalt  }
0x62: {  	_ =	shalt  }
0x63: {  	_ =	shalt  }
0x64: {  	_ =	shalt  }
0x65: {  	_ =	shalt  }
0x66: {  	_ =	shalt  }
0x67: {  	_ =	shalt  }
0x68: {  	_ =	shalt  }
0x69: {  	_ =	shalt  }
0x6a: {  	_ =	shalt  }
0x6b: {  	_ =	shalt  }
0x6c: {  	_ =	shalt  }
0x6d: {  	_ =	shalt  }
0x6e: {  	_ =	shalt  }
0x6f: {  	_ =	shalt  }
0x70: {  	_ =	shalt  }
0x71: {  	_ =	shalt  }
0x72: {  	_ =	shalt  }
0x73: {  	_ =	shalt  }
0x74: {  	_ =	shalt  }
0x75: {  	_ =	shalt  }
0x76: {  	_ =	shalt  }
0x77: {  	_ =	shalt  }
0x78: {  	_ =	shalt  }
0x79: {  	_ =	shalt  }
0x7a: {  	_ =	shalt  }
0x7b: {  	_ =	shalt  }
0x7c: {  	_ =	shalt  }
0x7d: {  	_ =	shalt  }
0x7e: {  	_ =	shalt  }
0x7f: {  	_ =	shalt  }
0x80: {  	_ =	shalt  }
0x81: {  	_ =	shalt  }
0x82: {  	_ =	shalt  }
0x83: {  	_ =	shalt  }
0x84: {  	_ =	shalt  }
0x85: {  	_ =	shalt  }
0x86: {  	_ =	shalt  }
0x87: {  	_ =	shalt  }
.Lfunc_end0:
.L_simem_size_0:
called_computation.2_lowered:
.L_overlay_start_0:
0x88: {  	s2 =	sld [smem:$0x3FD9]  }
0x89: {  	s3 =	sld [smem:$0x3FFE];
	_ =	sdelay $0x1  }
0x8a: {  	s1 =	srdreg.scid  }
0x8b: {  	s0 =	sand.u32 $0x1, s1  }
0x8c: {  	s17 =	sshll.u32 s0, $0xA;
	s2 =	sadd.s32 s3, s2  }
0x8d: {  	s2 =	sadd.s32 s2, s17  }
0x8e: {  	[smem:$0x3FC0] =	sst s2  }
0x8f: {  	_ = 	snop  }
0x90: {  	s2 =	sld [smem:$0x3FD0];
	(tm) =	ssettm $0x1  }
0x91: {  	s18 =	sld [smem:$0x3FFB];
	_ =	sdelay $0x3  }
0x92: {  	_ =	strace s18  }
0x93: {  	s3 =	sld [smem:$0x3FFC];
	_ =	sdelay $0x3  }
0x94: {  	_ =	strace s3  }
0x95: {  	s3 =	sld [smem:$0x3FFD];
	_ =	sdelay $0x3  }
0x96: {  	_ =	strace s3  }
0x97: {  	_ =	strace $0x8FFFFFFF  }
0x98: {  	s19 =	sld [smem:$0x3FDB];
	_ =	sdelay $0x1  }
0x99: {  	s4 =	simm.s32 $_scs_section_size  }
0x9a: {  	s5 =	simm.s32 $_size__tile_overlayer_lowered;
	s6 =	simm.s32 $_tile_overlayer_lowered  }
0x9b: {  	s22 =	simm.s32 $0x1BFF;
	s21 =	sshll.u32 s6, $0x1;
	s3 =	sadd.s32 s4, s19  }
0x9c: {  	s7 =	simm.s32 $0x0;
	s20 =	sshll.u32 s5, $0x1;
	s5 =	sadd.s32 s21, s3  }
0x9d: {  	[timem:s7], [sflag:s22] =	dma.local [hbm:s5], s20  }
0x9e: {  	_ =	swait.ge [sflag:s22], s20  }
0x9f: {  	s4 =	ssub.s32 $0x0, s20;
	[sflag:s22] =	ssyncset.done $0x0  }
0xa0: {  	[sflag:s22] =	ssyncadd.s32 s4;
	_ =	sdelay $0x1  }
0xa1: {  	s23 =	simm.s32 $0x1B8B  }
0xa2: {  	_ =	swait.ge [sflag:s23], $0x1  }
0xa3: {  	[sflag:s23] =	ssyncset.done $0x0  }
0xa4: {  	s25 =	simm.s32 $0x1B8E;
	s24 =	sld [smem:$0x3FFE];
	[sflag:s23] =	ssyncadd.s32 $0xFFFFFFFF  }
0xa5: {  	s26 =	simm.s32 $execute0_lowered;
	[smem:$0x3FD2] =	sst s25  }
0xa6: {  	s5 =	sshll.u32 s26, $0x1;
	_ =	strace $0x8000004C;
	[dreg:$0x1] =	wrdreg $0xFFFFFFFF  }
0xa7: {  	s28 =	simm.s32 $_size_execute0_lowered;
	s3 =	sadd.s32 s3, s5;
	[dreg:$0x0] =	wrdreg $0x0  }
0xa8: {  	s5 =	sshll.u32 s28, $0x1;
	[dreg:$0x2] =	wrdreg s3  }
0xa9: {  	[dreg:$0x3] =	wrdreg s5  }
0xaa: {  	[dreg:$0x4] =	wrdreg $0xC0  }
0xab: {  	_ =	task [dreg:s7], $0x5FFFF  }
0xac: {  	[dreg:$0x1] =	wrdreg $0xFFFFFFFF  }
0xad: {  	[dreg:$0x0] =	wrdreg $0x60  }
0xae: {  	[dreg:$0x2] =	wrdreg s2  }
0xaf: {  	[dreg:$0x3] =	wrdreg s24  }
0xb0: {  	[dreg:$0x4] =	wrdreg $0xA8000  }
0xb1: {  	[dreg:$0x5] =	wrdreg $0x9  }
0xb2: {  	_ =	task.clear_ibuf [dreg:s7], $0x6FFFF;
	_ =	strace $0x9000004C  }
0xb3: {  	s29 =	simm.s32 $0x9;
	_ =	strace $0x8000004E  }
0xb4: {  	_ =	swait.ge [sflag:s29], $0x1  }
0xb5: {  	[sflag:s29] =	ssyncadd.s32 $0xFFFFFFFF  }
0xb6: {  	_ =	strace $0x9000004E  }
0xb7: {  	_ =	sfence  }
0xb8: {  	s30 =	sld [smem:$0x0];
	_ =	sdelay $0x2  }
0xb9: {  	s31 =	sshll.u32 s1, $0xD;
	s1 =	sshrl.u32 s1, $0x2  }
0xba: {  	s3 =	sand.u32 $0x4000, s31;
	s1 =	sadd.s32 s1, s30  }
0xbb: {  	s0 =	sor.u32 s3, s0;
	s1 =	sshll.u32 s1, $0x11  }
0xbc: {  	s0 =	sor.u32 s1, s0  }
0xbd: {  	s0 =	sadd.s32 $0x8F2B, s0  }
0xbe: {  	[sflag:s0] =	ssyncadd.remote.s32 $0x1  }
0xbf: {  	_ =	sfence.sel $0xFFFF  }
0xc0: {  	[dreg:$0x0] =	wrdreg $0xFFFFFFFF;
	(pc) =	sbr.abs _section_cstart, $3  }
0xc1: {  	[dreg:$0x1] =	wrdreg $0xFFFFFFFF  }
0xc2: {  	_ =	task.clear_ibuf [dreg:s7], $0x2FFFF;
	_ =	strace $0x9FFFFFFF  }
0xc3: {  	(tm) =	ssettm $0x7FFFFFFF  }
tec
execute0_lowered:
.L_overlay_start_1:
0x0: {  	(tag) =	ssettag $0x1  }
0x1: {  	s1 =	rddreg [dreg:$0x0]  }
0x2: {  	s0 =	rddreg [dreg:$0x1]  }
0x3: {  	s2 =	rddreg [dreg:$0x2];
	s4 =	simm.s32 $0x0  }
0x4: {  	s3 =	srdreg.scid;
	s7 =	stileid.u32;
	s22 =	simm.s32 $0x1400  }
0x5: {  	s23 =	simm.s32 $0x80;
	s28 =	simm.s32 $0x1380;
	s29 =	simm.s32 $0x2700  }
0x6: {  	s30 =	simm.s32 $0x2780;
	s31 =	simm.s32 $0x0;
	s9 =	smul.u32 $0x78, s7  }
0x7: {  	[smem:$0x7FF] =	sst s4;
	s5 =	sadd.s32 $0xC000, s0;
	s10 =	smul.u32 $0x28, s7  }
0x8: {  	s3 =	sand.u32 $0x1, s3;
	s6 =	sadd.s32 $0x2000, s0;
	s12 =	smul.u32 $0x50000, s7  }
0x9: {  	s11 =	sadd.s32 $0x16000, s0;
	s0 =	sadd.s32 $0x16800, s0;
	s13 =	smul.u32 $0x14000, s7  }
0xa: {  	_ =	strace $0x8000004D;
	s8 =	ssub.s32 $0x2, s3;
	[dreg:$0x4] =	wrdreg s11  }
0xb: {  	p0 =	seq.s32 s3, $0x0;
	s18 =	smul.u32 $0x140000, s3;
	s24 =	sshrl.u32 s8, $0x1  }
0xc: {  	s25 =	sshrl.u32 s12, $0x2;
	s14 =	sadd.s32 $0x4000, s13;
	s16 =	sadd.s32 $0x8000, s13  }
0xd: {  	s17 =	sadd.s32 $0xC000, s13;
	s20 =	sadd.s32 $0x10000, s13;
	s19 =	ssub.s32 s8, s24  }
0xe: {  	s8 =	sadd.s32 $0x780, s10;
	s10 =	sadd.s32 s14, s2;
	s11 =	sadd.s32 s16, s2  }
0xf: {  	s12 =	sadd.s32 s17, s2;
	s15 =	sadd.s32 s13, s18;
	s14 =	sadd.s32 s18, s14  }
0x10: {  	s13 =	sadd.s32 s20, s2;
	s16 =	sadd.s32 s18, s16;
	s17 =	sadd.s32 s18, s17  }
0x11: {  	s18 =	sadd.s32 s18, s20;
	s20 =	simm.s32 $0x2800;
	s24 =	simm.s32 $0x1  }
0x12: {  	s8 =	smov.u32 @p0 s9;
	s9 =	sadd.s32 s25, s2;
	s15 =	sshrl.u32 s15, $0x3  }
0x13: {  	s21 =	sshrl.u32 s14, $0x3;
	s16 =	sshrl.u32 s16, $0x3;
	s17 =	sshrl.u32 s17, $0x3  }
0x14: {  	s18 =	sshrl.u32 s18, $0x3;
	s19 =	smax.u32 s19, $0x1;
	p0 =	sne.s32 s3, $0x0  }
0x15: {  	s25 =	simm.s32 $0x6800;
	s26 =	sadd.s32 s0, s15;
	s15 =	sadd.s32 s0, s21  }
0x16: {  	s16 =	sadd.s32 s0, s16;
	s17 =	sadd.s32 s0, s17;
	s18 =	sadd.s32 s0, s18  }
0x17: {  	s21 =	simm.s32 $0x3;
	[dreg:$0x5] =	wrdreg s26;
	s26 =	simm.s32 $0x2  }
.LBB2_1:
0x18: {  	s0 =	rddreg [dreg:$0x4]  }
0x19: {  	[tilespmem:s20], [sflag:$0x3] =	stream.linear.gather [hbm4b:s0+s4], $0x4000, $0x38;
	[tilespmem:$0x1E800] =	vst v63  }
0x1a: {  	_ =	swait.ge [sflag:s21], $0x4000  }
0x1b: {  	[sflag:s21] =	ssyncset.done $0x0  }
0x1c: {  	[sflag:s21] =	ssyncadd.s32 $0xFFFFC000  }
0x1d: {  	[spmem:s9] =	stream.linear.scatter [tilespmem:s20], [sflag:$0x3], $0x4000, $0x38;
	[tilespmem:$0x1E800] =	vst v63  }
0x1e: {  	_ =	swait.ge [sflag:s21], $0x4000  }
0x1f: {  	[sflag:s21] =	ssyncset.done $0x0  }
0x20: {  	[sflag:s21] =	ssyncadd.s32 $0xFFFFC000  }
0x21: {  	[spmem:s10] =	stream.linear.scatter [tilespmem:s20], [sflag:$0x3], $0x4000, $0x38;
	[tilespmem:$0x1E800] =	vst v63  }
0x22: {  	_ =	swait.ge [sflag:s21], $0x4000  }
0x23: {  	[sflag:s21] =	ssyncset.done $0x0  }
0x24: {  	[sflag:s21] =	ssyncadd.s32 $0xFFFFC000  }
0x25: {  	[spmem:s11] =	stream.linear.scatter [tilespmem:s20], [sflag:$0x3], $0x4000, $0x38;
	[tilespmem:$0x1E800] =	vst v63  }
0x26: {  	_ =	swait.ge [sflag:s21], $0x4000  }
0x27: {  	[sflag:s21] =	ssyncset.done $0x0  }
0x28: {  	[sflag:s21] =	ssyncadd.s32 $0xFFFFC000  }
0x29: {  	[spmem:s12] =	stream.linear.scatter [tilespmem:s20], [sflag:$0x3], $0x4000, $0x38;
	[tilespmem:$0x1E800] =	vst v63  }
0x2a: {  	_ =	swait.ge [sflag:s21], $0x4000  }
0x2b: {  	[sflag:s21] =	ssyncset.done $0x0  }
0x2c: {  	[sflag:s21] =	ssyncadd.s32 $0xFFFFC000  }
0x2d: {  	[spmem:s13] =	stream.linear.scatter [tilespmem:s20], [sflag:$0x3], $0x4000, $0x38;
	[tilespmem:$0x1E800] =	vst v63  }
0x2e: {  	_ =	swait.ge [sflag:s21], $0x4000  }
0x2f: {  	[sflag:s21] =	ssyncset.done $0x0  }
0x30: {  	[sflag:s21] =	ssyncadd.s32 $0xFFFFC000  }
0x31: {  	s0 =	simm.s32 $0x0;
	[bflag:$0x0] =	sbarrier.arrive $0xFFFF  }
.LBB2_2:
0x32: {  	s3 =	smul.u32 $0x28, s0;
	_ =	sdelay $0x1  }
0x33: {  	s3 =	sadd.s32 s8, s3  }
0x34: {  	s3 =	sshll.u32 s3, $0x4  }
0x35: {  	s14 =	simm.s32 $0x0;
	s7 =	sadd.s32 s5, s3  }
0x36: {  	[tilespmem:s14], [sflag:$0x3] =	stream.linear.gather [hbm4b:s7+s14], $0x1400, $0x38;
	[tilespmem:$0x1E800] =	vst v63  }
0x37: {  	_ =	swait.ge [sflag:s21], $0x1400  }
0x38: {  	[sflag:s21] =	ssyncset.done $0x0  }
0x39: {  	s3 =	sadd.s32 s6, s3;
	[sflag:s21] =	ssyncadd.s32 $0xFFFFEC00  }
0x3a: {  	[tilespmem:s22], [sflag:$0x3] =	stream.linear.gather [hbm4b:s3+s14], $0x1400, $0x38;
	[tilespmem:$0x1E800] =	vst v63  }
0x3b: {  	_ =	swait.ge [sflag:s21], $0x1400  }
0x3c: {  	[sflag:s21] =	ssyncset.done $0x0  }
0x3d: {  	[sflag:s21] =	ssyncadd.s32 $0xFFFFEC00  }
0x3e: {  	[tilespmem:s20], [sflag:$0x1] =	stream.indirect.gather [hbm4b:s1+s23], $0x80, s14, s23, $0xb8;
	[tilespmem:$0x1E800] =	vst v63  }
0x3f: {  	_ =	swait.ge [sflag:s24], $0x4000  }
0x40: {  	[sflag:s24] =	ssyncset.done $0x0  }
0x41: {  	s7 =	simm.s32 $0x80;
	[sflag:s24] =	ssyncadd.s32 $0xFFFFC000  }
0x42: {  	[tilespmem:s25], [sflag:$0x2] =	stream.indirect.gather [hbm4b:s1+s23], $0x80, s7, s23, $0xb8;
	[tilespmem:$0x1E800] =	vst v63  }
0x43: {  	s14 =	simm.s32 $0x1400  }
0x44: {  	[spmem:s2] =	stream.indirect.scatter.add.f32 [tilespmem:s20], [sflag:$0x3], $0x80, s14, s23, $0xb8;
	[tilespmem:$0x1E800] =	vst v63  }
0x45: {  	_ =	swait.ge [sflag:s21], $0x4000  }
0x46: {  	[sflag:s21] =	ssyncset.done $0x0  }
0x47: {  	[sflag:s21] =	ssyncadd.s32 $0xFFFFC000  }
0x48: {  	_ =	swait.ge [sflag:s26], $0x4000  }
0x49: {  	[sflag:s26] =	ssyncset.done $0x0  }
0x4a: {  	s7 =	simm.s32 $0x100;
	[sflag:s26] =	ssyncadd.s32 $0xFFFFC000  }
0x4b: {  	[tilespmem:s20], [sflag:$0x1] =	stream.indirect.gather [hbm4b:s1+s23], $0x80, s7, s23, $0xb8;
	[tilespmem:$0x1E800] =	vst v63  }
0x4c: {  	s14 =	simm.s32 $0x1480  }
0x4d: {  	[spmem:s2] =	stream.indirect.scatter.add.f32 [tilespmem:s25], [sflag:$0x3], $0x80, s14, s23, $0xb8;
	[tilespmem:$0x1E800] =	vst v63  }
0x4e: {  	_ =	swait.ge [sflag:s21], $0x4000  }
0x4f: {  	s3 =	simm.s32 $0x400;
	[sflag:s21] =	ssyncset.done $0x0  }
.LBB2_3:
0x50: {  	p1 =	sne.s32 s3, $0x4800  }
0x51: {  	[sflag:s21] =	ssyncadd.s32 $0xFFFFC000;
	s7 =	smov.u32 s3;
	s3 =	sadd.s32 $0x400, s3  }
0x52: {  	_ = 	snop  }
0x53: {  	_ =	swait.ge [sflag:s24], $0x4000  }
0x54: {  	s7 =	sshra.s32 s7, $0x2;
	[sflag:s24] =	ssyncset.done $0x0  }
0x55: {  	s14 =	sadd.s32 $0x80, s7;
	[sflag:s24] =	ssyncadd.s32 $0xFFFFC000  }
0x56: {  	[tilespmem:s25], [sflag:$0x2] =	stream.indirect.gather [hbm4b:s1+s23], $0x80, s14, s23, $0xb8;
	[tilespmem:$0x1E800] =	vst v63  }
0x57: {  	s14 =	sadd.s32 $0x1400, s7  }
0x58: {  	[spmem:s2] =	stream.indirect.scatter.add.f32 [tilespmem:s20], [sflag:$0x3], $0x80, s14, s23, $0xb8;
	[tilespmem:$0x1E800] =	vst v63  }
0x59: {  	_ =	swait.ge [sflag:s21], $0x4000  }
0x5a: {  	[sflag:s21] =	ssyncset.done $0x0  }
0x5b: {  	[sflag:s21] =	ssyncadd.s32 $0xFFFFC000  }
0x5c: {  	_ =	swait.ge [sflag:s26], $0x4000  }
0x5d: {  	[sflag:s26] =	ssyncset.done $0x0  }
0x5e: {  	s14 =	sadd.s32 $0x100, s7;
	[sflag:s26] =	ssyncadd.s32 $0xFFFFC000  }
0x5f: {  	[tilespmem:s20], [sflag:$0x1] =	stream.indirect.gather [hbm4b:s1+s23], $0x80, s14, s23, $0xb8;
	[tilespmem:$0x1E800] =	vst v63  }
.Ltmp0:
0x60: {  	_ = 	snop;
	(pc) =	sbr.rel @p1 .LBB2_3-.Ltmp0, $4  }
0x61: {  	s7 =	sadd.s32 $0x1480, s7  }
0x62: {  	[spmem:s2] =	stream.indirect.scatter.add.f32 [tilespmem:s25], [sflag:$0x3], $0x80, s7, s23, $0xb8;
	[tilespmem:$0x1E800] =	vst v63  }
0x63: {  	_ =	swait.ge [sflag:s21], $0x4000  }
0x64: {  	[sflag:s21] =	ssyncset.done $0x0  }
0x65: {  	[sflag:s21] =	ssyncadd.s32 $0xFFFFC000  }
0x66: {  	_ =	swait.ge [sflag:s24], $0x4000  }
0x67: {  	[sflag:s24] =	ssyncset.done $0x0  }
0x68: {  	[sflag:s24] =	ssyncadd.s32 $0xFFFFC000  }
0x69: {  	[tilespmem:s25], [sflag:$0x2] =	stream.indirect.gather [hbm4b:s1+s23], $0x80, s28, s23, $0xb8;
	[tilespmem:$0x1E800] =	vst v63  }
0x6a: {  	_ = 	snop  }
0x6b: {  	[spmem:s2] =	stream.indirect.scatter.add.f32 [tilespmem:s20], [sflag:$0x3], $0x80, s29, s23, $0xb8;
	[tilespmem:$0x1E800] =	vst v63  }
0x6c: {  	_ =	swait.ge [sflag:s21], $0x4000  }
0x6d: {  	[sflag:s21] =	ssyncset.done $0x0  }
0x6e: {  	[sflag:s21] =	ssyncadd.s32 $0xFFFFC000  }
0x6f: {  	p1 =	slt.u32 @!p0 s0, $0x2;
	_ =	swait.ge [sflag:s26], $0x4000  }
0x70: {  	p1 =	por p0, !p1;
	[sflag:s26] =	ssyncset.done $0x0  }
.Ltmp1:
0x71: {  	[sflag:s26] =	ssyncadd.s32 $0xFFFFC000;
	(pc) =	sbr.rel @!p1 .LBB2_2-.Ltmp1, $4  }
0x72: {  	[spmem:s2] =	stream.indirect.scatter.add.f32 [tilespmem:s25], [sflag:$0x3], $0x80, s30, s23, $0xb8;
	[tilespmem:$0x1E800] =	vst v63  }
0x73: {  	_ =	swait.ge [sflag:s21], $0x4000  }
0x74: {  	[sflag:s21] =	ssyncset.done $0x0  }
0x75: {  	s0 =	sadd.s32 $0x1, s0;
	[sflag:s21] =	ssyncadd.s32 $0xFFFFC000  }
0x76: {  	[bflag:$0x0] =	sbarrier.arrive $0xFFFF  }
0x77: {  	[tilespmem:s20], [sflag:$0x3] =	stream.linear.gather [spmem:s9], $0x4000, $0x38;
	[tilespmem:$0x1E800] =	vst v63  }
0x78: {  	_ =	swait.ge [sflag:s21], $0x4000  }
0x79: {  	[sflag:s21] =	ssyncset.done $0x0  }
0x7a: {  	s0 =	rddreg [dreg:$0x5];
	[sflag:s21] =	ssyncadd.s32 $0xFFFFC000  }
0x7b: {  	[hbm4b:s0+s4] =	stream.linear.scatter [tilespmem:s20], [sflag:$0x3], $0x4000, $0x38;
	[tilespmem:$0x1E800] =	vst v63  }
0x7c: {  	_ =	swait.ge [sflag:s21], $0x4000  }
0x7d: {  	[sflag:s21] =	ssyncset.done $0x0  }
0x7e: {  	[sflag:s21] =	ssyncadd.s32 $0xFFFFC000  }
0x7f: {  	[tilespmem:s20], [sflag:$0x3] =	stream.linear.gather [spmem:s10], $0x4000, $0x38;
	[tilespmem:$0x1E800] =	vst v63  }
0x80: {  	_ =	swait.ge [sflag:s21], $0x4000  }
0x81: {  	[sflag:s21] =	ssyncset.done $0x0  }
0x82: {  	[sflag:s21] =	ssyncadd.s32 $0xFFFFC000  }
0x83: {  	[hbm4b:s15+s4] =	stream.linear.scatter [tilespmem:s20], [sflag:$0x3], $0x4000, $0x38;
	[tilespmem:$0x1E800] =	vst v63  }
0x84: {  	_ =	swait.ge [sflag:s21], $0x4000  }
0x85: {  	[sflag:s21] =	ssyncset.done $0x0  }
0x86: {  	[sflag:s21] =	ssyncadd.s32 $0xFFFFC000  }
0x87: {  	[tilespmem:s20], [sflag:$0x3] =	stream.linear.gather [spmem:s11], $0x4000, $0x38;
	[tilespmem:$0x1E800] =	vst v63  }
0x88: {  	_ =	swait.ge [sflag:s21], $0x4000  }
0x89: {  	[sflag:s21] =	ssyncset.done $0x0  }
0x8a: {  	[sflag:s21] =	ssyncadd.s32 $0xFFFFC000  }
0x8b: {  	[hbm4b:s16+s4] =	stream.linear.scatter [tilespmem:s20], [sflag:$0x3], $0x4000, $0x38;
	[tilespmem:$0x1E800] =	vst v63  }
0x8c: {  	_ =	swait.ge [sflag:s21], $0x4000  }
0x8d: {  	[sflag:s21] =	ssyncset.done $0x0  }
0x8e: {  	[sflag:s21] =	ssyncadd.s32 $0xFFFFC000  }
0x8f: {  	[tilespmem:s20], [sflag:$0x3] =	stream.linear.gather [spmem:s12], $0x4000, $0x38;
	[tilespmem:$0x1E800] =	vst v63  }
0x90: {  	_ =	swait.ge [sflag:s21], $0x4000  }
0x91: {  	[sflag:s21] =	ssyncset.done $0x0  }
0x92: {  	[sflag:s21] =	ssyncadd.s32 $0xFFFFC000  }
0x93: {  	[hbm4b:s17+s4] =	stream.linear.scatter [tilespmem:s20], [sflag:$0x3], $0x4000, $0x38;
	[tilespmem:$0x1E800] =	vst v63  }
0x94: {  	_ =	swait.ge [sflag:s21], $0x4000  }
0x95: {  	[sflag:s21] =	ssyncset.done $0x0  }
0x96: {  	[sflag:s21] =	ssyncadd.s32 $0xFFFFC000  }
0x97: {  	[tilespmem:s20], [sflag:$0x3] =	stream.linear.gather [spmem:s13], $0x4000, $0x38;
	[tilespmem:$0x1E800] =	vst v63  }
0x98: {  	s31 =	sadd.s32 $0x1, s31;
	_ =	swait.ge [sflag:s21], $0x4000  }
0x99: {  	p1 =	sne.s32 s31, s19;
	[sflag:s21] =	ssyncset.done $0x0  }
.Ltmp2:
0x9a: {  	[sflag:s21] =	ssyncadd.s32 $0xFFFFC000;
	(pc) =	sbr.rel @p1 .LBB2_1-.Ltmp2, $4  }
0x9b: {  	[hbm4b:s18+s4] =	stream.linear.scatter [tilespmem:s20], [sflag:$0x3], $0x4000, $0x38;
	[tilespmem:$0x1E800] =	vst v63  }
0x9c: {  	_ =	swait.ge [sflag:s21], $0x4000  }
0x9d: {  	[sflag:s21] =	ssyncset.done $0x0  }
0x9e: {  	[sflag:s21] =	ssyncadd.s32 $0xFFFFC000  }
0x9f: {  	_ =	sfence.sel $0x180000  }
0xa0: {  	[bflag:$0x0] =	sbarrier.arrive $0xFFFF  }
0xa1: {  	_ =	strace $0x9000004D  }
0xa2: {  	s0 =	stileid.u32;
	[bflag:$0x2] =	sbarrier.arrive $0xFFFF  }
0xa3: {  	p0 =	sne.s32 s0, $0x0;
	s0 =	rddreg [dreg:$0x3]  }
0xa4: {  	s0 =	sadd.s32 @!p0 $0x100000, s0  }
0xa5: {  	[sflag:s0] =	ssyncadd.tile.s32 @!p0 $0x1;
	_ =	shalt  }
.Lfunc_end2:
_tile_overlayer_lowered:
.L_overlay_start_2:
0xa6: {  	(tag) =	ssettag $0x2  }
0xa7: {  	s0 =	rddreg [dreg:$0x0];
	s2 =	stileid.u32  }
0xa8: {  	s1 =	rddreg [dreg:$0x1];
	p0 =	sne.s32 s2, $0x0  }
0xa9: {  	s3 =	rddreg [dreg:$0x2];
	[bflag:$0x3] =	sbarrier.arrive $0xFFFF;
	s2 =	simm.s32 @!p0 $0x1C03  }
0xaa: {  	[timem:s3], [sflag:s2] =	dma.local @!p0 [hbm:s0], s1  }
0xab: {  	s0 =	simm.s32 @!p0 $0x3  }
0xac: {  	_ =	swait.ge @!p0 [sflag:s0], s1  }
0xad: {  	s1 =	ssub.s32 @!p0 $0x0, s1;
	[sflag:s0] =	ssyncset.done @!p0 $0x0  }
0xae: {  	[sflag:s0] =	ssyncadd.s32 @!p0 s1  }
0xaf: {  	[bflag:$0x3] =	sbarrier.arrive $0xFFFF  }
0xb0: {  	_ =	shalt  }

// kernel: kernel.8.cloned.1.call-start
scs
__scs_entry_jumppad:
0x0: {  	(pc) =	sbr.rel $0x88, $3  }
0x1: {  	(tag) =	ssettag $0x0;
	lr =	simm.s32 $0x1  }
0x2: {  	[smem:$0x3F99] =	sst lr;
	_ =	strace $0xD0000000  }
0x3: {  	_ = 	snop  }
0x4: {  	_ = 	snop  }
0x5: {  	_ = 	snop  }
0x6: {  	_ = 	snop  }
0x7: {  	_ = 	snop  }
__scs_overlays_trampoline_lowered:
0x8: {  	[smem:$0x3FA8] =	sst s0  }
0x9: {  	[smem:$0x3FA9] =	sst s1  }
0xa: {  	[smem:$0x3FAA] =	sst s2  }
0xb: {  	[smem:$0x3FAB] =	sst s3  }
0xc: {  	[smem:$0x3FAC] =	sst s4  }
0xd: {  	[smem:$0x3FAD] =	sst s5  }
0xe: {  	[smem:$0x3FAE] =	sst s6  }
0xf: {  	[smem:$0x3FAF] =	sst s7  }
0x10: {  	[smem:$0x3FB0] =	sst s8  }
0x11: {  	[smem:$0x3FB1] =	sst s9;
	s0 =	simm.s32 @!p0 $0x0  }
0x12: {  	s1 =	sld [smem:$0x3F97];
	s0 =	simm.s32 @p0 $0x1  }
0x13: {  	[smem:$0x3FB2] =	sst s0;
	s0 =	simm.s32 @!p1 $0x0  }
0x14: {  	s2 =	sld [smem:$0x3F96];
	s0 =	simm.s32 @p1 $0x1  }
0x15: {  	[smem:$0x3FB3] =	sst s0;
	s0 =	simm.s32 @!p2 $0x0  }
0x16: {  	s3 =	sld [smem:$0x3FDB];
	s0 =	simm.s32 @p2 $0x1  }
0x17: {  	s4 =	simm.s32 $0x1BF5;
	[smem:$0x3FB5] =	sst s0  }
0x18: {  	s0 =	sld [smem:$0x3F98];
	_ =	swait.ge [sflag:s4], $0x0  }
0x19: {  	s7 =	sld [smem:$0x3F99]  }
0x1a: {  	s8 =	sadd.s32 $0xFFFFE003, lr  }
0x1b: {  	s9 =	sadd.s32 $0xFFFFFEF7, lr;
	s5 =	simm.s32 $0xFFFFFFFF;
	p2 =	slt.u32 s8, $0xFFFFF086  }
0x1c: {  	p1 =	slt.u32 s9, $0xF7A;
	s5 =	simm.s32 @!p2 $0x0  }
0x1d: {  	s5 =	simm.s32 @p1 $0x1;
	p0 =	seq.s32 s7, s2  }
0x1e: {  	s7 =	smul.u32 @!p0 $0xF7A, s2;
	p2 =	seq.s32 @!p0 s5, $0x0  }
0x1f: {  	s9 =	smul.u32 $0xF7A, s1;
	s8 =	simm.s32 @!p0 $0x1BF5;
	p2 =	por !p2, p0  }
0x20: {  	[sflag:s8] =	ssyncset.s32 @!p0 $0xFFFFF086;
	s6 =	sadd.s32 @!p0 s3, s7;
	s7 =	simm.s32 @!p0 $0x108  }
0x21: {  	s3 =	sadd.s32 s3, s9;
	s6 =	sadd.s32 @!p0 $0x88, s6;
	s7 =	simm.s32 @p2 $0x1082  }
0x22: {  	[simem:s7], [sflag:s8] =	dma.local @!p0 [hbm:s6], $0xF7A  }
0x23: {  	s9 =	sor.u32 $0xD0000000, s2;
	s6 =	simm.s32 $0x108;
	_ =	swait.ge @!p0 [sflag:s8], $0x0  }
0x24: {  	s3 =	sadd.s32 $0x88, s3;
	s6 =	simm.s32 @!p1 $0x1082;
	[sflag:s4] =	ssyncset.s32 $0xFFFFF086  }
0x25: {  	[simem:s6], [sflag:s4] =	dma.local [hbm:s3], $0xF7A  }
0x26: {  	[smem:$0x3F99] =	sst s1;
	(tag) =	ssettag s2;
	_ =	strace s9  }
0x27: {  	s1 =	sld [smem:$0x3FA9]  }
0x28: {  	s2 =	sld [smem:$0x3FAA]  }
0x29: {  	s4 =	sld [smem:$0x3FAC]  }
0x2a: {  	p0 =	seq.s32 s5, $0x0;
	s5 =	sld [smem:$0x3FAD]  }
0x2b: {  	s6 =	sld [smem:$0x3FAE]  }
0x2c: {  	s7 =	sld [smem:$0x3FAF]  }
0x2d: {  	s3 =	simm.s32 $0x108;
	s8 =	sld [smem:$0x3FB0]  }
0x2e: {  	s3 =	simm.s32 @!p0 $0x1082;
	s9 =	sld [smem:$0x3FB1]  }
0x2f: {  	lr =	sadd.s32 s0, s3;
	s0 =	sld [smem:$0x3FA8]  }
0x30: {  	s3 =	sld [smem:$0x3FAB]  }
0x31: {  	[smem:$0x3FB4] =	sst s10  }
0x32: {  	s10 =	sld [smem:$0x3FB2];
	_ =	sdelay $0x3  }
0x33: {  	p0 =	seq.s32 s10, $0x1;
	s10 =	sld [smem:$0x3FB4];
	_ =	sdelay $0x3  }
0x34: {  	[smem:$0x3FB4] =	sst s10  }
0x35: {  	s10 =	sld [smem:$0x3FB3];
	_ =	sdelay $0x3  }
0x36: {  	p1 =	seq.s32 s10, $0x1;
	s10 =	sld [smem:$0x3FB4];
	_ =	sdelay $0x3  }
0x37: {  	[smem:$0x3FB4] =	sst s10  }
0x38: {  	s10 =	sld [smem:$0x3FB5]  }
0x39: {  	_ = 	snop;
	(pc) =	sbr.ind lr, $3  }
0x3a: {  	_ = 	snop  }
0x3b: {  	_ = 	snop  }
0x3c: {  	p2 =	seq.s32 s10, $0x1;
	s10 =	sld [smem:$0x3FB4]  }
0x3d: {  	_ =	shalt  }
0x3e: {  	_ =	shalt  }
0x3f: {  	_ =	shalt  }
0x40: {  	_ =	shalt  }
0x41: {  	_ =	shalt  }
0x42: {  	_ =	shalt  }
0x43: {  	_ =	shalt  }
0x44: {  	_ =	shalt  }
0x45: {  	_ =	shalt  }
0x46: {  	_ =	shalt  }
0x47: {  	_ =	shalt  }
0x48: {  	_ =	shalt  }
0x49: {  	_ =	shalt  }
0x4a: {  	_ =	shalt  }
0x4b: {  	_ =	shalt  }
0x4c: {  	_ =	shalt  }
0x4d: {  	_ =	shalt  }
0x4e: {  	_ =	shalt  }
0x4f: {  	_ =	shalt  }
0x50: {  	_ =	shalt  }
0x51: {  	_ =	shalt  }
0x52: {  	_ =	shalt  }
0x53: {  	_ =	shalt  }
0x54: {  	_ =	shalt  }
0x55: {  	_ =	shalt  }
0x56: {  	_ =	shalt  }
0x57: {  	_ =	shalt  }
0x58: {  	_ =	shalt  }
0x59: {  	_ =	shalt  }
0x5a: {  	_ =	shalt  }
0x5b: {  	_ =	shalt  }
0x5c: {  	_ =	shalt  }
0x5d: {  	_ =	shalt  }
0x5e: {  	_ =	shalt  }
0x5f: {  	_ =	shalt  }
0x60: {  	_ =	shalt  }
0x61: {  	_ =	shalt  }
0x62: {  	_ =	shalt  }
0x63: {  	_ =	shalt  }
0x64: {  	_ =	shalt  }
0x65: {  	_ =	shalt  }
0x66: {  	_ =	shalt  }
0x67: {  	_ =	shalt  }
0x68: {  	_ =	shalt  }
0x69: {  	_ =	shalt  }
0x6a: {  	_ =	shalt  }
0x6b: {  	_ =	shalt  }
0x6c: {  	_ =	shalt  }
0x6d: {  	_ =	shalt  }
0x6e: {  	_ =	shalt  }
0x6f: {  	_ =	shalt  }
0x70: {  	_ =	shalt  }
0x71: {  	_ =	shalt  }
0x72: {  	_ =	shalt  }
0x73: {  	_ =	shalt  }
0x74: {  	_ =	shalt  }
0x75: {  	_ =	shalt  }
0x76: {  	_ =	shalt  }
0x77: {  	_ =	shalt  }
0x78: {  	_ =	shalt  }
0x79: {  	_ =	shalt  }
0x7a: {  	_ =	shalt  }
0x7b: {  	_ =	shalt  }
0x7c: {  	_ =	shalt  }
0x7d: {  	_ =	shalt  }
0x7e: {  	_ =	shalt  }
0x7f: {  	_ =	shalt  }
0x80: {  	_ =	shalt  }
0x81: {  	_ =	shalt  }
0x82: {  	_ =	shalt  }
0x83: {  	_ =	shalt  }
0x84: {  	_ =	shalt  }
0x85: {  	_ =	shalt  }
0x86: {  	_ =	shalt  }
0x87: {  	_ =	shalt  }
.Lfunc_end0:
.L_simem_size_0:
called_computation_lowered:
.L_overlay_start_0:
0x88: {  	s2 =	sld [smem:$0x3FD9]  }
0x89: {  	s3 =	sld [smem:$0x3FFE];
	_ =	sdelay $0x1  }
0x8a: {  	s1 =	srdreg.scid  }
0x8b: {  	s0 =	sand.u32 $0x1, s1  }
0x8c: {  	s17 =	sshll.u32 s0, $0xA;
	s2 =	sadd.s32 s3, s2  }
0x8d: {  	s2 =	sadd.s32 s2, s17  }
0x8e: {  	[smem:$0x3FC0] =	sst s2  }
0x8f: {  	_ = 	snop  }
0x90: {  	s2 =	sld [smem:$0x3FD0];
	(tm) =	ssettm $0x1  }
0x91: {  	s18 =	sld [smem:$0x3FFB];
	_ =	sdelay $0x3  }
0x92: {  	_ =	strace s18  }
0x93: {  	s3 =	sld [smem:$0x3FFC];
	_ =	sdelay $0x3  }
0x94: {  	_ =	strace s3  }
0x95: {  	s3 =	sld [smem:$0x3FFD];
	_ =	sdelay $0x3  }
0x96: {  	_ =	strace s3  }
0x97: {  	_ =	strace $0x8FFFFFFF  }
0x98: {  	s19 =	sld [smem:$0x3FDB];
	_ =	sdelay $0x1  }
0x99: {  	s4 =	simm.s32 $_scs_section_size  }
0x9a: {  	s5 =	simm.s32 $_size__tile_overlayer_lowered;
	s6 =	simm.s32 $_tile_overlayer_lowered  }
0x9b: {  	s22 =	simm.s32 $0x1BFF;
	s21 =	sshll.u32 s6, $0x1;
	s3 =	sadd.s32 s4, s19  }
0x9c: {  	s7 =	simm.s32 $0x0;
	s20 =	sshll.u32 s5, $0x1;
	s5 =	sadd.s32 s21, s3  }
0x9d: {  	[timem:s7], [sflag:s22] =	dma.local [hbm:s5], s20  }
0x9e: {  	_ =	swait.ge [sflag:s22], s20  }
0x9f: {  	s4 =	ssub.s32 $0x0, s20;
	[sflag:s22] =	ssyncset.done $0x0  }
0xa0: {  	[sflag:s22] =	ssyncadd.s32 s4;
	_ =	sdelay $0x1  }
0xa1: {  	s23 =	simm.s32 $0x1B8B  }
0xa2: {  	_ =	swait.ge [sflag:s23], $0x1  }
0xa3: {  	[sflag:s23] =	ssyncset.done $0x0  }
0xa4: {  	s25 =	simm.s32 $0x1B8E;
	s24 =	sld [smem:$0x3FFE];
	[sflag:s23] =	ssyncadd.s32 $0xFFFFFFFF  }
0xa5: {  	s26 =	simm.s32 $execute0_lowered;
	[smem:$0x3FD2] =	sst s25  }
0xa6: {  	s5 =	sshll.u32 s26, $0x1;
	_ =	strace $0x80000046;
	[dreg:$0x1] =	wrdreg $0xFFFFFFFF  }
0xa7: {  	s28 =	simm.s32 $_size_execute0_lowered;
	s3 =	sadd.s32 s3, s5;
	[dreg:$0x0] =	wrdreg $0x0  }
0xa8: {  	s5 =	sshll.u32 s28, $0x1;
	[dreg:$0x2] =	wrdreg s3  }
0xa9: {  	[dreg:$0x3] =	wrdreg s5  }
0xaa: {  	[dreg:$0x4] =	wrdreg $0xC0  }
0xab: {  	_ =	task [dreg:s7], $0x5FFFF  }
0xac: {  	[dreg:$0x1] =	wrdreg $0xFFFFFFFF  }
0xad: {  	[dreg:$0x0] =	wrdreg $0x60  }
0xae: {  	[dreg:$0x2] =	wrdreg s2  }
0xaf: {  	[dreg:$0x3] =	wrdreg s24  }
0xb0: {  	[dreg:$0x4] =	wrdreg $0xA8000  }
0xb1: {  	[dreg:$0x5] =	wrdreg $0x9  }
0xb2: {  	_ =	task.clear_ibuf [dreg:s7], $0x6FFFF;
	_ =	strace $0x90000046  }
0xb3: {  	s29 =	simm.s32 $0x9;
	_ =	strace $0x80000048  }
0xb4: {  	_ =	swait.ge [sflag:s29], $0x1  }
0xb5: {  	[sflag:s29] =	ssyncadd.s32 $0xFFFFFFFF  }
0xb6: {  	_ =	strace $0x90000048  }
0xb7: {  	_ =	sfence  }
0xb8: {  	s30 =	sld [smem:$0x0];
	_ =	sdelay $0x2  }
0xb9: {  	s31 =	sshll.u32 s1, $0xD;
	s1 =	sshrl.u32 s1, $0x2  }
0xba: {  	s3 =	sand.u32 $0x4000, s31;
	s1 =	sadd.s32 s1, s30  }
0xbb: {  	s0 =	sor.u32 s3, s0;
	s1 =	sshll.u32 s1, $0x11  }
0xbc: {  	s0 =	sor.u32 s1, s0  }
0xbd: {  	s0 =	sadd.s32 $0x8F2B, s0  }
0xbe: {  	[sflag:s0] =	ssyncadd.remote.s32 $0x1  }
0xbf: {  	_ =	sfence.sel $0xFFFF  }
0xc0: {  	[dreg:$0x0] =	wrdreg $0xFFFFFFFF;
	(pc) =	sbr.abs _section_cstart, $3  }
0xc1: {  	[dreg:$0x1] =	wrdreg $0xFFFFFFFF  }
0xc2: {  	_ =	task.clear_ibuf [dreg:s7], $0x2FFFF;
	_ =	strace $0x9FFFFFFF  }
0xc3: {  	(tm) =	ssettm $0x7FFFFFFF  }
tec
execute0_lowered:
.L_overlay_start_1:
0x0: {  	(tag) =	ssettag $0x1  }
0x1: {  	s1 =	rddreg [dreg:$0x0]  }
0x2: {  	s0 =	rddreg [dreg:$0x1]  }
0x3: {  	s2 =	rddreg [dreg:$0x2];
	s4 =	simm.s32 $0x0  }
0x4: {  	s3 =	srdreg.scid;
	s7 =	stileid.u32;
	s22 =	simm.s32 $0x1400  }
0x5: {  	s23 =	simm.s32 $0x80;
	s28 =	simm.s32 $0x1380;
	s29 =	simm.s32 $0x2700  }
0x6: {  	s30 =	simm.s32 $0x2780;
	s31 =	simm.s32 $0x0;
	s9 =	smul.u32 $0x78, s7  }
0x7: {  	[smem:$0x7FF] =	sst s4;
	s5 =	sadd.s32 $0xC000, s0;
	s10 =	smul.u32 $0x28, s7  }
0x8: {  	s3 =	sand.u32 $0x1, s3;
	s6 =	sadd.s32 $0x2000, s0;
	s12 =	smul.u32 $0x50000, s7  }
0x9: {  	s11 =	sadd.s32 $0x16000, s0;
	s0 =	sadd.s32 $0x16800, s0;
	s13 =	smul.u32 $0x14000, s7  }
0xa: {  	_ =	strace $0x80000047;
	s8 =	ssub.s32 $0x2, s3;
	[dreg:$0x4] =	wrdreg s11  }
0xb: {  	p0 =	seq.s32 s3, $0x0;
	s18 =	smul.u32 $0x140000, s3;
	s24 =	sshrl.u32 s8, $0x1  }
0xc: {  	s25 =	sshrl.u32 s12, $0x2;
	s14 =	sadd.s32 $0x4000, s13;
	s16 =	sadd.s32 $0x8000, s13  }
0xd: {  	s17 =	sadd.s32 $0xC000, s13;
	s20 =	sadd.s32 $0x10000, s13;
	s19 =	ssub.s32 s8, s24  }
0xe: {  	s8 =	sadd.s32 $0x780, s10;
	s10 =	sadd.s32 s14, s2;
	s11 =	sadd.s32 s16, s2  }
0xf: {  	s12 =	sadd.s32 s17, s2;
	s15 =	sadd.s32 s13, s18;
	s14 =	sadd.s32 s18, s14  }
0x10: {  	s13 =	sadd.s32 s20, s2;
	s16 =	sadd.s32 s18, s16;
	s17 =	sadd.s32 s18, s17  }
0x11: {  	s18 =	sadd.s32 s18, s20;
	s20 =	simm.s32 $0x2800;
	s24 =	simm.s32 $0x1  }
0x12: {  	s8 =	smov.u32 @p0 s9;
	s9 =	sadd.s32 s25, s2;
	s15 =	sshrl.u32 s15, $0x3  }
0x13: {  	s21 =	sshrl.u32 s14, $0x3;
	s16 =	sshrl.u32 s16, $0x3;
	s17 =	sshrl.u32 s17, $0x3  }
0x14: {  	s18 =	sshrl.u32 s18, $0x3;
	s19 =	smax.u32 s19, $0x1;
	p0 =	sne.s32 s3, $0x0  }
0x15: {  	s25 =	simm.s32 $0x6800;
	s26 =	sadd.s32 s0, s15;
	s15 =	sadd.s32 s0, s21  }
0x16: {  	s16 =	sadd.s32 s0, s16;
	s17 =	sadd.s32 s0, s17;
	s18 =	sadd.s32 s0, s18  }
0x17: {  	s21 =	simm.s32 $0x3;
	[dreg:$0x5] =	wrdreg s26;
	s26 =	simm.s32 $0x2  }
.LBB2_1:
0x18: {  	s0 =	rddreg [dreg:$0x4]  }
0x19: {  	[tilespmem:s20], [sflag:$0x3] =	stream.linear.gather [hbm4b:s0+s4], $0x4000, $0x38;
	[tilespmem:$0x1E800] =	vst v63  }
0x1a: {  	_ =	swait.ge [sflag:s21], $0x4000  }
0x1b: {  	[sflag:s21] =	ssyncset.done $0x0  }
0x1c: {  	[sflag:s21] =	ssyncadd.s32 $0xFFFFC000  }
0x1d: {  	[spmem:s9] =	stream.linear.scatter [tilespmem:s20], [sflag:$0x3], $0x4000, $0x38;
	[tilespmem:$0x1E800] =	vst v63  }
0x1e: {  	_ =	swait.ge [sflag:s21], $0x4000  }
0x1f: {  	[sflag:s21] =	ssyncset.done $0x0  }
0x20: {  	[sflag:s21] =	ssyncadd.s32 $0xFFFFC000  }
0x21: {  	[spmem:s10] =	stream.linear.scatter [tilespmem:s20], [sflag:$0x3], $0x4000, $0x38;
	[tilespmem:$0x1E800] =	vst v63  }
0x22: {  	_ =	swait.ge [sflag:s21], $0x4000  }
0x23: {  	[sflag:s21] =	ssyncset.done $0x0  }
0x24: {  	[sflag:s21] =	ssyncadd.s32 $0xFFFFC000  }
0x25: {  	[spmem:s11] =	stream.linear.scatter [tilespmem:s20], [sflag:$0x3], $0x4000, $0x38;
	[tilespmem:$0x1E800] =	vst v63  }
0x26: {  	_ =	swait.ge [sflag:s21], $0x4000  }
0x27: {  	[sflag:s21] =	ssyncset.done $0x0  }
0x28: {  	[sflag:s21] =	ssyncadd.s32 $0xFFFFC000  }
0x29: {  	[spmem:s12] =	stream.linear.scatter [tilespmem:s20], [sflag:$0x3], $0x4000, $0x38;
	[tilespmem:$0x1E800] =	vst v63  }
0x2a: {  	_ =	swait.ge [sflag:s21], $0x4000  }
0x2b: {  	[sflag:s21] =	ssyncset.done $0x0  }
0x2c: {  	[sflag:s21] =	ssyncadd.s32 $0xFFFFC000  }
0x2d: {  	[spmem:s13] =	stream.linear.scatter [tilespmem:s20], [sflag:$0x3], $0x4000, $0x38;
	[tilespmem:$0x1E800] =	vst v63  }
0x2e: {  	_ =	swait.ge [sflag:s21], $0x4000  }
0x2f: {  	[sflag:s21] =	ssyncset.done $0x0  }
0x30: {  	[sflag:s21] =	ssyncadd.s32 $0xFFFFC000  }
0x31: {  	s0 =	simm.s32 $0x0;
	[bflag:$0x0] =	sbarrier.arrive $0xFFFF  }
.LBB2_2:
0x32: {  	s3 =	smul.u32 $0x28, s0;
	_ =	sdelay $0x1  }
0x33: {  	s3 =	sadd.s32 s8, s3  }
0x34: {  	s3 =	sshll.u32 s3, $0x4  }
0x35: {  	s14 =	simm.s32 $0x0;
	s7 =	sadd.s32 s5, s3  }
0x36: {  	[tilespmem:s14], [sflag:$0x3] =	stream.linear.gather [hbm4b:s7+s14], $0x1400, $0x38;
	[tilespmem:$0x1E800] =	vst v63  }
0x37: {  	_ =	swait.ge [sflag:s21], $0x1400  }
0x38: {  	[sflag:s21] =	ssyncset.done $0x0  }
0x39: {  	s3 =	sadd.s32 s6, s3;
	[sflag:s21] =	ssyncadd.s32 $0xFFFFEC00  }
0x3a: {  	[tilespmem:s22], [sflag:$0x3] =	stream.linear.gather [hbm4b:s3+s14], $0x1400, $0x38;
	[tilespmem:$0x1E800] =	vst v63  }
0x3b: {  	_ =	swait.ge [sflag:s21], $0x1400  }
0x3c: {  	[sflag:s21] =	ssyncset.done $0x0  }
0x3d: {  	[sflag:s21] =	ssyncadd.s32 $0xFFFFEC00  }
0x3e: {  	[tilespmem:s20], [sflag:$0x1] =	stream.indirect.gather [hbm4b:s1+s23], $0x80, s14, s23, $0xb8;
	[tilespmem:$0x1E800] =	vst v63  }
0x3f: {  	_ =	swait.ge [sflag:s24], $0x4000  }
0x40: {  	[sflag:s24] =	ssyncset.done $0x0  }
0x41: {  	s7 =	simm.s32 $0x80;
	[sflag:s24] =	ssyncadd.s32 $0xFFFFC000  }
0x42: {  	[tilespmem:s25], [sflag:$0x2] =	stream.indirect.gather [hbm4b:s1+s23], $0x80, s7, s23, $0xb8;
	[tilespmem:$0x1E800] =	vst v63  }
0x43: {  	s14 =	simm.s32 $0x1400  }
0x44: {  	[spmem:s2] =	stream.indirect.scatter.add.f32 [tilespmem:s20], [sflag:$0x3], $0x80, s14, s23, $0xb8;
	[tilespmem:$0x1E800] =	vst v63  }
0x45: {  	_ =	swait.ge [sflag:s21], $0x4000  }
0x46: {  	[sflag:s21] =	ssyncset.done $0x0  }
0x47: {  	[sflag:s21] =	ssyncadd.s32 $0xFFFFC000  }
0x48: {  	_ =	swait.ge [sflag:s26], $0x4000  }
0x49: {  	[sflag:s26] =	ssyncset.done $0x0  }
0x4a: {  	s7 =	simm.s32 $0x100;
	[sflag:s26] =	ssyncadd.s32 $0xFFFFC000  }
0x4b: {  	[tilespmem:s20], [sflag:$0x1] =	stream.indirect.gather [hbm4b:s1+s23], $0x80, s7, s23, $0xb8;
	[tilespmem:$0x1E800] =	vst v63  }
0x4c: {  	s14 =	simm.s32 $0x1480  }
0x4d: {  	[spmem:s2] =	stream.indirect.scatter.add.f32 [tilespmem:s25], [sflag:$0x3], $0x80, s14, s23, $0xb8;
	[tilespmem:$0x1E800] =	vst v63  }
0x4e: {  	_ =	swait.ge [sflag:s21], $0x4000  }
0x4f: {  	s3 =	simm.s32 $0x400;
	[sflag:s21] =	ssyncset.done $0x0  }
.LBB2_3:
0x50: {  	p1 =	sne.s32 s3, $0x4800  }
0x51: {  	[sflag:s21] =	ssyncadd.s32 $0xFFFFC000;
	s7 =	smov.u32 s3;
	s3 =	sadd.s32 $0x400, s3  }
0x52: {  	_ = 	snop  }
0x53: {  	_ =	swait.ge [sflag:s24], $0x4000  }
0x54: {  	s7 =	sshra.s32 s7, $0x2;
	[sflag:s24] =	ssyncset.done $0x0  }
0x55: {  	s14 =	sadd.s32 $0x80, s7;
	[sflag:s24] =	ssyncadd.s32 $0xFFFFC000  }
0x56: {  	[tilespmem:s25], [sflag:$0x2] =	stream.indirect.gather [hbm4b:s1+s23], $0x80, s14, s23, $0xb8;
	[tilespmem:$0x1E800] =	vst v63  }
0x57: {  	s14 =	sadd.s32 $0x1400, s7  }
0x58: {  	[spmem:s2] =	stream.indirect.scatter.add.f32 [tilespmem:s20], [sflag:$0x3], $0x80, s14, s23, $0xb8;
	[tilespmem:$0x1E800] =	vst v63  }
0x59: {  	_ =	swait.ge [sflag:s21], $0x4000  }
0x5a: {  	[sflag:s21] =	ssyncset.done $0x0  }
0x5b: {  	[sflag:s21] =	ssyncadd.s32 $0xFFFFC000  }
0x5c: {  	_ =	swait.ge [sflag:s26], $0x4000  }
0x5d: {  	[sflag:s26] =	ssyncset.done $0x0  }
0x5e: {  	s14 =	sadd.s32 $0x100, s7;
	[sflag:s26] =	ssyncadd.s32 $0xFFFFC000  }
0x5f: {  	[tilespmem:s20], [sflag:$0x1] =	stream.indirect.gather [hbm4b:s1+s23], $0x80, s14, s23, $0xb8;
	[tilespmem:$0x1E800] =	vst v63  }
.Ltmp0:
0x60: {  	_ = 	snop;
	(pc) =	sbr.rel @p1 .LBB2_3-.Ltmp0, $4  }
0x61: {  	s7 =	sadd.s32 $0x1480, s7  }
0x62: {  	[spmem:s2] =	stream.indirect.scatter.add.f32 [tilespmem:s25], [sflag:$0x3], $0x80, s7, s23, $0xb8;
	[tilespmem:$0x1E800] =	vst v63  }
0x63: {  	_ =	swait.ge [sflag:s21], $0x4000  }
0x64: {  	[sflag:s21] =	ssyncset.done $0x0  }
0x65: {  	[sflag:s21] =	ssyncadd.s32 $0xFFFFC000  }
0x66: {  	_ =	swait.ge [sflag:s24], $0x4000  }
0x67: {  	[sflag:s24] =	ssyncset.done $0x0  }
0x68: {  	[sflag:s24] =	ssyncadd.s32 $0xFFFFC000  }
0x69: {  	[tilespmem:s25], [sflag:$0x2] =	stream.indirect.gather [hbm4b:s1+s23], $0x80, s28, s23, $0xb8;
	[tilespmem:$0x1E800] =	vst v63  }
0x6a: {  	_ = 	snop  }
0x6b: {  	[spmem:s2] =	stream.indirect.scatter.add.f32 [tilespmem:s20], [sflag:$0x3], $0x80, s29, s23, $0xb8;
	[tilespmem:$0x1E800] =	vst v63  }
0x6c: {  	_ =	swait.ge [sflag:s21], $0x4000  }
0x6d: {  	[sflag:s21] =	ssyncset.done $0x0  }
0x6e: {  	[sflag:s21] =	ssyncadd.s32 $0xFFFFC000  }
0x6f: {  	p1 =	slt.u32 @!p0 s0, $0x2;
	_ =	swait.ge [sflag:s26], $0x4000  }
0x70: {  	p1 =	por p0, !p1;
	[sflag:s26] =	ssyncset.done $0x0  }
.Ltmp1:
0x71: {  	[sflag:s26] =	ssyncadd.s32 $0xFFFFC000;
	(pc) =	sbr.rel @!p1 .LBB2_2-.Ltmp1, $4  }
0x72: {  	[spmem:s2] =	stream.indirect.scatter.add.f32 [tilespmem:s25], [sflag:$0x3], $0x80, s30, s23, $0xb8;
	[tilespmem:$0x1E800] =	vst v63  }
0x73: {  	_ =	swait.ge [sflag:s21], $0x4000  }
0x74: {  	[sflag:s21] =	ssyncset.done $0x0  }
0x75: {  	s0 =	sadd.s32 $0x1, s0;
	[sflag:s21] =	ssyncadd.s32 $0xFFFFC000  }
0x76: {  	[bflag:$0x0] =	sbarrier.arrive $0xFFFF  }
0x77: {  	[tilespmem:s20], [sflag:$0x3] =	stream.linear.gather [spmem:s9], $0x4000, $0x38;
	[tilespmem:$0x1E800] =	vst v63  }
0x78: {  	_ =	swait.ge [sflag:s21], $0x4000  }
0x79: {  	[sflag:s21] =	ssyncset.done $0x0  }
0x7a: {  	s0 =	rddreg [dreg:$0x5];
	[sflag:s21] =	ssyncadd.s32 $0xFFFFC000  }
0x7b: {  	[hbm4b:s0+s4] =	stream.linear.scatter [tilespmem:s20], [sflag:$0x3], $0x4000, $0x38;
	[tilespmem:$0x1E800] =	vst v63  }
0x7c: {  	_ =	swait.ge [sflag:s21], $0x4000  }
0x7d: {  	[sflag:s21] =	ssyncset.done $0x0  }
0x7e: {  	[sflag:s21] =	ssyncadd.s32 $0xFFFFC000  }
0x7f: {  	[tilespmem:s20], [sflag:$0x3] =	stream.linear.gather [spmem:s10], $0x4000, $0x38;
	[tilespmem:$0x1E800] =	vst v63  }
0x80: {  	_ =	swait.ge [sflag:s21], $0x4000  }
0x81: {  	[sflag:s21] =	ssyncset.done $0x0  }
0x82: {  	[sflag:s21] =	ssyncadd.s32 $0xFFFFC000  }
0x83: {  	[hbm4b:s15+s4] =	stream.linear.scatter [tilespmem:s20], [sflag:$0x3], $0x4000, $0x38;
	[tilespmem:$0x1E800] =	vst v63  }
0x84: {  	_ =	swait.ge [sflag:s21], $0x4000  }
0x85: {  	[sflag:s21] =	ssyncset.done $0x0  }
0x86: {  	[sflag:s21] =	ssyncadd.s32 $0xFFFFC000  }
0x87: {  	[tilespmem:s20], [sflag:$0x3] =	stream.linear.gather [spmem:s11], $0x4000, $0x38;
	[tilespmem:$0x1E800] =	vst v63  }
0x88: {  	_ =	swait.ge [sflag:s21], $0x4000  }
0x89: {  	[sflag:s21] =	ssyncset.done $0x0  }
0x8a: {  	[sflag:s21] =	ssyncadd.s32 $0xFFFFC000  }
0x8b: {  	[hbm4b:s16+s4] =	stream.linear.scatter [tilespmem:s20], [sflag:$0x3], $0x4000, $0x38;
	[tilespmem:$0x1E800] =	vst v63  }
0x8c: {  	_ =	swait.ge [sflag:s21], $0x4000  }
0x8d: {  	[sflag:s21] =	ssyncset.done $0x0  }
0x8e: {  	[sflag:s21] =	ssyncadd.s32 $0xFFFFC000  }
0x8f: {  	[tilespmem:s20], [sflag:$0x3] =	stream.linear.gather [spmem:s12], $0x4000, $0x38;
	[tilespmem:$0x1E800] =	vst v63  }
0x90: {  	_ =	swait.ge [sflag:s21], $0x4000  }
0x91: {  	[sflag:s21] =	ssyncset.done $0x0  }
0x92: {  	[sflag:s21] =	ssyncadd.s32 $0xFFFFC000  }
0x93: {  	[hbm4b:s17+s4] =	stream.linear.scatter [tilespmem:s20], [sflag:$0x3], $0x4000, $0x38;
	[tilespmem:$0x1E800] =	vst v63  }
0x94: {  	_ =	swait.ge [sflag:s21], $0x4000  }
0x95: {  	[sflag:s21] =	ssyncset.done $0x0  }
0x96: {  	[sflag:s21] =	ssyncadd.s32 $0xFFFFC000  }
0x97: {  	[tilespmem:s20], [sflag:$0x3] =	stream.linear.gather [spmem:s13], $0x4000, $0x38;
	[tilespmem:$0x1E800] =	vst v63  }
0x98: {  	s31 =	sadd.s32 $0x1, s31;
	_ =	swait.ge [sflag:s21], $0x4000  }
0x99: {  	p1 =	sne.s32 s31, s19;
	[sflag:s21] =	ssyncset.done $0x0  }
.Ltmp2:
0x9a: {  	[sflag:s21] =	ssyncadd.s32 $0xFFFFC000;
	(pc) =	sbr.rel @p1 .LBB2_1-.Ltmp2, $4  }
0x9b: {  	[hbm4b:s18+s4] =	stream.linear.scatter [tilespmem:s20], [sflag:$0x3], $0x4000, $0x38;
	[tilespmem:$0x1E800] =	vst v63  }
0x9c: {  	_ =	swait.ge [sflag:s21], $0x4000  }
0x9d: {  	[sflag:s21] =	ssyncset.done $0x0  }
0x9e: {  	[sflag:s21] =	ssyncadd.s32 $0xFFFFC000  }
0x9f: {  	_ =	sfence.sel $0x180000  }
0xa0: {  	[bflag:$0x0] =	sbarrier.arrive $0xFFFF  }
0xa1: {  	_ =	strace $0x90000047  }
0xa2: {  	s0 =	stileid.u32;
	[bflag:$0x2] =	sbarrier.arrive $0xFFFF  }
0xa3: {  	p0 =	sne.s32 s0, $0x0;
	s0 =	rddreg [dreg:$0x3]  }
0xa4: {  	s0 =	sadd.s32 @!p0 $0x100000, s0  }
0xa5: {  	[sflag:s0] =	ssyncadd.tile.s32 @!p0 $0x1;
	_ =	shalt  }
.Lfunc_end2:
_tile_overlayer_lowered:
.L_overlay_start_2:
0xa6: {  	(tag) =	ssettag $0x2  }
0xa7: {  	s0 =	rddreg [dreg:$0x0];
	s2 =	stileid.u32  }
0xa8: {  	s1 =	rddreg [dreg:$0x1];
	p0 =	sne.s32 s2, $0x0  }
0xa9: {  	s3 =	rddreg [dreg:$0x2];
	[bflag:$0x3] =	sbarrier.arrive $0xFFFF;
	s2 =	simm.s32 @!p0 $0x1C03  }
0xaa: {  	[timem:s3], [sflag:s2] =	dma.local @!p0 [hbm:s0], s1  }
0xab: {  	s0 =	simm.s32 @!p0 $0x3  }
0xac: {  	_ =	swait.ge @!p0 [sflag:s0], s1  }
0xad: {  	s1 =	ssub.s32 @!p0 $0x0, s1;
	[sflag:s0] =	ssyncset.done @!p0 $0x0  }
0xae: {  	[sflag:s0] =	ssyncadd.s32 @!p0 s1  }
0xaf: {  	[bflag:$0x3] =	sbarrier.arrive $0xFFFF  }
0xb0: {  	_ =	shalt  }

</sc_bundles>
